<compile_context>
chip_gen: v7x
topology: tpu7x:2x2x1
jax: 0.10.2.dev20260603
libtpu: 0.0.44.dev20260713+nightly
codegen_flags: <defaults>
</compile_context>

<pallas_src>
import functools

import jax
import jax.numpy as jnp
import numpy as np
from jax import lax
from jax.experimental import pallas as pl
from jax.experimental.pallas import tpu as pltpu
from jax.experimental.pallas import tpu_sc as plsc

_B = 8
_T = 98432
_K = 256
_STRIDE = 128
_NUM_EMB = 1024
_D = 256
_N = 768
_FLAT = _B * _N
_NCHUNK = 4


def _tc_encode_body(x_ref, cb_ref, idx_ref):
    x = x_ref[0]
    a = x[0:_N, :]
    b = x[1:_N + 1, :]
    tokens = jnp.concatenate([a, b], axis=1)
    cb = cb_ref[...]
    cnorm = jnp.sum(cb * cb, axis=1, keepdims=True)
    prod = lax.dot_general(cb, tokens, (((1,), (1,)), ((), ())),
                           preferred_element_type=jnp.float32)
    scores = cnorm - 2.0 * prod
    m = jnp.min(scores, axis=0, keepdims=True)
    rows = lax.broadcasted_iota(jnp.int32, scores.shape, 0).astype(jnp.float32)
    idxf = jnp.min(jnp.where(scores <= m, rows, float(_NUM_EMB)), axis=0)
    idx_ref[0, 0, :] = idxf.astype(jnp.int32)


def _tc_encode(xr, cb):
    return pl.pallas_call(
        _tc_encode_body,
        grid=(_B,),
        in_specs=[
            pl.BlockSpec((1, _N + 1, _STRIDE), lambda i: (i, 0, 0)),
            pl.BlockSpec((_NUM_EMB, _K), lambda i: (0, 0)),
        ],
        out_specs=pl.BlockSpec((1, 1, _N), lambda i: (i, 0, 0)),
        out_shape=jax.ShapeDtypeStruct((_B, 1, _N), jnp.int32),
    )(xr, cb)


def _make_sc_gather():
    info = plsc.get_sparse_core_info()
    nc, ns = info.num_cores, info.num_subcores
    nw = nc * ns
    rows_per_w = _FLAT // nw
    chunk = rows_per_w // _NCHUNK
    mesh = plsc.VectorSubcoreMesh(core_axis_name="c", subcore_axis_name="s")

    @functools.partial(
        pl.kernel,
        mesh=mesh,
        out_type=jax.ShapeDtypeStruct((_FLAT, _D), jnp.float32),
        scratch_types=[
            pltpu.VMEM((rows_per_w,), jnp.int32),
            pltpu.VMEM((rows_per_w, _D), jnp.float32),
            pltpu.VMEM((rows_per_w, _D), jnp.float32),
            [pltpu.SemaphoreType.DMA] * _NCHUNK,
            pltpu.SemaphoreType.DMA,
            pltpu.SemaphoreType.DMA,
        ],
    )
    def sc_gather(emb_hbm, idx_hbm, pe_hbm, out_hbm,
                  idx_v, rows_v, pe_v, gsems, sem_pe, sem_out):
        w = lax.axis_index("s") * nc + lax.axis_index("c")
        base = w * rows_per_w
        pltpu.sync_copy(idx_hbm.at[pl.ds(base, rows_per_w)], idx_v)
        gathers = []
        for j in range(_NCHUNK):
            sl = pl.ds(j * chunk, chunk)
            gathers.append(pltpu.async_copy(
                emb_hbm.at[idx_v.at[sl]], rows_v.at[sl], gsems[j]))
        cpe = pltpu.async_copy(
            pe_hbm.at[pl.ds((w % (_N // rows_per_w)) * rows_per_w, rows_per_w)],
            pe_v, sem_pe)
        cpe.wait()
        writebacks = []
        for j in range(_NCHUNK):
            gathers[j].wait()

            @plsc.parallel_loop(j * chunk, (j + 1) * chunk, 1, unroll=2)
            def _(r):
                for c in range(_D // 16):
                    sl16 = pl.ds(c * 16, 16)
                    rows_v[r, sl16] = rows_v[r, sl16] + pe_v[r, sl16]

            sl = pl.ds(j * chunk, chunk)
            writebacks.append(pltpu.async_copy(
                rows_v.at[sl], out_hbm.at[pl.ds(base + j * chunk, chunk)],
                sem_out))
        for co in writebacks:
            co.wait()

    return sc_gather


def _positional_table():
    i = np.arange(_D // 2, dtype=np.float64)
    t = 1.0 / (10000.0 ** (2.0 * i / _D))
    pos = np.arange(_N, dtype=np.float64)[:, None] * _STRIDE
    s = np.sin(pos * t[None, :])
    c = np.cos(pos * t[None, :])
    pe = np.stack([s, c], axis=1)
    pe = np.transpose(pe, (0, 2, 1)).reshape(_N, _D)
    return jnp.asarray(pe.astype(np.float32))


def kernel(X, vq_codebook, emb_table):
    xr = X.reshape(_B, _N + 1, _STRIDE)
    idx3 = _tc_encode(xr, vq_codebook)
    sc_gather = _make_sc_gather()
    pe = _positional_table()
    out_flat = sc_gather(emb_table, idx3.reshape(_FLAT), pe)
    return out_flat.reshape(_B, _N, _D)

# --- scband reference (transcript-rebuilt; emitter-appended) ---
"""Pipeline reference for scband-audio-vqencoder-36172214567531 (READ-ONLY COPY).

The authoritative reference and input builder live on the scoring server;
editing this copy changes nothing except your own understanding.
"""

import jax, jax.numpy as jnp
import numpy as np

B = 8
C = 1
T = 98432
KSIZE = 256
STRIDE = 128
NUM_EMB = 1024
D = 256
MAX_TOK = 768
COMMIT = 0.25


def setup_inputs(seed: int = 0) -> dict:
    key = jax.random.key(seed)
    k1, k2, k3 = jax.random.split(key, 3)
    X = jax.random.normal(k1, (B, C, T), dtype=jnp.float32)
    vq_codebook = jax.random.normal(k2, (NUM_EMB, D), dtype=jnp.float32)
    emb_table = jax.random.uniform(k3, (NUM_EMB, D), minval=-1.0 / NUM_EMB, maxval=1.0 / NUM_EMB, dtype=jnp.float32)
    return {"X": X, "vq_codebook": vq_codebook, "emb_table": emb_table}


def _positional_encoding(n, d, stride):
    # pe[pos, 2i] = sin(pos*stride * t_i), pe[pos, 2i+1] = cos(...), interleaved per 'p c d -> p (d c)'
    i = jnp.arange(d // 2, dtype=jnp.float32)
    t = 1.0 / (10000.0 ** (2.0 * i / d))  # (d/2,)
    pos = jnp.arange(n, dtype=jnp.float32)[:, None] * stride  # sample-type positional encoding
    s = jnp.sin(pos * t[None, :])
    c = jnp.cos(pos * t[None, :])
    pe = jnp.stack([s, c], axis=1)  # (n, 2, d/2)
    pe = jnp.transpose(pe, (0, 2, 1)).reshape(n, d)  # (n, d), interleave sin/cos
    return pe


def reference(X, vq_codebook, emb_table):
    # SpeechSegmentSelector: frame the waveform into overlapping segments (tokens)
    n = min((T - KSIZE) // STRIDE + 1, MAX_TOK)
    starts = jnp.arange(n) * STRIDE
    idx = starts[:, None] + jnp.arange(KSIZE)[None, :]  # (n, KSIZE)
    tokens = X[:, 0, :][:, idx]  # gather -> (B, n, KSIZE)

    # VectorQuantizer (euclidean): nearest-codebook assignment
    flat = tokens.reshape(-1, KSIZE)  # (B*n, D)
    d2 = (jnp.sum(flat ** 2, axis=1, keepdims=True)
          + jnp.sum(vq_codebook ** 2, axis=1)[None, :]
          - 2.0 * flat @ vq_codebook.T)  # (B*n, K)
    indices = jnp.argmin(d2, axis=1).reshape(B, n)  # encoding indices

    # nn.Embedding lookup on codes
    enc = jnp.take(emb_table, indices, axis=0)  # (B, n, D)

    # add sinusoidal positional encoding ('sample' type)
    pe = _positional_encoding(n, D, STRIDE)
    return enc + pe[None, :, :]

if __name__ == "__main__":
    import jax
    _d = setup_inputs()
    print(jax.jit(kernel)(*tuple(_d.values())))

</pallas_src>

<mosaic_0001>
#map = affine_map<(d0, d1) -> (0, 0)>
#map1 = affine_map<(d0, d1) -> (0)>
module attributes {stable_mosaic.version = 14 : i64} {
  func.func @sc_gather(%arg0: i32, %arg1: i32, %arg2: memref<1024x256xf32, #tpu.memory_space<hbm>>, %arg3: memref<6144xi32, #tpu.memory_space<hbm>>, %arg4: memref<768x256xf32, #tpu.memory_space<hbm>>, %arg5: memref<6144x256xf32, #tpu.memory_space<hbm>>, %arg6: memref<192xi32, #tpu.memory_space<vmem>>, %arg7: memref<192x256xf32, #tpu.memory_space<vmem>>, %arg8: memref<192x256xf32, #tpu.memory_space<vmem>>, %arg9: memref<!tpu.dma_semaphore, #tpu.memory_space<semaphore_mem>>, %arg10: memref<!tpu.dma_semaphore, #tpu.memory_space<semaphore_mem>>, %arg11: memref<!tpu.dma_semaphore, #tpu.memory_space<semaphore_mem>>, %arg12: memref<!tpu.dma_semaphore, #tpu.memory_space<semaphore_mem>>, %arg13: memref<!tpu.dma_semaphore, #tpu.memory_space<semaphore_mem>>, %arg14: memref<!tpu.dma_semaphore, #tpu.memory_space<semaphore_mem>>) attributes {dimension_semantics = [#tpu.dimension_semantics<core_parallel>, #tpu.dimension_semantics<subcore_parallel>], iteration_bounds = array<i64: 2, 16>, scalar_prefetch = 0 : i64, scratch_operands = 9 : i64, tpu.core_type = #tpu.core_type<sc_vector_subcore>, window_params = [{transform_indices = #map}, {transform_indices = #map1}, {transform_indices = #map}, {transform_indices = #map}]} {
    %mul3A = arith.constant 2 : i32
    %mul3A_0 = arith.muli %arg1, %mul3A : i32
    %add3A = arith.addi %mul3A_0, %arg0 : i32
    %mul3A_1 = arith.constant 192 : i32
    %mul3A_2 = arith.muli %add3A, %mul3A_1 : i32
    "tpu.region"() ({
      %run_scoped3A = tpu.sem_alloc : memref<!tpu.dma_semaphore, #tpu.memory_space<semaphore_mem>>
      %dma_start3A_183 = tpu.memref_slice %arg3[%mul3A_2] : memref<6144xi32, #tpu.memory_space<hbm>> -> memref<192xi32, #tpu.memory_space<hbm>>
      %dma_start3A_184 = tpu.memref_slice %arg3[%mul3A_2] : memref<6144xi32, #tpu.memory_space<hbm>> -> memref<192xi32, #tpu.memory_space<hbm>>
      tpu.enqueue_dma source(%dma_start3A_184 : memref<192xi32, #tpu.memory_space<hbm>>) target(%arg6 : memref<192xi32, #tpu.memory_space<vmem>>) target_semaphore(%run_scoped3A : memref<!tpu.dma_semaphore, #tpu.memory_space<semaphore_mem>>)
      %dma_wait3A_185 = tpu.memref_slice %arg3[%mul3A_2] : memref<6144xi32, #tpu.memory_space<hbm>> -> memref<192xi32, #tpu.memory_space<hbm>>
      %dma_wait3A_186 = tpu.memref_slice %arg3[%mul3A_2] : memref<6144xi32, #tpu.memory_space<hbm>> -> memref<192xi32, #tpu.memory_space<hbm>>
      tpu.wait_dma2 semaphore(%run_scoped3A : memref<!tpu.dma_semaphore, #tpu.memory_space<semaphore_mem>>) src(%dma_wait3A_186 : memref<192xi32, #tpu.memory_space<hbm>>) dst(%arg6 : memref<192xi32, #tpu.memory_space<vmem>>)
      tpu.yield
    }) : () -> ()
    %dma_start3A = arith.constant 0 : i32
    %dma_start3A_3 = arith.constant 0 : i32
    %dma_start3A_4 = tpu.memref_slice %arg7[%dma_start3A, %dma_start3A_3] : memref<192x256xf32, #tpu.memory_space<vmem>> -> memref<48x256xf32, #tpu.memory_space<vmem>>
    %dma_start3A_5 = arith.constant 0 : i32
    %dma_start3A_6 = tpu.memref_slice %arg6[%dma_start3A_5] : memref<192xi32, #tpu.memory_space<vmem>> -> memref<48xi32, #tpu.memory_space<vmem>>
    %dma_start3A_7 = arith.constant 0 : i32
    %dma_start3A_8 = arith.constant 0 : i32
    %dma_start3A_9 = tpu.memref_slice %arg2[%dma_start3A_7, %dma_start3A_8] : memref<1024x256xf32, #tpu.memory_space<hbm>> -> memref<1024x256xf32, #tpu.memory_space<hbm>>
    tpu.enqueue_indirect_dma source(%dma_start3A_9 : memref<1024x256xf32, #tpu.memory_space<hbm>>) target(%dma_start3A_4 : memref<48x256xf32, #tpu.memory_space<vmem>>) offsets(%dma_start3A_6 : memref<48xi32, #tpu.memory_space<vmem>>) semaphore(%arg9 : memref<!tpu.dma_semaphore, #tpu.memory_space<semaphore_mem>>)
    %dma_start3A_10 = arith.constant 48 : i32
    %dma_start3A_11 = arith.constant 0 : i32
    %dma_start3A_12 = tpu.memref_slice %arg7[%dma_start3A_10, %dma_start3A_11] : memref<192x256xf32, #tpu.memory_space<vmem>> -> memref<48x256xf32, #tpu.memory_space<vmem>>
    %dma_start3A_13 = arith.constant 48 : i32
    %dma_start3A_14 = tpu.memref_slice %arg6[%dma_start3A_13] : memref<192xi32, #tpu.memory_space<vmem>> -> memref<48xi32, #tpu.memory_space<vmem>>
    %dma_start3A_15 = arith.constant 0 : i32
    %dma_start3A_16 = arith.constant 0 : i32
    %dma_start3A_17 = tpu.memref_slice %arg2[%dma_start3A_15, %dma_start3A_16] : memref<1024x256xf32, #tpu.memory_space<hbm>> -> memref<1024x256xf32, #tpu.memory_space<hbm>>
    tpu.enqueue_indirect_dma source(%dma_start3A_17 : memref<1024x256xf32, #tpu.memory_space<hbm>>) target(%dma_start3A_12 : memref<48x256xf32, #tpu.memory_space<vmem>>) offsets(%dma_start3A_14 : memref<48xi32, #tpu.memory_space<vmem>>) semaphore(%arg10 : memref<!tpu.dma_semaphore, #tpu.memory_space<semaphore_mem>>)
    %dma_start3A_18 = arith.constant 96 : i32
    %dma_start3A_19 = arith.constant 0 : i32
    %dma_start3A_20 = tpu.memref_slice %arg7[%dma_start3A_18, %dma_start3A_19] : memref<192x256xf32, #tpu.memory_space<vmem>> -> memref<48x256xf32, #tpu.memory_space<vmem>>
    %dma_start3A_21 = arith.constant 96 : i32
    %dma_start3A_22 = tpu.memref_slice %arg6[%dma_start3A_21] : memref<192xi32, #tpu.memory_space<vmem>> -> memref<48xi32, #tpu.memory_space<vmem>>
    %dma_start3A_23 = arith.constant 0 : i32
    %dma_start3A_24 = arith.constant 0 : i32
    %dma_start3A_25 = tpu.memref_slice %arg2[%dma_start3A_23, %dma_start3A_24] : memref<1024x256xf32, #tpu.memory_space<hbm>> -> memref<1024x256xf32, #tpu.memory_space<hbm>>
    tpu.enqueue_indirect_dma source(%dma_start3A_25 : memref<1024x256xf32, #tpu.memory_space<hbm>>) target(%dma_start3A_20 : memref<48x256xf32, #tpu.memory_space<vmem>>) offsets(%dma_start3A_22 : memref<48xi32, #tpu.memory_space<vmem>>) semaphore(%arg11 : memref<!tpu.dma_semaphore, #tpu.memory_space<semaphore_mem>>)
    %dma_start3A_26 = arith.constant 144 : i32
    %dma_start3A_27 = arith.constant 0 : i32
    %dma_start3A_28 = tpu.memref_slice %arg7[%dma_start3A_26, %dma_start3A_27] : memref<192x256xf32, #tpu.memory_space<vmem>> -> memref<48x256xf32, #tpu.memory_space<vmem>>
    %dma_start3A_29 = arith.constant 144 : i32
    %dma_start3A_30 = tpu.memref_slice %arg6[%dma_start3A_29] : memref<192xi32, #tpu.memory_space<vmem>> -> memref<48xi32, #tpu.memory_space<vmem>>
    %dma_start3A_31 = arith.constant 0 : i32
    %dma_start3A_32 = arith.constant 0 : i32
    %dma_start3A_33 = tpu.memref_slice %arg2[%dma_start3A_31, %dma_start3A_32] : memref<1024x256xf32, #tpu.memory_space<hbm>> -> memref<1024x256xf32, #tpu.memory_space<hbm>>
    tpu.enqueue_indirect_dma source(%dma_start3A_33 : memref<1024x256xf32, #tpu.memory_space<hbm>>) target(%dma_start3A_28 : memref<48x256xf32, #tpu.memory_space<vmem>>) offsets(%dma_start3A_30 : memref<48xi32, #tpu.memory_space<vmem>>) semaphore(%arg12 : memref<!tpu.dma_semaphore, #tpu.memory_space<semaphore_mem>>)
    %jit3A = arith.constant 4 : i32
    %eq3A = arith.constant 0 : i32
    %eq3A_34 = arith.cmpi eq, %jit3A, %eq3A : i32
    %jit3A_35 = arith.constant 1 : i32
    %select_n3A = arith.select %eq3A_34, %jit3A_35, %jit3A : i32
    %rem3A = arith.remsi %add3A, %select_n3A : i32
    %ne3A = arith.constant 0 : i32
    %ne3A_36 = arith.cmpi ne, %rem3A, %ne3A : i32
    %lt3A = arith.constant 0 : i32
    %lt3A_37 = arith.cmpi slt, %rem3A, %lt3A : i32
    %lt3A_38 = arith.constant 0 : i32
    %lt3A_39 = arith.cmpi slt, %select_n3A, %lt3A_38 : i32
    %ne3A_40 = arith.xori %lt3A_37, %lt3A_39 : i1
    %and3A = arith.andi %ne3A_40, %ne3A_36 : i1
    %add3A_41 = arith.addi %rem3A, %select_n3A : i32
    %select_n3A_42 = arith.select %and3A, %add3A_41, %rem3A : i32
    %mul3A_43 = arith.constant 192 : i32
    %mul3A_44 = arith.muli %select_n3A_42, %mul3A_43 : i32
    %dma_start3A_45 = arith.constant 0 : i32
    %dma_start3A_46 = tpu.memref_slice %arg4[%mul3A_44, %dma_start3A_45] : memref<768x256xf32, #tpu.memory_space<hbm>> -> memref<192x256xf32, #tpu.memory_space<hbm>>
    %dma_start3A_47 = arith.constant 0 : i32
    %dma_start3A_48 = tpu.memref_slice %arg4[%mul3A_44, %dma_start3A_47] : memref<768x256xf32, #tpu.memory_space<hbm>> -> memref<192x256xf32, #tpu.memory_space<hbm>>
    tpu.enqueue_dma source(%dma_start3A_48 : memref<192x256xf32, #tpu.memory_space<hbm>>) target(%arg8 : memref<192x256xf32, #tpu.memory_space<vmem>>) target_semaphore(%arg13 : memref<!tpu.dma_semaphore, #tpu.memory_space<semaphore_mem>>)
    %dma_wait3A = arith.constant 0 : i32
    %dma_wait3A_49 = tpu.memref_slice %arg4[%mul3A_44, %dma_wait3A] : memref<768x256xf32, #tpu.memory_space<hbm>> -> memref<192x256xf32, #tpu.memory_space<hbm>>
    %dma_wait3A_50 = arith.constant 0 : i32
    %dma_wait3A_51 = tpu.memref_slice %arg4[%mul3A_44, %dma_wait3A_50] : memref<768x256xf32, #tpu.memory_space<hbm>> -> memref<192x256xf32, #tpu.memory_space<hbm>>
    tpu.wait_dma2 semaphore(%arg13 : memref<!tpu.dma_semaphore, #tpu.memory_space<semaphore_mem>>) src(%dma_wait3A_51 : memref<192x256xf32, #tpu.memory_space<hbm>>) dst(%arg8 : memref<192x256xf32, #tpu.memory_space<vmem>>)
    %dma_wait3A_52 = arith.constant 0 : i32
    %dma_wait3A_53 = arith.constant 0 : i32
    %dma_wait3A_54 = tpu.memref_slice %arg7[%dma_wait3A_52, %dma_wait3A_53] : memref<192x256xf32, #tpu.memory_space<vmem>> -> memref<48x256xf32, #tpu.memory_space<vmem>>
    %dma_wait3A_55 = arith.constant 0 : i32
    %dma_wait3A_56 = tpu.memref_slice %arg6[%dma_wait3A_55] : memref<192xi32, #tpu.memory_space<vmem>> -> memref<48xi32, #tpu.memory_space<vmem>>
    %dma_wait3A_57 = arith.constant 0 : i32
    %dma_wait3A_58 = arith.constant 0 : i32
    %dma_wait3A_59 = tpu.memref_slice %arg2[%dma_wait3A_57, %dma_wait3A_58] : memref<1024x256xf32, #tpu.memory_space<hbm>> -> memref<1024x256xf32, #tpu.memory_space<hbm>>
    tpu.wait_indirect_dma semaphore(%arg9 : memref<!tpu.dma_semaphore, #tpu.memory_space<semaphore_mem>>) src(%dma_wait3A_59 : memref<1024x256xf32, #tpu.memory_space<hbm>>) dst(%dma_wait3A_54 : memref<48x256xf32, #tpu.memory_space<vmem>>)
    %parallel_loop3A = arith.constant 0 : i32
    %parallel_loop3A_60 = arith.constant 48 : i32
    %parallel_loop3A_61 = arith.constant 1 : i32
    scf.for %parallel_loop3A_183 = %parallel_loop3A to %parallel_loop3A_60 step %parallel_loop3A_61  : i32 {
      %parallel_loop3A_184 = arith.index_cast %parallel_loop3A_183 : i32 to index
      %parallel_loop3A_185 = arith.constant 0 : index
      %parallel_loop3A_186 = tpu.vector_load %arg7[%parallel_loop3A_184, %parallel_loop3A_185] {strides = array<i32>} : memref<192x256xf32, #tpu.memory_space<vmem>>, vector<1x16xf32>,
      %parallel_loop3A_187 = vector.shape_cast %parallel_loop3A_186 : vector<1x16xf32> to vector<16xf32>
      %parallel_loop3A_188 = arith.index_cast %parallel_loop3A_183 : i32 to index
      %parallel_loop3A_189 = arith.constant 0 : index
      %parallel_loop3A_190 = tpu.vector_load %arg8[%parallel_loop3A_188, %parallel_loop3A_189] {strides = array<i32>} : memref<192x256xf32, #tpu.memory_space<vmem>>, vector<1x16xf32>,
      %parallel_loop3A_191 = vector.shape_cast %parallel_loop3A_190 : vector<1x16xf32> to vector<16xf32>
      %parallel_loop3A_192 = arith.addf %parallel_loop3A_187, %parallel_loop3A_191 : vector<16xf32>
      %parallel_loop3A_193 = arith.index_cast %parallel_loop3A_183 : i32 to index
      %parallel_loop3A_194 = arith.constant 0 : index
      %parallel_loop3A_195 = tpu.vector_load %arg7[%parallel_loop3A_193, %parallel_loop3A_194] {strides = array<i32>} : memref<192x256xf32, #tpu.memory_space<vmem>>, vector<1x16xf32>,
      %parallel_loop3A_196 = vector.shape_cast %parallel_loop3A_195 : vector<1x16xf32> to vector<16xf32>
      %parallel_loop3A_197 = vector.shape_cast %parallel_loop3A_192 : vector<16xf32> to vector<1x16xf32>
      tpu.vector_store %arg7[%parallel_loop3A_193, %parallel_loop3A_194], %parallel_loop3A_197 {strides = array<i32>} : memref<192x256xf32, #tpu.memory_space<vmem>>, vector<1x16xf32>,
      %parallel_loop3A_198 = arith.index_cast %parallel_loop3A_183 : i32 to index
      %parallel_loop3A_199 = arith.constant 16 : index
      %parallel_loop3A_200 = tpu.vector_load %arg7[%parallel_loop3A_198, %parallel_loop3A_199] {strides = array<i32>} : memref<192x256xf32, #tpu.memory_space<vmem>>, vector<1x16xf32>,
      %parallel_loop3A_201 = vector.shape_cast %parallel_loop3A_200 : vector<1x16xf32> to vector<16xf32>
      %parallel_loop3A_202 = arith.index_cast %parallel_loop3A_183 : i32 to index
      %parallel_loop3A_203 = arith.constant 16 : index
      %parallel_loop3A_204 = tpu.vector_load %arg8[%parallel_loop3A_202, %parallel_loop3A_203] {strides = array<i32>} : memref<192x256xf32, #tpu.memory_space<vmem>>, vector<1x16xf32>,
      %parallel_loop3A_205 = vector.shape_cast %parallel_loop3A_204 : vector<1x16xf32> to vector<16xf32>
      %parallel_loop3A_206 = arith.addf %parallel_loop3A_201, %parallel_loop3A_205 : vector<16xf32>
      %parallel_loop3A_207 = arith.index_cast %parallel_loop3A_183 : i32 to index
      %parallel_loop3A_208 = arith.constant 16 : index
      %parallel_loop3A_209 = tpu.vector_load %arg7[%parallel_loop3A_207, %parallel_loop3A_208] {strides = array<i32>} : memref<192x256xf32, #tpu.memory_space<vmem>>, vector<1x16xf32>,
      %parallel_loop3A_210 = vector.shape_cast %parallel_loop3A_209 : vector<1x16xf32> to vector<16xf32>
      %parallel_loop3A_211 = vector.shape_cast %parallel_loop3A_206 : vector<16xf32> to vector<1x16xf32>
      tpu.vector_store %arg7[%parallel_loop3A_207, %parallel_loop3A_208], %parallel_loop3A_211 {strides = array<i32>} : memref<192x256xf32, #tpu.memory_space<vmem>>, vector<1x16xf32>,
      %parallel_loop3A_212 = arith.index_cast %parallel_loop3A_183 : i32 to index
      %parallel_loop3A_213 = arith.constant 32 : index
      %parallel_loop3A_214 = tpu.vector_load %arg7[%parallel_loop3A_212, %parallel_loop3A_213] {strides = array<i32>} : memref<192x256xf32, #tpu.memory_space<vmem>>, vector<1x16xf32>,
      %parallel_loop3A_215 = vector.shape_cast %parallel_loop3A_214 : vector<1x16xf32> to vector<16xf32>
      %parallel_loop3A_216 = arith.index_cast %parallel_loop3A_183 : i32 to index
      %parallel_loop3A_217 = arith.constant 32 : index
      %parallel_loop3A_218 = tpu.vector_load %arg8[%parallel_loop3A_216, %parallel_loop3A_217] {strides = array<i32>} : memref<192x256xf32, #tpu.memory_space<vmem>>, vector<1x16xf32>,
      %parallel_loop3A_219 = vector.shape_cast %parallel_loop3A_218 : vector<1x16xf32> to vector<16xf32>
      %parallel_loop3A_220 = arith.addf %parallel_loop3A_215, %parallel_loop3A_219 : vector<16xf32>
      %parallel_loop3A_221 = arith.index_cast %parallel_loop3A_183 : i32 to index
      %parallel_loop3A_222 = arith.constant 32 : index
      %parallel_loop3A_223 = tpu.vector_load %arg7[%parallel_loop3A_221, %parallel_loop3A_222] {strides = array<i32>} : memref<192x256xf32, #tpu.memory_space<vmem>>, vector<1x16xf32>,
      %parallel_loop3A_224 = vector.shape_cast %parallel_loop3A_223 : vector<1x16xf32> to vector<16xf32>
      %parallel_loop3A_225 = vector.shape_cast %parallel_loop3A_220 : vector<16xf32> to vector<1x16xf32>
      tpu.vector_store %arg7[%parallel_loop3A_221, %parallel_loop3A_222], %parallel_loop3A_225 {strides = array<i32>} : memref<192x256xf32, #tpu.memory_space<vmem>>, vector<1x16xf32>,
      %parallel_loop3A_226 = arith.index_cast %parallel_loop3A_183 : i32 to index
      %parallel_loop3A_227 = arith.constant 48 : index
      %parallel_loop3A_228 = tpu.vector_load %arg7[%parallel_loop3A_226, %parallel_loop3A_227] {strides = array<i32>} : memref<192x256xf32, #tpu.memory_space<vmem>>, vector<1x16xf32>,
      %parallel_loop3A_229 = vector.shape_cast %parallel_loop3A_228 : vector<1x16xf32> to vector<16xf32>
      %parallel_loop3A_230 = arith.index_cast %parallel_loop3A_183 : i32 to index
      %parallel_loop3A_231 = arith.constant 48 : index
      %parallel_loop3A_232 = tpu.vector_load %arg8[%parallel_loop3A_230, %parallel_loop3A_231] {strides = array<i32>} : memref<192x256xf32, #tpu.memory_space<vmem>>, vector<1x16xf32>,
      %parallel_loop3A_233 = vector.shape_cast %parallel_loop3A_232 : vector<1x16xf32> to vector<16xf32>
      %parallel_loop3A_234 = arith.addf %parallel_loop3A_229, %parallel_loop3A_233 : vector<16xf32>
      %parallel_loop3A_235 = arith.index_cast %parallel_loop3A_183 : i32 to index
      %parallel_loop3A_236 = arith.constant 48 : index
      %parallel_loop3A_237 = tpu.vector_load %arg7[%parallel_loop3A_235, %parallel_loop3A_236] {strides = array<i32>} : memref<192x256xf32, #tpu.memory_space<vmem>>, vector<1x16xf32>,
      %parallel_loop3A_238 = vector.shape_cast %parallel_loop3A_237 : vector<1x16xf32> to vector<16xf32>
      %parallel_loop3A_239 = vector.shape_cast %parallel_loop3A_234 : vector<16xf32> to vector<1x16xf32>
      tpu.vector_store %arg7[%parallel_loop3A_235, %parallel_loop3A_236], %parallel_loop3A_239 {strides = array<i32>} : memref<192x256xf32, #tpu.memory_space<vmem>>, vector<1x16xf32>,
      %parallel_loop3A_240 = arith.index_cast %parallel_loop3A_183 : i32 to index
      %parallel_loop3A_241 = arith.constant 64 : index
      %parallel_loop3A_242 = tpu.vector_load %arg7[%parallel_loop3A_240, %parallel_loop3A_241] {strides = array<i32>} : memref<192x256xf32, #tpu.memory_space<vmem>>, vector<1x16xf32>,
      %parallel_loop3A_243 = vector.shape_cast %parallel_loop3A_242 : vector<1x16xf32> to vector<16xf32>
      %parallel_loop3A_244 = arith.index_cast %parallel_loop3A_183 : i32 to index
      %parallel_loop3A_245 = arith.constant 64 : index
      %parallel_loop3A_246 = tpu.vector_load %arg8[%parallel_loop3A_244, %parallel_loop3A_245] {strides = array<i32>} : memref<192x256xf32, #tpu.memory_space<vmem>>, vector<1x16xf32>,
      %parallel_loop3A_247 = vector.shape_cast %parallel_loop3A_246 : vector<1x16xf32> to vector<16xf32>
      %parallel_loop3A_248 = arith.addf %parallel_loop3A_243, %parallel_loop3A_247 : vector<16xf32>
      %parallel_loop3A_249 = arith.index_cast %parallel_loop3A_183 : i32 to index
      %parallel_loop3A_250 = arith.constant 64 : index
      %parallel_loop3A_251 = tpu.vector_load %arg7[%parallel_loop3A_249, %parallel_loop3A_250] {strides = array<i32>} : memref<192x256xf32, #tpu.memory_space<vmem>>, vector<1x16xf32>,
      %parallel_loop3A_252 = vector.shape_cast %parallel_loop3A_251 : vector<1x16xf32> to vector<16xf32>
      %parallel_loop3A_253 = vector.shape_cast %parallel_loop3A_248 : vector<16xf32> to vector<1x16xf32>
      tpu.vector_store %arg7[%parallel_loop3A_249, %parallel_loop3A_250], %parallel_loop3A_253 {strides = array<i32>} : memref<192x256xf32, #tpu.memory_space<vmem>>, vector<1x16xf32>,
      %parallel_loop3A_254 = arith.index_cast %parallel_loop3A_183 : i32 to index
      %parallel_loop3A_255 = arith.constant 80 : index
      %parallel_loop3A_256 = tpu.vector_load %arg7[%parallel_loop3A_254, %parallel_loop3A_255] {strides = array<i32>} : memref<192x256xf32, #tpu.memory_space<vmem>>, vector<1x16xf32>,
      %parallel_loop3A_257 = vector.shape_cast %parallel_loop3A_256 : vector<1x16xf32> to vector<16xf32>
      %parallel_loop3A_258 = arith.index_cast %parallel_loop3A_183 : i32 to index
      %parallel_loop3A_259 = arith.constant 80 : index
      %parallel_loop3A_260 = tpu.vector_load %arg8[%parallel_loop3A_258, %parallel_loop3A_259] {strides = array<i32>} : memref<192x256xf32, #tpu.memory_space<vmem>>, vector<1x16xf32>,
      %parallel_loop3A_261 = vector.shape_cast %parallel_loop3A_260 : vector<1x16xf32> to vector<16xf32>
      %parallel_loop3A_262 = arith.addf %parallel_loop3A_257, %parallel_loop3A_261 : vector<16xf32>
      %parallel_loop3A_263 = arith.index_cast %parallel_loop3A_183 : i32 to index
      %parallel_loop3A_264 = arith.constant 80 : index
      %parallel_loop3A_265 = tpu.vector_load %arg7[%parallel_loop3A_263, %parallel_loop3A_264] {strides = array<i32>} : memref<192x256xf32, #tpu.memory_space<vmem>>, vector<1x16xf32>,
      %parallel_loop3A_266 = vector.shape_cast %parallel_loop3A_265 : vector<1x16xf32> to vector<16xf32>
      %parallel_loop3A_267 = vector.shape_cast %parallel_loop3A_262 : vector<16xf32> to vector<1x16xf32>
      tpu.vector_store %arg7[%parallel_loop3A_263, %parallel_loop3A_264], %parallel_loop3A_267 {strides = array<i32>} : memref<192x256xf32, #tpu.memory_space<vmem>>, vector<1x16xf32>,
      %parallel_loop3A_268 = arith.index_cast %parallel_loop3A_183 : i32 to index
      %parallel_loop3A_269 = arith.constant 96 : index
      %parallel_loop3A_270 = tpu.vector_load %arg7[%parallel_loop3A_268, %parallel_loop3A_269] {strides = array<i32>} : memref<192x256xf32, #tpu.memory_space<vmem>>, vector<1x16xf32>,
      %parallel_loop3A_271 = vector.shape_cast %parallel_loop3A_270 : vector<1x16xf32> to vector<16xf32>
      %parallel_loop3A_272 = arith.index_cast %parallel_loop3A_183 : i32 to index
      %parallel_loop3A_273 = arith.constant 96 : index
      %parallel_loop3A_274 = tpu.vector_load %arg8[%parallel_loop3A_272, %parallel_loop3A_273] {strides = array<i32>} : memref<192x256xf32, #tpu.memory_space<vmem>>, vector<1x16xf32>,
      %parallel_loop3A_275 = vector.shape_cast %parallel_loop3A_274 : vector<1x16xf32> to vector<16xf32>
      %parallel_loop3A_276 = arith.addf %parallel_loop3A_271, %parallel_loop3A_275 : vector<16xf32>
      %parallel_loop3A_277 = arith.index_cast %parallel_loop3A_183 : i32 to index
      %parallel_loop3A_278 = arith.constant 96 : index
      %parallel_loop3A_279 = tpu.vector_load %arg7[%parallel_loop3A_277, %parallel_loop3A_278] {strides = array<i32>} : memref<192x256xf32, #tpu.memory_space<vmem>>, vector<1x16xf32>,
      %parallel_loop3A_280 = vector.shape_cast %parallel_loop3A_279 : vector<1x16xf32> to vector<16xf32>
      %parallel_loop3A_281 = vector.shape_cast %parallel_loop3A_276 : vector<16xf32> to vector<1x16xf32>
      tpu.vector_store %arg7[%parallel_loop3A_277, %parallel_loop3A_278], %parallel_loop3A_281 {strides = array<i32>} : memref<192x256xf32, #tpu.memory_space<vmem>>, vector<1x16xf32>,
      %parallel_loop3A_282 = arith.index_cast %parallel_loop3A_183 : i32 to index
      %parallel_loop3A_283 = arith.constant 112 : index
      %parallel_loop3A_284 = tpu.vector_load %arg7[%parallel_loop3A_282, %parallel_loop3A_283] {strides = array<i32>} : memref<192x256xf32, #tpu.memory_space<vmem>>, vector<1x16xf32>,
      %parallel_loop3A_285 = vector.shape_cast %parallel_loop3A_284 : vector<1x16xf32> to vector<16xf32>
      %parallel_loop3A_286 = arith.index_cast %parallel_loop3A_183 : i32 to index
      %parallel_loop3A_287 = arith.constant 112 : index
      %parallel_loop3A_288 = tpu.vector_load %arg8[%parallel_loop3A_286, %parallel_loop3A_287] {strides = array<i32>} : memref<192x256xf32, #tpu.memory_space<vmem>>, vector<1x16xf32>,
      %parallel_loop3A_289 = vector.shape_cast %parallel_loop3A_288 : vector<1x16xf32> to vector<16xf32>
      %parallel_loop3A_290 = arith.addf %parallel_loop3A_285, %parallel_loop3A_289 : vector<16xf32>
      %parallel_loop3A_291 = arith.index_cast %parallel_loop3A_183 : i32 to index
      %parallel_loop3A_292 = arith.constant 112 : index
      %parallel_loop3A_293 = tpu.vector_load %arg7[%parallel_loop3A_291, %parallel_loop3A_292] {strides = array<i32>} : memref<192x256xf32, #tpu.memory_space<vmem>>, vector<1x16xf32>,
      %parallel_loop3A_294 = vector.shape_cast %parallel_loop3A_293 : vector<1x16xf32> to vector<16xf32>
      %parallel_loop3A_295 = vector.shape_cast %parallel_loop3A_290 : vector<16xf32> to vector<1x16xf32>
      tpu.vector_store %arg7[%parallel_loop3A_291, %parallel_loop3A_292], %parallel_loop3A_295 {strides = array<i32>} : memref<192x256xf32, #tpu.memory_space<vmem>>, vector<1x16xf32>,
      %parallel_loop3A_296 = arith.index_cast %parallel_loop3A_183 : i32 to index
      %parallel_loop3A_297 = arith.constant 128 : index
      %parallel_loop3A_298 = tpu.vector_load %arg7[%parallel_loop3A_296, %parallel_loop3A_297] {strides = array<i32>} : memref<192x256xf32, #tpu.memory_space<vmem>>, vector<1x16xf32>,
      %parallel_loop3A_299 = vector.shape_cast %parallel_loop3A_298 : vector<1x16xf32> to vector<16xf32>
      %parallel_loop3A_300 = arith.index_cast %parallel_loop3A_183 : i32 to index
      %parallel_loop3A_301 = arith.constant 128 : index
      %parallel_loop3A_302 = tpu.vector_load %arg8[%parallel_loop3A_300, %parallel_loop3A_301] {strides = array<i32>} : memref<192x256xf32, #tpu.memory_space<vmem>>, vector<1x16xf32>,
      %parallel_loop3A_303 = vector.shape_cast %parallel_loop3A_302 : vector<1x16xf32> to vector<16xf32>
      %parallel_loop3A_304 = arith.addf %parallel_loop3A_299, %parallel_loop3A_303 : vector<16xf32>
      %parallel_loop3A_305 = arith.index_cast %parallel_loop3A_183 : i32 to index
      %parallel_loop3A_306 = arith.constant 128 : index
      %parallel_loop3A_307 = tpu.vector_load %arg7[%parallel_loop3A_305, %parallel_loop3A_306] {strides = array<i32>} : memref<192x256xf32, #tpu.memory_space<vmem>>, vector<1x16xf32>,
      %parallel_loop3A_308 = vector.shape_cast %parallel_loop3A_307 : vector<1x16xf32> to vector<16xf32>
      %parallel_loop3A_309 = vector.shape_cast %parallel_loop3A_304 : vector<16xf32> to vector<1x16xf32>
      tpu.vector_store %arg7[%parallel_loop3A_305, %parallel_loop3A_306], %parallel_loop3A_309 {strides = array<i32>} : memref<192x256xf32, #tpu.memory_space<vmem>>, vector<1x16xf32>,
      %parallel_loop3A_310 = arith.index_cast %parallel_loop3A_183 : i32 to index
      %parallel_loop3A_311 = arith.constant 144 : index
      %parallel_loop3A_312 = tpu.vector_load %arg7[%parallel_loop3A_310, %parallel_loop3A_311] {strides = array<i32>} : memref<192x256xf32, #tpu.memory_space<vmem>>, vector<1x16xf32>,
      %parallel_loop3A_313 = vector.shape_cast %parallel_loop3A_312 : vector<1x16xf32> to vector<16xf32>
      %parallel_loop3A_314 = arith.index_cast %parallel_loop3A_183 : i32 to index
      %parallel_loop3A_315 = arith.constant 144 : index
      %parallel_loop3A_316 = tpu.vector_load %arg8[%parallel_loop3A_314, %parallel_loop3A_315] {strides = array<i32>} : memref<192x256xf32, #tpu.memory_space<vmem>>, vector<1x16xf32>,
      %parallel_loop3A_317 = vector.shape_cast %parallel_loop3A_316 : vector<1x16xf32> to vector<16xf32>
      %parallel_loop3A_318 = arith.addf %parallel_loop3A_313, %parallel_loop3A_317 : vector<16xf32>
      %parallel_loop3A_319 = arith.index_cast %parallel_loop3A_183 : i32 to index
      %parallel_loop3A_320 = arith.constant 144 : index
      %parallel_loop3A_321 = tpu.vector_load %arg7[%parallel_loop3A_319, %parallel_loop3A_320] {strides = array<i32>} : memref<192x256xf32, #tpu.memory_space<vmem>>, vector<1x16xf32>,
      %parallel_loop3A_322 = vector.shape_cast %parallel_loop3A_321 : vector<1x16xf32> to vector<16xf32>
      %parallel_loop3A_323 = vector.shape_cast %parallel_loop3A_318 : vector<16xf32> to vector<1x16xf32>
      tpu.vector_store %arg7[%parallel_loop3A_319, %parallel_loop3A_320], %parallel_loop3A_323 {strides = array<i32>} : memref<192x256xf32, #tpu.memory_space<vmem>>, vector<1x16xf32>,
      %parallel_loop3A_324 = arith.index_cast %parallel_loop3A_183 : i32 to index
      %parallel_loop3A_325 = arith.constant 160 : index
      %parallel_loop3A_326 = tpu.vector_load %arg7[%parallel_loop3A_324, %parallel_loop3A_325] {strides = array<i32>} : memref<192x256xf32, #tpu.memory_space<vmem>>, vector<1x16xf32>,
      %parallel_loop3A_327 = vector.shape_cast %parallel_loop3A_326 : vector<1x16xf32> to vector<16xf32>
      %parallel_loop3A_328 = arith.index_cast %parallel_loop3A_183 : i32 to index
      %parallel_loop3A_329 = arith.constant 160 : index
      %parallel_loop3A_330 = tpu.vector_load %arg8[%parallel_loop3A_328, %parallel_loop3A_329] {strides = array<i32>} : memref<192x256xf32, #tpu.memory_space<vmem>>, vector<1x16xf32>,
      %parallel_loop3A_331 = vector.shape_cast %parallel_loop3A_330 : vector<1x16xf32> to vector<16xf32>
      %parallel_loop3A_332 = arith.addf %parallel_loop3A_327, %parallel_loop3A_331 : vector<16xf32>
      %parallel_loop3A_333 = arith.index_cast %parallel_loop3A_183 : i32 to index
      %parallel_loop3A_334 = arith.constant 160 : index
      %parallel_loop3A_335 = tpu.vector_load %arg7[%parallel_loop3A_333, %parallel_loop3A_334] {strides = array<i32>} : memref<192x256xf32, #tpu.memory_space<vmem>>, vector<1x16xf32>,
      %parallel_loop3A_336 = vector.shape_cast %parallel_loop3A_335 : vector<1x16xf32> to vector<16xf32>
      %parallel_loop3A_337 = vector.shape_cast %parallel_loop3A_332 : vector<16xf32> to vector<1x16xf32>
      tpu.vector_store %arg7[%parallel_loop3A_333, %parallel_loop3A_334], %parallel_loop3A_337 {strides = array<i32>} : memref<192x256xf32, #tpu.memory_space<vmem>>, vector<1x16xf32>,
      %parallel_loop3A_338 = arith.index_cast %parallel_loop3A_183 : i32 to index
      %parallel_loop3A_339 = arith.constant 176 : index
      %parallel_loop3A_340 = tpu.vector_load %arg7[%parallel_loop3A_338, %parallel_loop3A_339] {strides = array<i32>} : memref<192x256xf32, #tpu.memory_space<vmem>>, vector<1x16xf32>,
      %parallel_loop3A_341 = vector.shape_cast %parallel_loop3A_340 : vector<1x16xf32> to vector<16xf32>
      %parallel_loop3A_342 = arith.index_cast %parallel_loop3A_183 : i32 to index
      %parallel_loop3A_343 = arith.constant 176 : index
      %parallel_loop3A_344 = tpu.vector_load %arg8[%parallel_loop3A_342, %parallel_loop3A_343] {strides = array<i32>} : memref<192x256xf32, #tpu.memory_space<vmem>>, vector<1x16xf32>,
      %parallel_loop3A_345 = vector.shape_cast %parallel_loop3A_344 : vector<1x16xf32> to vector<16xf32>
      %parallel_loop3A_346 = arith.addf %parallel_loop3A_341, %parallel_loop3A_345 : vector<16xf32>
      %parallel_loop3A_347 = arith.index_cast %parallel_loop3A_183 : i32 to index
      %parallel_loop3A_348 = arith.constant 176 : index
      %parallel_loop3A_349 = tpu.vector_load %arg7[%parallel_loop3A_347, %parallel_loop3A_348] {strides = array<i32>} : memref<192x256xf32, #tpu.memory_space<vmem>>, vector<1x16xf32>,
      %parallel_loop3A_350 = vector.shape_cast %parallel_loop3A_349 : vector<1x16xf32> to vector<16xf32>
      %parallel_loop3A_351 = vector.shape_cast %parallel_loop3A_346 : vector<16xf32> to vector<1x16xf32>
      tpu.vector_store %arg7[%parallel_loop3A_347, %parallel_loop3A_348], %parallel_loop3A_351 {strides = array<i32>} : memref<192x256xf32, #tpu.memory_space<vmem>>, vector<1x16xf32>,
      %parallel_loop3A_352 = arith.index_cast %parallel_loop3A_183 : i32 to index
      %parallel_loop3A_353 = arith.constant 192 : index
      %parallel_loop3A_354 = tpu.vector_load %arg7[%parallel_loop3A_352, %parallel_loop3A_353] {strides = array<i32>} : memref<192x256xf32, #tpu.memory_space<vmem>>, vector<1x16xf32>,
      %parallel_loop3A_355 = vector.shape_cast %parallel_loop3A_354 : vector<1x16xf32> to vector<16xf32>
      %parallel_loop3A_356 = arith.index_cast %parallel_loop3A_183 : i32 to index
      %parallel_loop3A_357 = arith.constant 192 : index
      %parallel_loop3A_358 = tpu.vector_load %arg8[%parallel_loop3A_356, %parallel_loop3A_357] {strides = array<i32>} : memref<192x256xf32, #tpu.memory_space<vmem>>, vector<1x16xf32>,
      %parallel_loop3A_359 = vector.shape_cast %parallel_loop3A_358 : vector<1x16xf32> to vector<16xf32>
      %parallel_loop3A_360 = arith.addf %parallel_loop3A_355, %parallel_loop3A_359 : vector<16xf32>
      %parallel_loop3A_361 = arith.index_cast %parallel_loop3A_183 : i32 to index
      %parallel_loop3A_362 = arith.constant 192 : index
      %parallel_loop3A_363 = tpu.vector_load %arg7[%parallel_loop3A_361, %parallel_loop3A_362] {strides = array<i32>} : memref<192x256xf32, #tpu.memory_space<vmem>>, vector<1x16xf32>,
      %parallel_loop3A_364 = vector.shape_cast %parallel_loop3A_363 : vector<1x16xf32> to vector<16xf32>
      %parallel_loop3A_365 = vector.shape_cast %parallel_loop3A_360 : vector<16xf32> to vector<1x16xf32>
      tpu.vector_store %arg7[%parallel_loop3A_361, %parallel_loop3A_362], %parallel_loop3A_365 {strides = array<i32>} : memref<192x256xf32, #tpu.memory_space<vmem>>, vector<1x16xf32>,
      %parallel_loop3A_366 = arith.index_cast %parallel_loop3A_183 : i32 to index
      %parallel_loop3A_367 = arith.constant 208 : index
      %parallel_loop3A_368 = tpu.vector_load %arg7[%parallel_loop3A_366, %parallel_loop3A_367] {strides = array<i32>} : memref<192x256xf32, #tpu.memory_space<vmem>>, vector<1x16xf32>,
      %parallel_loop3A_369 = vector.shape_cast %parallel_loop3A_368 : vector<1x16xf32> to vector<16xf32>
      %parallel_loop3A_370 = arith.index_cast %parallel_loop3A_183 : i32 to index
      %parallel_loop3A_371 = arith.constant 208 : index
      %parallel_loop3A_372 = tpu.vector_load %arg8[%parallel_loop3A_370, %parallel_loop3A_371] {strides = array<i32>} : memref<192x256xf32, #tpu.memory_space<vmem>>, vector<1x16xf32>,
      %parallel_loop3A_373 = vector.shape_cast %parallel_loop3A_372 : vector<1x16xf32> to vector<16xf32>
      %parallel_loop3A_374 = arith.addf %parallel_loop3A_369, %parallel_loop3A_373 : vector<16xf32>
      %parallel_loop3A_375 = arith.index_cast %parallel_loop3A_183 : i32 to index
      %parallel_loop3A_376 = arith.constant 208 : index
      %parallel_loop3A_377 = tpu.vector_load %arg7[%parallel_loop3A_375, %parallel_loop3A_376] {strides = array<i32>} : memref<192x256xf32, #tpu.memory_space<vmem>>, vector<1x16xf32>,
      %parallel_loop3A_378 = vector.shape_cast %parallel_loop3A_377 : vector<1x16xf32> to vector<16xf32>
      %parallel_loop3A_379 = vector.shape_cast %parallel_loop3A_374 : vector<16xf32> to vector<1x16xf32>
      tpu.vector_store %arg7[%parallel_loop3A_375, %parallel_loop3A_376], %parallel_loop3A_379 {strides = array<i32>} : memref<192x256xf32, #tpu.memory_space<vmem>>, vector<1x16xf32>,
      %parallel_loop3A_380 = arith.index_cast %parallel_loop3A_183 : i32 to index
      %parallel_loop3A_381 = arith.constant 224 : index
      %parallel_loop3A_382 = tpu.vector_load %arg7[%parallel_loop3A_380, %parallel_loop3A_381] {strides = array<i32>} : memref<192x256xf32, #tpu.memory_space<vmem>>, vector<1x16xf32>,
      %parallel_loop3A_383 = vector.shape_cast %parallel_loop3A_382 : vector<1x16xf32> to vector<16xf32>
      %parallel_loop3A_384 = arith.index_cast %parallel_loop3A_183 : i32 to index
      %parallel_loop3A_385 = arith.constant 224 : index
      %parallel_loop3A_386 = tpu.vector_load %arg8[%parallel_loop3A_384, %parallel_loop3A_385] {strides = array<i32>} : memref<192x256xf32, #tpu.memory_space<vmem>>, vector<1x16xf32>,
      %parallel_loop3A_387 = vector.shape_cast %parallel_loop3A_386 : vector<1x16xf32> to vector<16xf32>
      %parallel_loop3A_388 = arith.addf %parallel_loop3A_383, %parallel_loop3A_387 : vector<16xf32>
      %parallel_loop3A_389 = arith.index_cast %parallel_loop3A_183 : i32 to index
      %parallel_loop3A_390 = arith.constant 224 : index
      %parallel_loop3A_391 = tpu.vector_load %arg7[%parallel_loop3A_389, %parallel_loop3A_390] {strides = array<i32>} : memref<192x256xf32, #tpu.memory_space<vmem>>, vector<1x16xf32>,
      %parallel_loop3A_392 = vector.shape_cast %parallel_loop3A_391 : vector<1x16xf32> to vector<16xf32>
      %parallel_loop3A_393 = vector.shape_cast %parallel_loop3A_388 : vector<16xf32> to vector<1x16xf32>
      tpu.vector_store %arg7[%parallel_loop3A_389, %parallel_loop3A_390], %parallel_loop3A_393 {strides = array<i32>} : memref<192x256xf32, #tpu.memory_space<vmem>>, vector<1x16xf32>,
      %parallel_loop3A_394 = arith.index_cast %parallel_loop3A_183 : i32 to index
      %parallel_loop3A_395 = arith.constant 240 : index
      %parallel_loop3A_396 = tpu.vector_load %arg7[%parallel_loop3A_394, %parallel_loop3A_395] {strides = array<i32>} : memref<192x256xf32, #tpu.memory_space<vmem>>, vector<1x16xf32>,
      %parallel_loop3A_397 = vector.shape_cast %parallel_loop3A_396 : vector<1x16xf32> to vector<16xf32>
      %parallel_loop3A_398 = arith.index_cast %parallel_loop3A_183 : i32 to index
      %parallel_loop3A_399 = arith.constant 240 : index
      %parallel_loop3A_400 = tpu.vector_load %arg8[%parallel_loop3A_398, %parallel_loop3A_399] {strides = array<i32>} : memref<192x256xf32, #tpu.memory_space<vmem>>, vector<1x16xf32>,
      %parallel_loop3A_401 = vector.shape_cast %parallel_loop3A_400 : vector<1x16xf32> to vector<16xf32>
      %parallel_loop3A_402 = arith.addf %parallel_loop3A_397, %parallel_loop3A_401 : vector<16xf32>
      %parallel_loop3A_403 = arith.index_cast %parallel_loop3A_183 : i32 to index
      %parallel_loop3A_404 = arith.constant 240 : index
      %parallel_loop3A_405 = tpu.vector_load %arg7[%parallel_loop3A_403, %parallel_loop3A_404] {strides = array<i32>} : memref<192x256xf32, #tpu.memory_space<vmem>>, vector<1x16xf32>,
      %parallel_loop3A_406 = vector.shape_cast %parallel_loop3A_405 : vector<1x16xf32> to vector<16xf32>
      %parallel_loop3A_407 = vector.shape_cast %parallel_loop3A_402 : vector<16xf32> to vector<1x16xf32>
      tpu.vector_store %arg7[%parallel_loop3A_403, %parallel_loop3A_404], %parallel_loop3A_407 {strides = array<i32>} : memref<192x256xf32, #tpu.memory_space<vmem>>, vector<1x16xf32>,
    } {sc.loop_unroll_factor = 2 : i64, sc.parallel_access}
    %add3A_62 = arith.constant 0 : i32
    %add3A_63 = arith.addi %mul3A_2, %add3A_62 : i32
    %dma_start3A_64 = arith.constant 0 : i32
    %dma_start3A_65 = arith.constant 0 : i32
    %dma_start3A_66 = tpu.memref_slice %arg7[%dma_start3A_64, %dma_start3A_65] : memref<192x256xf32, #tpu.memory_space<vmem>> -> memref<48x256xf32, #tpu.memory_space<vmem>>
    %dma_start3A_67 = arith.constant 0 : i32
    %dma_start3A_68 = tpu.memref_slice %arg5[%add3A_63, %dma_start3A_67] : memref<6144x256xf32, #tpu.memory_space<hbm>> -> memref<48x256xf32, #tpu.memory_space<hbm>>
    %dma_start3A_69 = arith.constant 0 : i32
    %dma_start3A_70 = tpu.memref_slice %arg5[%add3A_63, %dma_start3A_69] : memref<6144x256xf32, #tpu.memory_space<hbm>> -> memref<48x256xf32, #tpu.memory_space<hbm>>
    %dma_start3A_71 = arith.constant 0 : i32
    %dma_start3A_72 = arith.constant 0 : i32
    %dma_start3A_73 = tpu.memref_slice %arg7[%dma_start3A_71, %dma_start3A_72] : memref<192x256xf32, #tpu.memory_space<vmem>> -> memref<48x256xf32, #tpu.memory_space<vmem>>
    tpu.enqueue_dma source(%dma_start3A_73 : memref<48x256xf32, #tpu.memory_space<vmem>>) target(%dma_start3A_70 : memref<48x256xf32, #tpu.memory_space<hbm>>) target_semaphore(%arg14 : memref<!tpu.dma_semaphore, #tpu.memory_space<semaphore_mem>>)
    %dma_wait3A_74 = arith.constant 48 : i32
    %dma_wait3A_75 = arith.constant 0 : i32
    %dma_wait3A_76 = tpu.memref_slice %arg7[%dma_wait3A_74, %dma_wait3A_75] : memref<192x256xf32, #tpu.memory_space<vmem>> -> memref<48x256xf32, #tpu.memory_space<vmem>>
    %dma_wait3A_77 = arith.constant 48 : i32
    %dma_wait3A_78 = tpu.memref_slice %arg6[%dma_wait3A_77] : memref<192xi32, #tpu.memory_space<vmem>> -> memref<48xi32, #tpu.memory_space<vmem>>
    %dma_wait3A_79 = arith.constant 0 : i32
    %dma_wait3A_80 = arith.constant 0 : i32
    %dma_wait3A_81 = tpu.memref_slice %arg2[%dma_wait3A_79, %dma_wait3A_80] : memref<1024x256xf32, #tpu.memory_space<hbm>> -> memref<1024x256xf32, #tpu.memory_space<hbm>>
    tpu.wait_indirect_dma semaphore(%arg10 : memref<!tpu.dma_semaphore, #tpu.memory_space<semaphore_mem>>) src(%dma_wait3A_81 : memref<1024x256xf32, #tpu.memory_space<hbm>>) dst(%dma_wait3A_76 : memref<48x256xf32, #tpu.memory_space<vmem>>)
    %parallel_loop3A_82 = arith.constant 48 : i32
    %parallel_loop3A_83 = arith.constant 96 : i32
    %parallel_loop3A_84 = arith.constant 1 : i32
    scf.for %parallel_loop3A_183 = %parallel_loop3A_82 to %parallel_loop3A_83 step %parallel_loop3A_84  : i32 {
      %parallel_loop3A_184 = arith.index_cast %parallel_loop3A_183 : i32 to index
      %parallel_loop3A_185 = arith.constant 0 : index
      %parallel_loop3A_186 = tpu.vector_load %arg7[%parallel_loop3A_184, %parallel_loop3A_185] {strides = array<i32>} : memref<192x256xf32, #tpu.memory_space<vmem>>, vector<1x16xf32>,
      %parallel_loop3A_187 = vector.shape_cast %parallel_loop3A_186 : vector<1x16xf32> to vector<16xf32>
      %parallel_loop3A_188 = arith.index_cast %parallel_loop3A_183 : i32 to index
      %parallel_loop3A_189 = arith.constant 0 : index
      %parallel_loop3A_190 = tpu.vector_load %arg8[%parallel_loop3A_188, %parallel_loop3A_189] {strides = array<i32>} : memref<192x256xf32, #tpu.memory_space<vmem>>, vector<1x16xf32>,
      %parallel_loop3A_191 = vector.shape_cast %parallel_loop3A_190 : vector<1x16xf32> to vector<16xf32>
      %parallel_loop3A_192 = arith.addf %parallel_loop3A_187, %parallel_loop3A_191 : vector<16xf32>
      %parallel_loop3A_193 = arith.index_cast %parallel_loop3A_183 : i32 to index
      %parallel_loop3A_194 = arith.constant 0 : index
      %parallel_loop3A_195 = tpu.vector_load %arg7[%parallel_loop3A_193, %parallel_loop3A_194] {strides = array<i32>} : memref<192x256xf32, #tpu.memory_space<vmem>>, vector<1x16xf32>,
      %parallel_loop3A_196 = vector.shape_cast %parallel_loop3A_195 : vector<1x16xf32> to vector<16xf32>
      %parallel_loop3A_197 = vector.shape_cast %parallel_loop3A_192 : vector<16xf32> to vector<1x16xf32>
      tpu.vector_store %arg7[%parallel_loop3A_193, %parallel_loop3A_194], %parallel_loop3A_197 {strides = array<i32>} : memref<192x256xf32, #tpu.memory_space<vmem>>, vector<1x16xf32>,
      %parallel_loop3A_198 = arith.index_cast %parallel_loop3A_183 : i32 to index
      %parallel_loop3A_199 = arith.constant 16 : index
      %parallel_loop3A_200 = tpu.vector_load %arg7[%parallel_loop3A_198, %parallel_loop3A_199] {strides = array<i32>} : memref<192x256xf32, #tpu.memory_space<vmem>>, vector<1x16xf32>,
      %parallel_loop3A_201 = vector.shape_cast %parallel_loop3A_200 : vector<1x16xf32> to vector<16xf32>
      %parallel_loop3A_202 = arith.index_cast %parallel_loop3A_183 : i32 to index
      %parallel_loop3A_203 = arith.constant 16 : index
      %parallel_loop3A_204 = tpu.vector_load %arg8[%parallel_loop3A_202, %parallel_loop3A_203] {strides = array<i32>} : memref<192x256xf32, #tpu.memory_space<vmem>>, vector<1x16xf32>,
      %parallel_loop3A_205 = vector.shape_cast %parallel_loop3A_204 : vector<1x16xf32> to vector<16xf32>
      %parallel_loop3A_206 = arith.addf %parallel_loop3A_201, %parallel_loop3A_205 : vector<16xf32>
      %parallel_loop3A_207 = arith.index_cast %parallel_loop3A_183 : i32 to index
      %parallel_loop3A_208 = arith.constant 16 : index
      %parallel_loop3A_209 = tpu.vector_load %arg7[%parallel_loop3A_207, %parallel_loop3A_208] {strides = array<i32>} : memref<192x256xf32, #tpu.memory_space<vmem>>, vector<1x16xf32>,
      %parallel_loop3A_210 = vector.shape_cast %parallel_loop3A_209 : vector<1x16xf32> to vector<16xf32>
      %parallel_loop3A_211 = vector.shape_cast %parallel_loop3A_206 : vector<16xf32> to vector<1x16xf32>
      tpu.vector_store %arg7[%parallel_loop3A_207, %parallel_loop3A_208], %parallel_loop3A_211 {strides = array<i32>} : memref<192x256xf32, #tpu.memory_space<vmem>>, vector<1x16xf32>,
      %parallel_loop3A_212 = arith.index_cast %parallel_loop3A_183 : i32 to index
      %parallel_loop3A_213 = arith.constant 32 : index
      %parallel_loop3A_214 = tpu.vector_load %arg7[%parallel_loop3A_212, %parallel_loop3A_213] {strides = array<i32>} : memref<192x256xf32, #tpu.memory_space<vmem>>, vector<1x16xf32>,
      %parallel_loop3A_215 = vector.shape_cast %parallel_loop3A_214 : vector<1x16xf32> to vector<16xf32>
      %parallel_loop3A_216 = arith.index_cast %parallel_loop3A_183 : i32 to index
      %parallel_loop3A_217 = arith.constant 32 : index
      %parallel_loop3A_218 = tpu.vector_load %arg8[%parallel_loop3A_216, %parallel_loop3A_217] {strides = array<i32>} : memref<192x256xf32, #tpu.memory_space<vmem>>, vector<1x16xf32>,
      %parallel_loop3A_219 = vector.shape_cast %parallel_loop3A_218 : vector<1x16xf32> to vector<16xf32>
      %parallel_loop3A_220 = arith.addf %parallel_loop3A_215, %parallel_loop3A_219 : vector<16xf32>
      %parallel_loop3A_221 = arith.index_cast %parallel_loop3A_183 : i32 to index
      %parallel_loop3A_222 = arith.constant 32 : index
      %parallel_loop3A_223 = tpu.vector_load %arg7[%parallel_loop3A_221, %parallel_loop3A_222] {strides = array<i32>} : memref<192x256xf32, #tpu.memory_space<vmem>>, vector<1x16xf32>,
      %parallel_loop3A_224 = vector.shape_cast %parallel_loop3A_223 : vector<1x16xf32> to vector<16xf32>
      %parallel_loop3A_225 = vector.shape_cast %parallel_loop3A_220 : vector<16xf32> to vector<1x16xf32>
      tpu.vector_store %arg7[%parallel_loop3A_221, %parallel_loop3A_222], %parallel_loop3A_225 {strides = array<i32>} : memref<192x256xf32, #tpu.memory_space<vmem>>, vector<1x16xf32>,
      %parallel_loop3A_226 = arith.index_cast %parallel_loop3A_183 : i32 to index
      %parallel_loop3A_227 = arith.constant 48 : index
      %parallel_loop3A_228 = tpu.vector_load %arg7[%parallel_loop3A_226, %parallel_loop3A_227] {strides = array<i32>} : memref<192x256xf32, #tpu.memory_space<vmem>>, vector<1x16xf32>,
      %parallel_loop3A_229 = vector.shape_cast %parallel_loop3A_228 : vector<1x16xf32> to vector<16xf32>
      %parallel_loop3A_230 = arith.index_cast %parallel_loop3A_183 : i32 to index
      %parallel_loop3A_231 = arith.constant 48 : index
      %parallel_loop3A_232 = tpu.vector_load %arg8[%parallel_loop3A_230, %parallel_loop3A_231] {strides = array<i32>} : memref<192x256xf32, #tpu.memory_space<vmem>>, vector<1x16xf32>,
      %parallel_loop3A_233 = vector.shape_cast %parallel_loop3A_232 : vector<1x16xf32> to vector<16xf32>
      %parallel_loop3A_234 = arith.addf %parallel_loop3A_229, %parallel_loop3A_233 : vector<16xf32>
      %parallel_loop3A_235 = arith.index_cast %parallel_loop3A_183 : i32 to index
      %parallel_loop3A_236 = arith.constant 48 : index
      %parallel_loop3A_237 = tpu.vector_load %arg7[%parallel_loop3A_235, %parallel_loop3A_236] {strides = array<i32>} : memref<192x256xf32, #tpu.memory_space<vmem>>, vector<1x16xf32>,
      %parallel_loop3A_238 = vector.shape_cast %parallel_loop3A_237 : vector<1x16xf32> to vector<16xf32>
      %parallel_loop3A_239 = vector.shape_cast %parallel_loop3A_234 : vector<16xf32> to vector<1x16xf32>
      tpu.vector_store %arg7[%parallel_loop3A_235, %parallel_loop3A_236], %parallel_loop3A_239 {strides = array<i32>} : memref<192x256xf32, #tpu.memory_space<vmem>>, vector<1x16xf32>,
      %parallel_loop3A_240 = arith.index_cast %parallel_loop3A_183 : i32 to index
      %parallel_loop3A_241 = arith.constant 64 : index
      %parallel_loop3A_242 = tpu.vector_load %arg7[%parallel_loop3A_240, %parallel_loop3A_241] {strides = array<i32>} : memref<192x256xf32, #tpu.memory_space<vmem>>, vector<1x16xf32>,
      %parallel_loop3A_243 = vector.shape_cast %parallel_loop3A_242 : vector<1x16xf32> to vector<16xf32>
      %parallel_loop3A_244 = arith.index_cast %parallel_loop3A_183 : i32 to index
      %parallel_loop3A_245 = arith.constant 64 : index
      %parallel_loop3A_246 = tpu.vector_load %arg8[%parallel_loop3A_244, %parallel_loop3A_245] {strides = array<i32>} : memref<192x256xf32, #tpu.memory_space<vmem>>, vector<1x16xf32>,
      %parallel_loop3A_247 = vector.shape_cast %parallel_loop3A_246 : vector<1x16xf32> to vector<16xf32>
      %parallel_loop3A_248 = arith.addf %parallel_loop3A_243, %parallel_loop3A_247 : vector<16xf32>
      %parallel_loop3A_249 = arith.index_cast %parallel_loop3A_183 : i32 to index
      %parallel_loop3A_250 = arith.constant 64 : index
      %parallel_loop3A_251 = tpu.vector_load %arg7[%parallel_loop3A_249, %parallel_loop3A_250] {strides = array<i32>} : memref<192x256xf32, #tpu.memory_space<vmem>>, vector<1x16xf32>,
      %parallel_loop3A_252 = vector.shape_cast %parallel_loop3A_251 : vector<1x16xf32> to vector<16xf32>
      %parallel_loop3A_253 = vector.shape_cast %parallel_loop3A_248 : vector<16xf32> to vector<1x16xf32>
      tpu.vector_store %arg7[%parallel_loop3A_249, %parallel_loop3A_250], %parallel_loop3A_253 {strides = array<i32>} : memref<192x256xf32, #tpu.memory_space<vmem>>, vector<1x16xf32>,
      %parallel_loop3A_254 = arith.index_cast %parallel_loop3A_183 : i32 to index
      %parallel_loop3A_255 = arith.constant 80 : index
      %parallel_loop3A_256 = tpu.vector_load %arg7[%parallel_loop3A_254, %parallel_loop3A_255] {strides = array<i32>} : memref<192x256xf32, #tpu.memory_space<vmem>>, vector<1x16xf32>,
      %parallel_loop3A_257 = vector.shape_cast %parallel_loop3A_256 : vector<1x16xf32> to vector<16xf32>
      %parallel_loop3A_258 = arith.index_cast %parallel_loop3A_183 : i32 to index
      %parallel_loop3A_259 = arith.constant 80 : index
      %parallel_loop3A_260 = tpu.vector_load %arg8[%parallel_loop3A_258, %parallel_loop3A_259] {strides = array<i32>} : memref<192x256xf32, #tpu.memory_space<vmem>>, vector<1x16xf32>,
      %parallel_loop3A_261 = vector.shape_cast %parallel_loop3A_260 : vector<1x16xf32> to vector<16xf32>
      %parallel_loop3A_262 = arith.addf %parallel_loop3A_257, %parallel_loop3A_261 : vector<16xf32>
      %parallel_loop3A_263 = arith.index_cast %parallel_loop3A_183 : i32 to index
      %parallel_loop3A_264 = arith.constant 80 : index
      %parallel_loop3A_265 = tpu.vector_load %arg7[%parallel_loop3A_263, %parallel_loop3A_264] {strides = array<i32>} : memref<192x256xf32, #tpu.memory_space<vmem>>, vector<1x16xf32>,
      %parallel_loop3A_266 = vector.shape_cast %parallel_loop3A_265 : vector<1x16xf32> to vector<16xf32>
      %parallel_loop3A_267 = vector.shape_cast %parallel_loop3A_262 : vector<16xf32> to vector<1x16xf32>
      tpu.vector_store %arg7[%parallel_loop3A_263, %parallel_loop3A_264], %parallel_loop3A_267 {strides = array<i32>} : memref<192x256xf32, #tpu.memory_space<vmem>>, vector<1x16xf32>,
      %parallel_loop3A_268 = arith.index_cast %parallel_loop3A_183 : i32 to index
      %parallel_loop3A_269 = arith.constant 96 : index
      %parallel_loop3A_270 = tpu.vector_load %arg7[%parallel_loop3A_268, %parallel_loop3A_269] {strides = array<i32>} : memref<192x256xf32, #tpu.memory_space<vmem>>, vector<1x16xf32>,
      %parallel_loop3A_271 = vector.shape_cast %parallel_loop3A_270 : vector<1x16xf32> to vector<16xf32>
      %parallel_loop3A_272 = arith.index_cast %parallel_loop3A_183 : i32 to index
      %parallel_loop3A_273 = arith.constant 96 : index
      %parallel_loop3A_274 = tpu.vector_load %arg8[%parallel_loop3A_272, %parallel_loop3A_273] {strides = array<i32>} : memref<192x256xf32, #tpu.memory_space<vmem>>, vector<1x16xf32>,
      %parallel_loop3A_275 = vector.shape_cast %parallel_loop3A_274 : vector<1x16xf32> to vector<16xf32>
      %parallel_loop3A_276 = arith.addf %parallel_loop3A_271, %parallel_loop3A_275 : vector<16xf32>
      %parallel_loop3A_277 = arith.index_cast %parallel_loop3A_183 : i32 to index
      %parallel_loop3A_278 = arith.constant 96 : index
      %parallel_loop3A_279 = tpu.vector_load %arg7[%parallel_loop3A_277, %parallel_loop3A_278] {strides = array<i32>} : memref<192x256xf32, #tpu.memory_space<vmem>>, vector<1x16xf32>,
      %parallel_loop3A_280 = vector.shape_cast %parallel_loop3A_279 : vector<1x16xf32> to vector<16xf32>
      %parallel_loop3A_281 = vector.shape_cast %parallel_loop3A_276 : vector<16xf32> to vector<1x16xf32>
      tpu.vector_store %arg7[%parallel_loop3A_277, %parallel_loop3A_278], %parallel_loop3A_281 {strides = array<i32>} : memref<192x256xf32, #tpu.memory_space<vmem>>, vector<1x16xf32>,
      %parallel_loop3A_282 = arith.index_cast %parallel_loop3A_183 : i32 to index
      %parallel_loop3A_283 = arith.constant 112 : index
      %parallel_loop3A_284 = tpu.vector_load %arg7[%parallel_loop3A_282, %parallel_loop3A_283] {strides = array<i32>} : memref<192x256xf32, #tpu.memory_space<vmem>>, vector<1x16xf32>,
      %parallel_loop3A_285 = vector.shape_cast %parallel_loop3A_284 : vector<1x16xf32> to vector<16xf32>
      %parallel_loop3A_286 = arith.index_cast %parallel_loop3A_183 : i32 to index
      %parallel_loop3A_287 = arith.constant 112 : index
      %parallel_loop3A_288 = tpu.vector_load %arg8[%parallel_loop3A_286, %parallel_loop3A_287] {strides = array<i32>} : memref<192x256xf32, #tpu.memory_space<vmem>>, vector<1x16xf32>,
      %parallel_loop3A_289 = vector.shape_cast %parallel_loop3A_288 : vector<1x16xf32> to vector<16xf32>
      %parallel_loop3A_290 = arith.addf %parallel_loop3A_285, %parallel_loop3A_289 : vector<16xf32>
      %parallel_loop3A_291 = arith.index_cast %parallel_loop3A_183 : i32 to index
      %parallel_loop3A_292 = arith.constant 112 : index
      %parallel_loop3A_293 = tpu.vector_load %arg7[%parallel_loop3A_291, %parallel_loop3A_292] {strides = array<i32>} : memref<192x256xf32, #tpu.memory_space<vmem>>, vector<1x16xf32>,
      %parallel_loop3A_294 = vector.shape_cast %parallel_loop3A_293 : vector<1x16xf32> to vector<16xf32>
      %parallel_loop3A_295 = vector.shape_cast %parallel_loop3A_290 : vector<16xf32> to vector<1x16xf32>
      tpu.vector_store %arg7[%parallel_loop3A_291, %parallel_loop3A_292], %parallel_loop3A_295 {strides = array<i32>} : memref<192x256xf32, #tpu.memory_space<vmem>>, vector<1x16xf32>,
      %parallel_loop3A_296 = arith.index_cast %parallel_loop3A_183 : i32 to index
      %parallel_loop3A_297 = arith.constant 128 : index
      %parallel_loop3A_298 = tpu.vector_load %arg7[%parallel_loop3A_296, %parallel_loop3A_297] {strides = array<i32>} : memref<192x256xf32, #tpu.memory_space<vmem>>, vector<1x16xf32>,
      %parallel_loop3A_299 = vector.shape_cast %parallel_loop3A_298 : vector<1x16xf32> to vector<16xf32>
      %parallel_loop3A_300 = arith.index_cast %parallel_loop3A_183 : i32 to index
      %parallel_loop3A_301 = arith.constant 128 : index
      %parallel_loop3A_302 = tpu.vector_load %arg8[%parallel_loop3A_300, %parallel_loop3A_301] {strides = array<i32>} : memref<192x256xf32, #tpu.memory_space<vmem>>, vector<1x16xf32>,
      %parallel_loop3A_303 = vector.shape_cast %parallel_loop3A_302 : vector<1x16xf32> to vector<16xf32>
      %parallel_loop3A_304 = arith.addf %parallel_loop3A_299, %parallel_loop3A_303 : vector<16xf32>
      %parallel_loop3A_305 = arith.index_cast %parallel_loop3A_183 : i32 to index
      %parallel_loop3A_306 = arith.constant 128 : index
      %parallel_loop3A_307 = tpu.vector_load %arg7[%parallel_loop3A_305, %parallel_loop3A_306] {strides = array<i32>} : memref<192x256xf32, #tpu.memory_space<vmem>>, vector<1x16xf32>,
      %parallel_loop3A_308 = vector.shape_cast %parallel_loop3A_307 : vector<1x16xf32> to vector<16xf32>
      %parallel_loop3A_309 = vector.shape_cast %parallel_loop3A_304 : vector<16xf32> to vector<1x16xf32>
      tpu.vector_store %arg7[%parallel_loop3A_305, %parallel_loop3A_306], %parallel_loop3A_309 {strides = array<i32>} : memref<192x256xf32, #tpu.memory_space<vmem>>, vector<1x16xf32>,
      %parallel_loop3A_310 = arith.index_cast %parallel_loop3A_183 : i32 to index
      %parallel_loop3A_311 = arith.constant 144 : index
      %parallel_loop3A_312 = tpu.vector_load %arg7[%parallel_loop3A_310, %parallel_loop3A_311] {strides = array<i32>} : memref<192x256xf32, #tpu.memory_space<vmem>>, vector<1x16xf32>,
      %parallel_loop3A_313 = vector.shape_cast %parallel_loop3A_312 : vector<1x16xf32> to vector<16xf32>
      %parallel_loop3A_314 = arith.index_cast %parallel_loop3A_183 : i32 to index
      %parallel_loop3A_315 = arith.constant 144 : index
      %parallel_loop3A_316 = tpu.vector_load %arg8[%parallel_loop3A_314, %parallel_loop3A_315] {strides = array<i32>} : memref<192x256xf32, #tpu.memory_space<vmem>>, vector<1x16xf32>,
      %parallel_loop3A_317 = vector.shape_cast %parallel_loop3A_316 : vector<1x16xf32> to vector<16xf32>
      %parallel_loop3A_318 = arith.addf %parallel_loop3A_313, %parallel_loop3A_317 : vector<16xf32>
      %parallel_loop3A_319 = arith.index_cast %parallel_loop3A_183 : i32 to index
      %parallel_loop3A_320 = arith.constant 144 : index
      %parallel_loop3A_321 = tpu.vector_load %arg7[%parallel_loop3A_319, %parallel_loop3A_320] {strides = array<i32>} : memref<192x256xf32, #tpu.memory_space<vmem>>, vector<1x16xf32>,
      %parallel_loop3A_322 = vector.shape_cast %parallel_loop3A_321 : vector<1x16xf32> to vector<16xf32>
      %parallel_loop3A_323 = vector.shape_cast %parallel_loop3A_318 : vector<16xf32> to vector<1x16xf32>
      tpu.vector_store %arg7[%parallel_loop3A_319, %parallel_loop3A_320], %parallel_loop3A_323 {strides = array<i32>} : memref<192x256xf32, #tpu.memory_space<vmem>>, vector<1x16xf32>,
      %parallel_loop3A_324 = arith.index_cast %parallel_loop3A_183 : i32 to index
      %parallel_loop3A_325 = arith.constant 160 : index
      %parallel_loop3A_326 = tpu.vector_load %arg7[%parallel_loop3A_324, %parallel_loop3A_325] {strides = array<i32>} : memref<192x256xf32, #tpu.memory_space<vmem>>, vector<1x16xf32>,
      %parallel_loop3A_327 = vector.shape_cast %parallel_loop3A_326 : vector<1x16xf32> to vector<16xf32>
      %parallel_loop3A_328 = arith.index_cast %parallel_loop3A_183 : i32 to index
      %parallel_loop3A_329 = arith.constant 160 : index
      %parallel_loop3A_330 = tpu.vector_load %arg8[%parallel_loop3A_328, %parallel_loop3A_329] {strides = array<i32>} : memref<192x256xf32, #tpu.memory_space<vmem>>, vector<1x16xf32>,
      %parallel_loop3A_331 = vector.shape_cast %parallel_loop3A_330 : vector<1x16xf32> to vector<16xf32>
      %parallel_loop3A_332 = arith.addf %parallel_loop3A_327, %parallel_loop3A_331 : vector<16xf32>
      %parallel_loop3A_333 = arith.index_cast %parallel_loop3A_183 : i32 to index
      %parallel_loop3A_334 = arith.constant 160 : index
      %parallel_loop3A_335 = tpu.vector_load %arg7[%parallel_loop3A_333, %parallel_loop3A_334] {strides = array<i32>} : memref<192x256xf32, #tpu.memory_space<vmem>>, vector<1x16xf32>,
      %parallel_loop3A_336 = vector.shape_cast %parallel_loop3A_335 : vector<1x16xf32> to vector<16xf32>
      %parallel_loop3A_337 = vector.shape_cast %parallel_loop3A_332 : vector<16xf32> to vector<1x16xf32>
      tpu.vector_store %arg7[%parallel_loop3A_333, %parallel_loop3A_334], %parallel_loop3A_337 {strides = array<i32>} : memref<192x256xf32, #tpu.memory_space<vmem>>, vector<1x16xf32>,
      %parallel_loop3A_338 = arith.index_cast %parallel_loop3A_183 : i32 to index
      %parallel_loop3A_339 = arith.constant 176 : index
      %parallel_loop3A_340 = tpu.vector_load %arg7[%parallel_loop3A_338, %parallel_loop3A_339] {strides = array<i32>} : memref<192x256xf32, #tpu.memory_space<vmem>>, vector<1x16xf32>,
      %parallel_loop3A_341 = vector.shape_cast %parallel_loop3A_340 : vector<1x16xf32> to vector<16xf32>
      %parallel_loop3A_342 = arith.index_cast %parallel_loop3A_183 : i32 to index
      %parallel_loop3A_343 = arith.constant 176 : index
      %parallel_loop3A_344 = tpu.vector_load %arg8[%parallel_loop3A_342, %parallel_loop3A_343] {strides = array<i32>} : memref<192x256xf32, #tpu.memory_space<vmem>>, vector<1x16xf32>,
      %parallel_loop3A_345 = vector.shape_cast %parallel_loop3A_344 : vector<1x16xf32> to vector<16xf32>
      %parallel_loop3A_346 = arith.addf %parallel_loop3A_341, %parallel_loop3A_345 : vector<16xf32>
      %parallel_loop3A_347 = arith.index_cast %parallel_loop3A_183 : i32 to index
      %parallel_loop3A_348 = arith.constant 176 : index
      %parallel_loop3A_349 = tpu.vector_load %arg7[%parallel_loop3A_347, %parallel_loop3A_348] {strides = array<i32>} : memref<192x256xf32, #tpu.memory_space<vmem>>, vector<1x16xf32>,
      %parallel_loop3A_350 = vector.shape_cast %parallel_loop3A_349 : vector<1x16xf32> to vector<16xf32>
      %parallel_loop3A_351 = vector.shape_cast %parallel_loop3A_346 : vector<16xf32> to vector<1x16xf32>
      tpu.vector_store %arg7[%parallel_loop3A_347, %parallel_loop3A_348], %parallel_loop3A_351 {strides = array<i32>} : memref<192x256xf32, #tpu.memory_space<vmem>>, vector<1x16xf32>,
      %parallel_loop3A_352 = arith.index_cast %parallel_loop3A_183 : i32 to index
      %parallel_loop3A_353 = arith.constant 192 : index
      %parallel_loop3A_354 = tpu.vector_load %arg7[%parallel_loop3A_352, %parallel_loop3A_353] {strides = array<i32>} : memref<192x256xf32, #tpu.memory_space<vmem>>, vector<1x16xf32>,
      %parallel_loop3A_355 = vector.shape_cast %parallel_loop3A_354 : vector<1x16xf32> to vector<16xf32>
      %parallel_loop3A_356 = arith.index_cast %parallel_loop3A_183 : i32 to index
      %parallel_loop3A_357 = arith.constant 192 : index
      %parallel_loop3A_358 = tpu.vector_load %arg8[%parallel_loop3A_356, %parallel_loop3A_357] {strides = array<i32>} : memref<192x256xf32, #tpu.memory_space<vmem>>, vector<1x16xf32>,
      %parallel_loop3A_359 = vector.shape_cast %parallel_loop3A_358 : vector<1x16xf32> to vector<16xf32>
      %parallel_loop3A_360 = arith.addf %parallel_loop3A_355, %parallel_loop3A_359 : vector<16xf32>
      %parallel_loop3A_361 = arith.index_cast %parallel_loop3A_183 : i32 to index
      %parallel_loop3A_362 = arith.constant 192 : index
      %parallel_loop3A_363 = tpu.vector_load %arg7[%parallel_loop3A_361, %parallel_loop3A_362] {strides = array<i32>} : memref<192x256xf32, #tpu.memory_space<vmem>>, vector<1x16xf32>,
      %parallel_loop3A_364 = vector.shape_cast %parallel_loop3A_363 : vector<1x16xf32> to vector<16xf32>
      %parallel_loop3A_365 = vector.shape_cast %parallel_loop3A_360 : vector<16xf32> to vector<1x16xf32>
      tpu.vector_store %arg7[%parallel_loop3A_361, %parallel_loop3A_362], %parallel_loop3A_365 {strides = array<i32>} : memref<192x256xf32, #tpu.memory_space<vmem>>, vector<1x16xf32>,
      %parallel_loop3A_366 = arith.index_cast %parallel_loop3A_183 : i32 to index
      %parallel_loop3A_367 = arith.constant 208 : index
      %parallel_loop3A_368 = tpu.vector_load %arg7[%parallel_loop3A_366, %parallel_loop3A_367] {strides = array<i32>} : memref<192x256xf32, #tpu.memory_space<vmem>>, vector<1x16xf32>,
      %parallel_loop3A_369 = vector.shape_cast %parallel_loop3A_368 : vector<1x16xf32> to vector<16xf32>
      %parallel_loop3A_370 = arith.index_cast %parallel_loop3A_183 : i32 to index
      %parallel_loop3A_371 = arith.constant 208 : index
      %parallel_loop3A_372 = tpu.vector_load %arg8[%parallel_loop3A_370, %parallel_loop3A_371] {strides = array<i32>} : memref<192x256xf32, #tpu.memory_space<vmem>>, vector<1x16xf32>,
      %parallel_loop3A_373 = vector.shape_cast %parallel_loop3A_372 : vector<1x16xf32> to vector<16xf32>
      %parallel_loop3A_374 = arith.addf %parallel_loop3A_369, %parallel_loop3A_373 : vector<16xf32>
      %parallel_loop3A_375 = arith.index_cast %parallel_loop3A_183 : i32 to index
      %parallel_loop3A_376 = arith.constant 208 : index
      %parallel_loop3A_377 = tpu.vector_load %arg7[%parallel_loop3A_375, %parallel_loop3A_376] {strides = array<i32>} : memref<192x256xf32, #tpu.memory_space<vmem>>, vector<1x16xf32>,
      %parallel_loop3A_378 = vector.shape_cast %parallel_loop3A_377 : vector<1x16xf32> to vector<16xf32>
      %parallel_loop3A_379 = vector.shape_cast %parallel_loop3A_374 : vector<16xf32> to vector<1x16xf32>
      tpu.vector_store %arg7[%parallel_loop3A_375, %parallel_loop3A_376], %parallel_loop3A_379 {strides = array<i32>} : memref<192x256xf32, #tpu.memory_space<vmem>>, vector<1x16xf32>,
      %parallel_loop3A_380 = arith.index_cast %parallel_loop3A_183 : i32 to index
      %parallel_loop3A_381 = arith.constant 224 : index
      %parallel_loop3A_382 = tpu.vector_load %arg7[%parallel_loop3A_380, %parallel_loop3A_381] {strides = array<i32>} : memref<192x256xf32, #tpu.memory_space<vmem>>, vector<1x16xf32>,
      %parallel_loop3A_383 = vector.shape_cast %parallel_loop3A_382 : vector<1x16xf32> to vector<16xf32>
      %parallel_loop3A_384 = arith.index_cast %parallel_loop3A_183 : i32 to index
      %parallel_loop3A_385 = arith.constant 224 : index
      %parallel_loop3A_386 = tpu.vector_load %arg8[%parallel_loop3A_384, %parallel_loop3A_385] {strides = array<i32>} : memref<192x256xf32, #tpu.memory_space<vmem>>, vector<1x16xf32>,
      %parallel_loop3A_387 = vector.shape_cast %parallel_loop3A_386 : vector<1x16xf32> to vector<16xf32>
      %parallel_loop3A_388 = arith.addf %parallel_loop3A_383, %parallel_loop3A_387 : vector<16xf32>
      %parallel_loop3A_389 = arith.index_cast %parallel_loop3A_183 : i32 to index
      %parallel_loop3A_390 = arith.constant 224 : index
      %parallel_loop3A_391 = tpu.vector_load %arg7[%parallel_loop3A_389, %parallel_loop3A_390] {strides = array<i32>} : memref<192x256xf32, #tpu.memory_space<vmem>>, vector<1x16xf32>,
      %parallel_loop3A_392 = vector.shape_cast %parallel_loop3A_391 : vector<1x16xf32> to vector<16xf32>
      %parallel_loop3A_393 = vector.shape_cast %parallel_loop3A_388 : vector<16xf32> to vector<1x16xf32>
      tpu.vector_store %arg7[%parallel_loop3A_389, %parallel_loop3A_390], %parallel_loop3A_393 {strides = array<i32>} : memref<192x256xf32, #tpu.memory_space<vmem>>, vector<1x16xf32>,
      %parallel_loop3A_394 = arith.index_cast %parallel_loop3A_183 : i32 to index
      %parallel_loop3A_395 = arith.constant 240 : index
      %parallel_loop3A_396 = tpu.vector_load %arg7[%parallel_loop3A_394, %parallel_loop3A_395] {strides = array<i32>} : memref<192x256xf32, #tpu.memory_space<vmem>>, vector<1x16xf32>,
      %parallel_loop3A_397 = vector.shape_cast %parallel_loop3A_396 : vector<1x16xf32> to vector<16xf32>
      %parallel_loop3A_398 = arith.index_cast %parallel_loop3A_183 : i32 to index
      %parallel_loop3A_399 = arith.constant 240 : index
      %parallel_loop3A_400 = tpu.vector_load %arg8[%parallel_loop3A_398, %parallel_loop3A_399] {strides = array<i32>} : memref<192x256xf32, #tpu.memory_space<vmem>>, vector<1x16xf32>,
      %parallel_loop3A_401 = vector.shape_cast %parallel_loop3A_400 : vector<1x16xf32> to vector<16xf32>
      %parallel_loop3A_402 = arith.addf %parallel_loop3A_397, %parallel_loop3A_401 : vector<16xf32>
      %parallel_loop3A_403 = arith.index_cast %parallel_loop3A_183 : i32 to index
      %parallel_loop3A_404 = arith.constant 240 : index
      %parallel_loop3A_405 = tpu.vector_load %arg7[%parallel_loop3A_403, %parallel_loop3A_404] {strides = array<i32>} : memref<192x256xf32, #tpu.memory_space<vmem>>, vector<1x16xf32>,
      %parallel_loop3A_406 = vector.shape_cast %parallel_loop3A_405 : vector<1x16xf32> to vector<16xf32>
      %parallel_loop3A_407 = vector.shape_cast %parallel_loop3A_402 : vector<16xf32> to vector<1x16xf32>
      tpu.vector_store %arg7[%parallel_loop3A_403, %parallel_loop3A_404], %parallel_loop3A_407 {strides = array<i32>} : memref<192x256xf32, #tpu.memory_space<vmem>>, vector<1x16xf32>,
    } {sc.loop_unroll_factor = 2 : i64, sc.parallel_access}
    %add3A_85 = arith.constant 48 : i32
    %add3A_86 = arith.addi %mul3A_2, %add3A_85 : i32
    %dma_start3A_87 = arith.constant 48 : i32
    %dma_start3A_88 = arith.constant 0 : i32
    %dma_start3A_89 = tpu.memref_slice %arg7[%dma_start3A_87, %dma_start3A_88] : memref<192x256xf32, #tpu.memory_space<vmem>> -> memref<48x256xf32, #tpu.memory_space<vmem>>
    %dma_start3A_90 = arith.constant 0 : i32
    %dma_start3A_91 = tpu.memref_slice %arg5[%add3A_86, %dma_start3A_90] : memref<6144x256xf32, #tpu.memory_space<hbm>> -> memref<48x256xf32, #tpu.memory_space<hbm>>
    %dma_start3A_92 = arith.constant 0 : i32
    %dma_start3A_93 = tpu.memref_slice %arg5[%add3A_86, %dma_start3A_92] : memref<6144x256xf32, #tpu.memory_space<hbm>> -> memref<48x256xf32, #tpu.memory_space<hbm>>
    %dma_start3A_94 = arith.constant 48 : i32
    %dma_start3A_95 = arith.constant 0 : i32
    %dma_start3A_96 = tpu.memref_slice %arg7[%dma_start3A_94, %dma_start3A_95] : memref<192x256xf32, #tpu.memory_space<vmem>> -> memref<48x256xf32, #tpu.memory_space<vmem>>
    tpu.enqueue_dma source(%dma_start3A_96 : memref<48x256xf32, #tpu.memory_space<vmem>>) target(%dma_start3A_93 : memref<48x256xf32, #tpu.memory_space<hbm>>) target_semaphore(%arg14 : memref<!tpu.dma_semaphore, #tpu.memory_space<semaphore_mem>>)
    %dma_wait3A_97 = arith.constant 96 : i32
    %dma_wait3A_98 = arith.constant 0 : i32
    %dma_wait3A_99 = tpu.memref_slice %arg7[%dma_wait3A_97, %dma_wait3A_98] : memref<192x256xf32, #tpu.memory_space<vmem>> -> memref<48x256xf32, #tpu.memory_space<vmem>>
    %dma_wait3A_100 = arith.constant 96 : i32
    %dma_wait3A_101 = tpu.memref_slice %arg6[%dma_wait3A_100] : memref<192xi32, #tpu.memory_space<vmem>> -> memref<48xi32, #tpu.memory_space<vmem>>
    %dma_wait3A_102 = arith.constant 0 : i32
    %dma_wait3A_103 = arith.constant 0 : i32
    %dma_wait3A_104 = tpu.memref_slice %arg2[%dma_wait3A_102, %dma_wait3A_103] : memref<1024x256xf32, #tpu.memory_space<hbm>> -> memref<1024x256xf32, #tpu.memory_space<hbm>>
    tpu.wait_indirect_dma semaphore(%arg11 : memref<!tpu.dma_semaphore, #tpu.memory_space<semaphore_mem>>) src(%dma_wait3A_104 : memref<1024x256xf32, #tpu.memory_space<hbm>>) dst(%dma_wait3A_99 : memref<48x256xf32, #tpu.memory_space<vmem>>)
    %parallel_loop3A_105 = arith.constant 96 : i32
    %parallel_loop3A_106 = arith.constant 144 : i32
    %parallel_loop3A_107 = arith.constant 1 : i32
    scf.for %parallel_loop3A_183 = %parallel_loop3A_105 to %parallel_loop3A_106 step %parallel_loop3A_107  : i32 {
      %parallel_loop3A_184 = arith.index_cast %parallel_loop3A_183 : i32 to index
      %parallel_loop3A_185 = arith.constant 0 : index
      %parallel_loop3A_186 = tpu.vector_load %arg7[%parallel_loop3A_184, %parallel_loop3A_185] {strides = array<i32>} : memref<192x256xf32, #tpu.memory_space<vmem>>, vector<1x16xf32>,
      %parallel_loop3A_187 = vector.shape_cast %parallel_loop3A_186 : vector<1x16xf32> to vector<16xf32>
      %parallel_loop3A_188 = arith.index_cast %parallel_loop3A_183 : i32 to index
      %parallel_loop3A_189 = arith.constant 0 : index
      %parallel_loop3A_190 = tpu.vector_load %arg8[%parallel_loop3A_188, %parallel_loop3A_189] {strides = array<i32>} : memref<192x256xf32, #tpu.memory_space<vmem>>, vector<1x16xf32>,
      %parallel_loop3A_191 = vector.shape_cast %parallel_loop3A_190 : vector<1x16xf32> to vector<16xf32>
      %parallel_loop3A_192 = arith.addf %parallel_loop3A_187, %parallel_loop3A_191 : vector<16xf32>
      %parallel_loop3A_193 = arith.index_cast %parallel_loop3A_183 : i32 to index
      %parallel_loop3A_194 = arith.constant 0 : index
      %parallel_loop3A_195 = tpu.vector_load %arg7[%parallel_loop3A_193, %parallel_loop3A_194] {strides = array<i32>} : memref<192x256xf32, #tpu.memory_space<vmem>>, vector<1x16xf32>,
      %parallel_loop3A_196 = vector.shape_cast %parallel_loop3A_195 : vector<1x16xf32> to vector<16xf32>
      %parallel_loop3A_197 = vector.shape_cast %parallel_loop3A_192 : vector<16xf32> to vector<1x16xf32>
      tpu.vector_store %arg7[%parallel_loop3A_193, %parallel_loop3A_194], %parallel_loop3A_197 {strides = array<i32>} : memref<192x256xf32, #tpu.memory_space<vmem>>, vector<1x16xf32>,
      %parallel_loop3A_198 = arith.index_cast %parallel_loop3A_183 : i32 to index
      %parallel_loop3A_199 = arith.constant 16 : index
      %parallel_loop3A_200 = tpu.vector_load %arg7[%parallel_loop3A_198, %parallel_loop3A_199] {strides = array<i32>} : memref<192x256xf32, #tpu.memory_space<vmem>>, vector<1x16xf32>,
      %parallel_loop3A_201 = vector.shape_cast %parallel_loop3A_200 : vector<1x16xf32> to vector<16xf32>
      %parallel_loop3A_202 = arith.index_cast %parallel_loop3A_183 : i32 to index
      %parallel_loop3A_203 = arith.constant 16 : index
      %parallel_loop3A_204 = tpu.vector_load %arg8[%parallel_loop3A_202, %parallel_loop3A_203] {strides = array<i32>} : memref<192x256xf32, #tpu.memory_space<vmem>>, vector<1x16xf32>,
      %parallel_loop3A_205 = vector.shape_cast %parallel_loop3A_204 : vector<1x16xf32> to vector<16xf32>
      %parallel_loop3A_206 = arith.addf %parallel_loop3A_201, %parallel_loop3A_205 : vector<16xf32>
      %parallel_loop3A_207 = arith.index_cast %parallel_loop3A_183 : i32 to index
      %parallel_loop3A_208 = arith.constant 16 : index
      %parallel_loop3A_209 = tpu.vector_load %arg7[%parallel_loop3A_207, %parallel_loop3A_208] {strides = array<i32>} : memref<192x256xf32, #tpu.memory_space<vmem>>, vector<1x16xf32>,
      %parallel_loop3A_210 = vector.shape_cast %parallel_loop3A_209 : vector<1x16xf32> to vector<16xf32>
      %parallel_loop3A_211 = vector.shape_cast %parallel_loop3A_206 : vector<16xf32> to vector<1x16xf32>
      tpu.vector_store %arg7[%parallel_loop3A_207, %parallel_loop3A_208], %parallel_loop3A_211 {strides = array<i32>} : memref<192x256xf32, #tpu.memory_space<vmem>>, vector<1x16xf32>,
      %parallel_loop3A_212 = arith.index_cast %parallel_loop3A_183 : i32 to index
      %parallel_loop3A_213 = arith.constant 32 : index
      %parallel_loop3A_214 = tpu.vector_load %arg7[%parallel_loop3A_212, %parallel_loop3A_213] {strides = array<i32>} : memref<192x256xf32, #tpu.memory_space<vmem>>, vector<1x16xf32>,
      %parallel_loop3A_215 = vector.shape_cast %parallel_loop3A_214 : vector<1x16xf32> to vector<16xf32>
      %parallel_loop3A_216 = arith.index_cast %parallel_loop3A_183 : i32 to index
      %parallel_loop3A_217 = arith.constant 32 : index
      %parallel_loop3A_218 = tpu.vector_load %arg8[%parallel_loop3A_216, %parallel_loop3A_217] {strides = array<i32>} : memref<192x256xf32, #tpu.memory_space<vmem>>, vector<1x16xf32>,
      %parallel_loop3A_219 = vector.shape_cast %parallel_loop3A_218 : vector<1x16xf32> to vector<16xf32>
      %parallel_loop3A_220 = arith.addf %parallel_loop3A_215, %parallel_loop3A_219 : vector<16xf32>
      %parallel_loop3A_221 = arith.index_cast %parallel_loop3A_183 : i32 to index
      %parallel_loop3A_222 = arith.constant 32 : index
      %parallel_loop3A_223 = tpu.vector_load %arg7[%parallel_loop3A_221, %parallel_loop3A_222] {strides = array<i32>} : memref<192x256xf32, #tpu.memory_space<vmem>>, vector<1x16xf32>,
      %parallel_loop3A_224 = vector.shape_cast %parallel_loop3A_223 : vector<1x16xf32> to vector<16xf32>
      %parallel_loop3A_225 = vector.shape_cast %parallel_loop3A_220 : vector<16xf32> to vector<1x16xf32>
      tpu.vector_store %arg7[%parallel_loop3A_221, %parallel_loop3A_222], %parallel_loop3A_225 {strides = array<i32>} : memref<192x256xf32, #tpu.memory_space<vmem>>, vector<1x16xf32>,
      %parallel_loop3A_226 = arith.index_cast %parallel_loop3A_183 : i32 to index
      %parallel_loop3A_227 = arith.constant 48 : index
      %parallel_loop3A_228 = tpu.vector_load %arg7[%parallel_loop3A_226, %parallel_loop3A_227] {strides = array<i32>} : memref<192x256xf32, #tpu.memory_space<vmem>>, vector<1x16xf32>,
      %parallel_loop3A_229 = vector.shape_cast %parallel_loop3A_228 : vector<1x16xf32> to vector<16xf32>
      %parallel_loop3A_230 = arith.index_cast %parallel_loop3A_183 : i32 to index
      %parallel_loop3A_231 = arith.constant 48 : index
      %parallel_loop3A_232 = tpu.vector_load %arg8[%parallel_loop3A_230, %parallel_loop3A_231] {strides = array<i32>} : memref<192x256xf32, #tpu.memory_space<vmem>>, vector<1x16xf32>,
      %parallel_loop3A_233 = vector.shape_cast %parallel_loop3A_232 : vector<1x16xf32> to vector<16xf32>
      %parallel_loop3A_234 = arith.addf %parallel_loop3A_229, %parallel_loop3A_233 : vector<16xf32>
      %parallel_loop3A_235 = arith.index_cast %parallel_loop3A_183 : i32 to index
      %parallel_loop3A_236 = arith.constant 48 : index
      %parallel_loop3A_237 = tpu.vector_load %arg7[%parallel_loop3A_235, %parallel_loop3A_236] {strides = array<i32>} : memref<192x256xf32, #tpu.memory_space<vmem>>, vector<1x16xf32>,
      %parallel_loop3A_238 = vector.shape_cast %parallel_loop3A_237 : vector<1x16xf32> to vector<16xf32>
      %parallel_loop3A_239 = vector.shape_cast %parallel_loop3A_234 : vector<16xf32> to vector<1x16xf32>
      tpu.vector_store %arg7[%parallel_loop3A_235, %parallel_loop3A_236], %parallel_loop3A_239 {strides = array<i32>} : memref<192x256xf32, #tpu.memory_space<vmem>>, vector<1x16xf32>,
      %parallel_loop3A_240 = arith.index_cast %parallel_loop3A_183 : i32 to index
      %parallel_loop3A_241 = arith.constant 64 : index
      %parallel_loop3A_242 = tpu.vector_load %arg7[%parallel_loop3A_240, %parallel_loop3A_241] {strides = array<i32>} : memref<192x256xf32, #tpu.memory_space<vmem>>, vector<1x16xf32>,
      %parallel_loop3A_243 = vector.shape_cast %parallel_loop3A_242 : vector<1x16xf32> to vector<16xf32>
      %parallel_loop3A_244 = arith.index_cast %parallel_loop3A_183 : i32 to index
      %parallel_loop3A_245 = arith.constant 64 : index
      %parallel_loop3A_246 = tpu.vector_load %arg8[%parallel_loop3A_244, %parallel_loop3A_245] {strides = array<i32>} : memref<192x256xf32, #tpu.memory_space<vmem>>, vector<1x16xf32>,
      %parallel_loop3A_247 = vector.shape_cast %parallel_loop3A_246 : vector<1x16xf32> to vector<16xf32>
      %parallel_loop3A_248 = arith.addf %parallel_loop3A_243, %parallel_loop3A_247 : vector<16xf32>
      %parallel_loop3A_249 = arith.index_cast %parallel_loop3A_183 : i32 to index
      %parallel_loop3A_250 = arith.constant 64 : index
      %parallel_loop3A_251 = tpu.vector_load %arg7[%parallel_loop3A_249, %parallel_loop3A_250] {strides = array<i32>} : memref<192x256xf32, #tpu.memory_space<vmem>>, vector<1x16xf32>,
      %parallel_loop3A_252 = vector.shape_cast %parallel_loop3A_251 : vector<1x16xf32> to vector<16xf32>
      %parallel_loop3A_253 = vector.shape_cast %parallel_loop3A_248 : vector<16xf32> to vector<1x16xf32>
      tpu.vector_store %arg7[%parallel_loop3A_249, %parallel_loop3A_250], %parallel_loop3A_253 {strides = array<i32>} : memref<192x256xf32, #tpu.memory_space<vmem>>, vector<1x16xf32>,
      %parallel_loop3A_254 = arith.index_cast %parallel_loop3A_183 : i32 to index
      %parallel_loop3A_255 = arith.constant 80 : index
      %parallel_loop3A_256 = tpu.vector_load %arg7[%parallel_loop3A_254, %parallel_loop3A_255] {strides = array<i32>} : memref<192x256xf32, #tpu.memory_space<vmem>>, vector<1x16xf32>,
      %parallel_loop3A_257 = vector.shape_cast %parallel_loop3A_256 : vector<1x16xf32> to vector<16xf32>
      %parallel_loop3A_258 = arith.index_cast %parallel_loop3A_183 : i32 to index
      %parallel_loop3A_259 = arith.constant 80 : index
      %parallel_loop3A_260 = tpu.vector_load %arg8[%parallel_loop3A_258, %parallel_loop3A_259] {strides = array<i32>} : memref<192x256xf32, #tpu.memory_space<vmem>>, vector<1x16xf32>,
      %parallel_loop3A_261 = vector.shape_cast %parallel_loop3A_260 : vector<1x16xf32> to vector<16xf32>
      %parallel_loop3A_262 = arith.addf %parallel_loop3A_257, %parallel_loop3A_261 : vector<16xf32>
      %parallel_loop3A_263 = arith.index_cast %parallel_loop3A_183 : i32 to index
      %parallel_loop3A_264 = arith.constant 80 : index
      %parallel_loop3A_265 = tpu.vector_load %arg7[%parallel_loop3A_263, %parallel_loop3A_264] {strides = array<i32>} : memref<192x256xf32, #tpu.memory_space<vmem>>, vector<1x16xf32>,
      %parallel_loop3A_266 = vector.shape_cast %parallel_loop3A_265 : vector<1x16xf32> to vector<16xf32>
      %parallel_loop3A_267 = vector.shape_cast %parallel_loop3A_262 : vector<16xf32> to vector<1x16xf32>
      tpu.vector_store %arg7[%parallel_loop3A_263, %parallel_loop3A_264], %parallel_loop3A_267 {strides = array<i32>} : memref<192x256xf32, #tpu.memory_space<vmem>>, vector<1x16xf32>,
      %parallel_loop3A_268 = arith.index_cast %parallel_loop3A_183 : i32 to index
      %parallel_loop3A_269 = arith.constant 96 : index
      %parallel_loop3A_270 = tpu.vector_load %arg7[%parallel_loop3A_268, %parallel_loop3A_269] {strides = array<i32>} : memref<192x256xf32, #tpu.memory_space<vmem>>, vector<1x16xf32>,
      %parallel_loop3A_271 = vector.shape_cast %parallel_loop3A_270 : vector<1x16xf32> to vector<16xf32>
      %parallel_loop3A_272 = arith.index_cast %parallel_loop3A_183 : i32 to index
      %parallel_loop3A_273 = arith.constant 96 : index
      %parallel_loop3A_274 = tpu.vector_load %arg8[%parallel_loop3A_272, %parallel_loop3A_273] {strides = array<i32>} : memref<192x256xf32, #tpu.memory_space<vmem>>, vector<1x16xf32>,
      %parallel_loop3A_275 = vector.shape_cast %parallel_loop3A_274 : vector<1x16xf32> to vector<16xf32>
      %parallel_loop3A_276 = arith.addf %parallel_loop3A_271, %parallel_loop3A_275 : vector<16xf32>
      %parallel_loop3A_277 = arith.index_cast %parallel_loop3A_183 : i32 to index
      %parallel_loop3A_278 = arith.constant 96 : index
      %parallel_loop3A_279 = tpu.vector_load %arg7[%parallel_loop3A_277, %parallel_loop3A_278] {strides = array<i32>} : memref<192x256xf32, #tpu.memory_space<vmem>>, vector<1x16xf32>,
      %parallel_loop3A_280 = vector.shape_cast %parallel_loop3A_279 : vector<1x16xf32> to vector<16xf32>
      %parallel_loop3A_281 = vector.shape_cast %parallel_loop3A_276 : vector<16xf32> to vector<1x16xf32>
      tpu.vector_store %arg7[%parallel_loop3A_277, %parallel_loop3A_278], %parallel_loop3A_281 {strides = array<i32>} : memref<192x256xf32, #tpu.memory_space<vmem>>, vector<1x16xf32>,
      %parallel_loop3A_282 = arith.index_cast %parallel_loop3A_183 : i32 to index
      %parallel_loop3A_283 = arith.constant 112 : index
      %parallel_loop3A_284 = tpu.vector_load %arg7[%parallel_loop3A_282, %parallel_loop3A_283] {strides = array<i32>} : memref<192x256xf32, #tpu.memory_space<vmem>>, vector<1x16xf32>,
      %parallel_loop3A_285 = vector.shape_cast %parallel_loop3A_284 : vector<1x16xf32> to vector<16xf32>
      %parallel_loop3A_286 = arith.index_cast %parallel_loop3A_183 : i32 to index
      %parallel_loop3A_287 = arith.constant 112 : index
      %parallel_loop3A_288 = tpu.vector_load %arg8[%parallel_loop3A_286, %parallel_loop3A_287] {strides = array<i32>} : memref<192x256xf32, #tpu.memory_space<vmem>>, vector<1x16xf32>,
      %parallel_loop3A_289 = vector.shape_cast %parallel_loop3A_288 : vector<1x16xf32> to vector<16xf32>
      %parallel_loop3A_290 = arith.addf %parallel_loop3A_285, %parallel_loop3A_289 : vector<16xf32>
      %parallel_loop3A_291 = arith.index_cast %parallel_loop3A_183 : i32 to index
      %parallel_loop3A_292 = arith.constant 112 : index
      %parallel_loop3A_293 = tpu.vector_load %arg7[%parallel_loop3A_291, %parallel_loop3A_292] {strides = array<i32>} : memref<192x256xf32, #tpu.memory_space<vmem>>, vector<1x16xf32>,
      %parallel_loop3A_294 = vector.shape_cast %parallel_loop3A_293 : vector<1x16xf32> to vector<16xf32>
      %parallel_loop3A_295 = vector.shape_cast %parallel_loop3A_290 : vector<16xf32> to vector<1x16xf32>
      tpu.vector_store %arg7[%parallel_loop3A_291, %parallel_loop3A_292], %parallel_loop3A_295 {strides = array<i32>} : memref<192x256xf32, #tpu.memory_space<vmem>>, vector<1x16xf32>,
      %parallel_loop3A_296 = arith.index_cast %parallel_loop3A_183 : i32 to index
      %parallel_loop3A_297 = arith.constant 128 : index
      %parallel_loop3A_298 = tpu.vector_load %arg7[%parallel_loop3A_296, %parallel_loop3A_297] {strides = array<i32>} : memref<192x256xf32, #tpu.memory_space<vmem>>, vector<1x16xf32>,
      %parallel_loop3A_299 = vector.shape_cast %parallel_loop3A_298 : vector<1x16xf32> to vector<16xf32>
      %parallel_loop3A_300 = arith.index_cast %parallel_loop3A_183 : i32 to index
      %parallel_loop3A_301 = arith.constant 128 : index
      %parallel_loop3A_302 = tpu.vector_load %arg8[%parallel_loop3A_300, %parallel_loop3A_301] {strides = array<i32>} : memref<192x256xf32, #tpu.memory_space<vmem>>, vector<1x16xf32>,
      %parallel_loop3A_303 = vector.shape_cast %parallel_loop3A_302 : vector<1x16xf32> to vector<16xf32>
      %parallel_loop3A_304 = arith.addf %parallel_loop3A_299, %parallel_loop3A_303 : vector<16xf32>
      %parallel_loop3A_305 = arith.index_cast %parallel_loop3A_183 : i32 to index
      %parallel_loop3A_306 = arith.constant 128 : index
      %parallel_loop3A_307 = tpu.vector_load %arg7[%parallel_loop3A_305, %parallel_loop3A_306] {strides = array<i32>} : memref<192x256xf32, #tpu.memory_space<vmem>>, vector<1x16xf32>,
      %parallel_loop3A_308 = vector.shape_cast %parallel_loop3A_307 : vector<1x16xf32> to vector<16xf32>
      %parallel_loop3A_309 = vector.shape_cast %parallel_loop3A_304 : vector<16xf32> to vector<1x16xf32>
      tpu.vector_store %arg7[%parallel_loop3A_305, %parallel_loop3A_306], %parallel_loop3A_309 {strides = array<i32>} : memref<192x256xf32, #tpu.memory_space<vmem>>, vector<1x16xf32>,
      %parallel_loop3A_310 = arith.index_cast %parallel_loop3A_183 : i32 to index
      %parallel_loop3A_311 = arith.constant 144 : index
      %parallel_loop3A_312 = tpu.vector_load %arg7[%parallel_loop3A_310, %parallel_loop3A_311] {strides = array<i32>} : memref<192x256xf32, #tpu.memory_space<vmem>>, vector<1x16xf32>,
      %parallel_loop3A_313 = vector.shape_cast %parallel_loop3A_312 : vector<1x16xf32> to vector<16xf32>
      %parallel_loop3A_314 = arith.index_cast %parallel_loop3A_183 : i32 to index
      %parallel_loop3A_315 = arith.constant 144 : index
      %parallel_loop3A_316 = tpu.vector_load %arg8[%parallel_loop3A_314, %parallel_loop3A_315] {strides = array<i32>} : memref<192x256xf32, #tpu.memory_space<vmem>>, vector<1x16xf32>,
      %parallel_loop3A_317 = vector.shape_cast %parallel_loop3A_316 : vector<1x16xf32> to vector<16xf32>
      %parallel_loop3A_318 = arith.addf %parallel_loop3A_313, %parallel_loop3A_317 : vector<16xf32>
      %parallel_loop3A_319 = arith.index_cast %parallel_loop3A_183 : i32 to index
      %parallel_loop3A_320 = arith.constant 144 : index
      %parallel_loop3A_321 = tpu.vector_load %arg7[%parallel_loop3A_319, %parallel_loop3A_320] {strides = array<i32>} : memref<192x256xf32, #tpu.memory_space<vmem>>, vector<1x16xf32>,
      %parallel_loop3A_322 = vector.shape_cast %parallel_loop3A_321 : vector<1x16xf32> to vector<16xf32>
      %parallel_loop3A_323 = vector.shape_cast %parallel_loop3A_318 : vector<16xf32> to vector<1x16xf32>
      tpu.vector_store %arg7[%parallel_loop3A_319, %parallel_loop3A_320], %parallel_loop3A_323 {strides = array<i32>} : memref<192x256xf32, #tpu.memory_space<vmem>>, vector<1x16xf32>,
      %parallel_loop3A_324 = arith.index_cast %parallel_loop3A_183 : i32 to index
      %parallel_loop3A_325 = arith.constant 160 : index
      %parallel_loop3A_326 = tpu.vector_load %arg7[%parallel_loop3A_324, %parallel_loop3A_325] {strides = array<i32>} : memref<192x256xf32, #tpu.memory_space<vmem>>, vector<1x16xf32>,
      %parallel_loop3A_327 = vector.shape_cast %parallel_loop3A_326 : vector<1x16xf32> to vector<16xf32>
      %parallel_loop3A_328 = arith.index_cast %parallel_loop3A_183 : i32 to index
      %parallel_loop3A_329 = arith.constant 160 : index
      %parallel_loop3A_330 = tpu.vector_load %arg8[%parallel_loop3A_328, %parallel_loop3A_329] {strides = array<i32>} : memref<192x256xf32, #tpu.memory_space<vmem>>, vector<1x16xf32>,
      %parallel_loop3A_331 = vector.shape_cast %parallel_loop3A_330 : vector<1x16xf32> to vector<16xf32>
      %parallel_loop3A_332 = arith.addf %parallel_loop3A_327, %parallel_loop3A_331 : vector<16xf32>
      %parallel_loop3A_333 = arith.index_cast %parallel_loop3A_183 : i32 to index
      %parallel_loop3A_334 = arith.constant 160 : index
      %parallel_loop3A_335 = tpu.vector_load %arg7[%parallel_loop3A_333, %parallel_loop3A_334] {strides = array<i32>} : memref<192x256xf32, #tpu.memory_space<vmem>>, vector<1x16xf32>,
      %parallel_loop3A_336 = vector.shape_cast %parallel_loop3A_335 : vector<1x16xf32> to vector<16xf32>
      %parallel_loop3A_337 = vector.shape_cast %parallel_loop3A_332 : vector<16xf32> to vector<1x16xf32>
      tpu.vector_store %arg7[%parallel_loop3A_333, %parallel_loop3A_334], %parallel_loop3A_337 {strides = array<i32>} : memref<192x256xf32, #tpu.memory_space<vmem>>, vector<1x16xf32>,
      %parallel_loop3A_338 = arith.index_cast %parallel_loop3A_183 : i32 to index
      %parallel_loop3A_339 = arith.constant 176 : index
      %parallel_loop3A_340 = tpu.vector_load %arg7[%parallel_loop3A_338, %parallel_loop3A_339] {strides = array<i32>} : memref<192x256xf32, #tpu.memory_space<vmem>>, vector<1x16xf32>,
      %parallel_loop3A_341 = vector.shape_cast %parallel_loop3A_340 : vector<1x16xf32> to vector<16xf32>
      %parallel_loop3A_342 = arith.index_cast %parallel_loop3A_183 : i32 to index
      %parallel_loop3A_343 = arith.constant 176 : index
      %parallel_loop3A_344 = tpu.vector_load %arg8[%parallel_loop3A_342, %parallel_loop3A_343] {strides = array<i32>} : memref<192x256xf32, #tpu.memory_space<vmem>>, vector<1x16xf32>,
      %parallel_loop3A_345 = vector.shape_cast %parallel_loop3A_344 : vector<1x16xf32> to vector<16xf32>
      %parallel_loop3A_346 = arith.addf %parallel_loop3A_341, %parallel_loop3A_345 : vector<16xf32>
      %parallel_loop3A_347 = arith.index_cast %parallel_loop3A_183 : i32 to index
      %parallel_loop3A_348 = arith.constant 176 : index
      %parallel_loop3A_349 = tpu.vector_load %arg7[%parallel_loop3A_347, %parallel_loop3A_348] {strides = array<i32>} : memref<192x256xf32, #tpu.memory_space<vmem>>, vector<1x16xf32>,
      %parallel_loop3A_350 = vector.shape_cast %parallel_loop3A_349 : vector<1x16xf32> to vector<16xf32>
      %parallel_loop3A_351 = vector.shape_cast %parallel_loop3A_346 : vector<16xf32> to vector<1x16xf32>
      tpu.vector_store %arg7[%parallel_loop3A_347, %parallel_loop3A_348], %parallel_loop3A_351 {strides = array<i32>} : memref<192x256xf32, #tpu.memory_space<vmem>>, vector<1x16xf32>,
      %parallel_loop3A_352 = arith.index_cast %parallel_loop3A_183 : i32 to index
      %parallel_loop3A_353 = arith.constant 192 : index
      %parallel_loop3A_354 = tpu.vector_load %arg7[%parallel_loop3A_352, %parallel_loop3A_353] {strides = array<i32>} : memref<192x256xf32, #tpu.memory_space<vmem>>, vector<1x16xf32>,
      %parallel_loop3A_355 = vector.shape_cast %parallel_loop3A_354 : vector<1x16xf32> to vector<16xf32>
      %parallel_loop3A_356 = arith.index_cast %parallel_loop3A_183 : i32 to index
      %parallel_loop3A_357 = arith.constant 192 : index
      %parallel_loop3A_358 = tpu.vector_load %arg8[%parallel_loop3A_356, %parallel_loop3A_357] {strides = array<i32>} : memref<192x256xf32, #tpu.memory_space<vmem>>, vector<1x16xf32>,
      %parallel_loop3A_359 = vector.shape_cast %parallel_loop3A_358 : vector<1x16xf32> to vector<16xf32>
      %parallel_loop3A_360 = arith.addf %parallel_loop3A_355, %parallel_loop3A_359 : vector<16xf32>
      %parallel_loop3A_361 = arith.index_cast %parallel_loop3A_183 : i32 to index
      %parallel_loop3A_362 = arith.constant 192 : index
      %parallel_loop3A_363 = tpu.vector_load %arg7[%parallel_loop3A_361, %parallel_loop3A_362] {strides = array<i32>} : memref<192x256xf32, #tpu.memory_space<vmem>>, vector<1x16xf32>,
      %parallel_loop3A_364 = vector.shape_cast %parallel_loop3A_363 : vector<1x16xf32> to vector<16xf32>
      %parallel_loop3A_365 = vector.shape_cast %parallel_loop3A_360 : vector<16xf32> to vector<1x16xf32>
      tpu.vector_store %arg7[%parallel_loop3A_361, %parallel_loop3A_362], %parallel_loop3A_365 {strides = array<i32>} : memref<192x256xf32, #tpu.memory_space<vmem>>, vector<1x16xf32>,
      %parallel_loop3A_366 = arith.index_cast %parallel_loop3A_183 : i32 to index
      %parallel_loop3A_367 = arith.constant 208 : index
      %parallel_loop3A_368 = tpu.vector_load %arg7[%parallel_loop3A_366, %parallel_loop3A_367] {strides = array<i32>} : memref<192x256xf32, #tpu.memory_space<vmem>>, vector<1x16xf32>,
      %parallel_loop3A_369 = vector.shape_cast %parallel_loop3A_368 : vector<1x16xf32> to vector<16xf32>
      %parallel_loop3A_370 = arith.index_cast %parallel_loop3A_183 : i32 to index
      %parallel_loop3A_371 = arith.constant 208 : index
      %parallel_loop3A_372 = tpu.vector_load %arg8[%parallel_loop3A_370, %parallel_loop3A_371] {strides = array<i32>} : memref<192x256xf32, #tpu.memory_space<vmem>>, vector<1x16xf32>,
      %parallel_loop3A_373 = vector.shape_cast %parallel_loop3A_372 : vector<1x16xf32> to vector<16xf32>
      %parallel_loop3A_374 = arith.addf %parallel_loop3A_369, %parallel_loop3A_373 : vector<16xf32>
      %parallel_loop3A_375 = arith.index_cast %parallel_loop3A_183 : i32 to index
      %parallel_loop3A_376 = arith.constant 208 : index
      %parallel_loop3A_377 = tpu.vector_load %arg7[%parallel_loop3A_375, %parallel_loop3A_376] {strides = array<i32>} : memref<192x256xf32, #tpu.memory_space<vmem>>, vector<1x16xf32>,
      %parallel_loop3A_378 = vector.shape_cast %parallel_loop3A_377 : vector<1x16xf32> to vector<16xf32>
      %parallel_loop3A_379 = vector.shape_cast %parallel_loop3A_374 : vector<16xf32> to vector<1x16xf32>
      tpu.vector_store %arg7[%parallel_loop3A_375, %parallel_loop3A_376], %parallel_loop3A_379 {strides = array<i32>} : memref<192x256xf32, #tpu.memory_space<vmem>>, vector<1x16xf32>,
      %parallel_loop3A_380 = arith.index_cast %parallel_loop3A_183 : i32 to index
      %parallel_loop3A_381 = arith.constant 224 : index
      %parallel_loop3A_382 = tpu.vector_load %arg7[%parallel_loop3A_380, %parallel_loop3A_381] {strides = array<i32>} : memref<192x256xf32, #tpu.memory_space<vmem>>, vector<1x16xf32>,
      %parallel_loop3A_383 = vector.shape_cast %parallel_loop3A_382 : vector<1x16xf32> to vector<16xf32>
      %parallel_loop3A_384 = arith.index_cast %parallel_loop3A_183 : i32 to index
      %parallel_loop3A_385 = arith.constant 224 : index
      %parallel_loop3A_386 = tpu.vector_load %arg8[%parallel_loop3A_384, %parallel_loop3A_385] {strides = array<i32>} : memref<192x256xf32, #tpu.memory_space<vmem>>, vector<1x16xf32>,
      %parallel_loop3A_387 = vector.shape_cast %parallel_loop3A_386 : vector<1x16xf32> to vector<16xf32>
      %parallel_loop3A_388 = arith.addf %parallel_loop3A_383, %parallel_loop3A_387 : vector<16xf32>
      %parallel_loop3A_389 = arith.index_cast %parallel_loop3A_183 : i32 to index
      %parallel_loop3A_390 = arith.constant 224 : index
      %parallel_loop3A_391 = tpu.vector_load %arg7[%parallel_loop3A_389, %parallel_loop3A_390] {strides = array<i32>} : memref<192x256xf32, #tpu.memory_space<vmem>>, vector<1x16xf32>,
      %parallel_loop3A_392 = vector.shape_cast %parallel_loop3A_391 : vector<1x16xf32> to vector<16xf32>
      %parallel_loop3A_393 = vector.shape_cast %parallel_loop3A_388 : vector<16xf32> to vector<1x16xf32>
      tpu.vector_store %arg7[%parallel_loop3A_389, %parallel_loop3A_390], %parallel_loop3A_393 {strides = array<i32>} : memref<192x256xf32, #tpu.memory_space<vmem>>, vector<1x16xf32>,
      %parallel_loop3A_394 = arith.index_cast %parallel_loop3A_183 : i32 to index
      %parallel_loop3A_395 = arith.constant 240 : index
      %parallel_loop3A_396 = tpu.vector_load %arg7[%parallel_loop3A_394, %parallel_loop3A_395] {strides = array<i32>} : memref<192x256xf32, #tpu.memory_space<vmem>>, vector<1x16xf32>,
      %parallel_loop3A_397 = vector.shape_cast %parallel_loop3A_396 : vector<1x16xf32> to vector<16xf32>
      %parallel_loop3A_398 = arith.index_cast %parallel_loop3A_183 : i32 to index
      %parallel_loop3A_399 = arith.constant 240 : index
      %parallel_loop3A_400 = tpu.vector_load %arg8[%parallel_loop3A_398, %parallel_loop3A_399] {strides = array<i32>} : memref<192x256xf32, #tpu.memory_space<vmem>>, vector<1x16xf32>,
      %parallel_loop3A_401 = vector.shape_cast %parallel_loop3A_400 : vector<1x16xf32> to vector<16xf32>
      %parallel_loop3A_402 = arith.addf %parallel_loop3A_397, %parallel_loop3A_401 : vector<16xf32>
      %parallel_loop3A_403 = arith.index_cast %parallel_loop3A_183 : i32 to index
      %parallel_loop3A_404 = arith.constant 240 : index
      %parallel_loop3A_405 = tpu.vector_load %arg7[%parallel_loop3A_403, %parallel_loop3A_404] {strides = array<i32>} : memref<192x256xf32, #tpu.memory_space<vmem>>, vector<1x16xf32>,
      %parallel_loop3A_406 = vector.shape_cast %parallel_loop3A_405 : vector<1x16xf32> to vector<16xf32>
      %parallel_loop3A_407 = vector.shape_cast %parallel_loop3A_402 : vector<16xf32> to vector<1x16xf32>
      tpu.vector_store %arg7[%parallel_loop3A_403, %parallel_loop3A_404], %parallel_loop3A_407 {strides = array<i32>} : memref<192x256xf32, #tpu.memory_space<vmem>>, vector<1x16xf32>,
    } {sc.loop_unroll_factor = 2 : i64, sc.parallel_access}
    %add3A_108 = arith.constant 96 : i32
    %add3A_109 = arith.addi %mul3A_2, %add3A_108 : i32
    %dma_start3A_110 = arith.constant 96 : i32
    %dma_start3A_111 = arith.constant 0 : i32
    %dma_start3A_112 = tpu.memref_slice %arg7[%dma_start3A_110, %dma_start3A_111] : memref<192x256xf32, #tpu.memory_space<vmem>> -> memref<48x256xf32, #tpu.memory_space<vmem>>
    %dma_start3A_113 = arith.constant 0 : i32
    %dma_start3A_114 = tpu.memref_slice %arg5[%add3A_109, %dma_start3A_113] : memref<6144x256xf32, #tpu.memory_space<hbm>> -> memref<48x256xf32, #tpu.memory_space<hbm>>
    %dma_start3A_115 = arith.constant 0 : i32
    %dma_start3A_116 = tpu.memref_slice %arg5[%add3A_109, %dma_start3A_115] : memref<6144x256xf32, #tpu.memory_space<hbm>> -> memref<48x256xf32, #tpu.memory_space<hbm>>
    %dma_start3A_117 = arith.constant 96 : i32
    %dma_start3A_118 = arith.constant 0 : i32
    %dma_start3A_119 = tpu.memref_slice %arg7[%dma_start3A_117, %dma_start3A_118] : memref<192x256xf32, #tpu.memory_space<vmem>> -> memref<48x256xf32, #tpu.memory_space<vmem>>
    tpu.enqueue_dma source(%dma_start3A_119 : memref<48x256xf32, #tpu.memory_space<vmem>>) target(%dma_start3A_116 : memref<48x256xf32, #tpu.memory_space<hbm>>) target_semaphore(%arg14 : memref<!tpu.dma_semaphore, #tpu.memory_space<semaphore_mem>>)
    %dma_wait3A_120 = arith.constant 144 : i32
    %dma_wait3A_121 = arith.constant 0 : i32
    %dma_wait3A_122 = tpu.memref_slice %arg7[%dma_wait3A_120, %dma_wait3A_121] : memref<192x256xf32, #tpu.memory_space<vmem>> -> memref<48x256xf32, #tpu.memory_space<vmem>>
    %dma_wait3A_123 = arith.constant 144 : i32
    %dma_wait3A_124 = tpu.memref_slice %arg6[%dma_wait3A_123] : memref<192xi32, #tpu.memory_space<vmem>> -> memref<48xi32, #tpu.memory_space<vmem>>
    %dma_wait3A_125 = arith.constant 0 : i32
    %dma_wait3A_126 = arith.constant 0 : i32
    %dma_wait3A_127 = tpu.memref_slice %arg2[%dma_wait3A_125, %dma_wait3A_126] : memref<1024x256xf32, #tpu.memory_space<hbm>> -> memref<1024x256xf32, #tpu.memory_space<hbm>>
    tpu.wait_indirect_dma semaphore(%arg12 : memref<!tpu.dma_semaphore, #tpu.memory_space<semaphore_mem>>) src(%dma_wait3A_127 : memref<1024x256xf32, #tpu.memory_space<hbm>>) dst(%dma_wait3A_122 : memref<48x256xf32, #tpu.memory_space<vmem>>)
    %parallel_loop3A_128 = arith.constant 144 : i32
    %parallel_loop3A_129 = arith.constant 192 : i32
    %parallel_loop3A_130 = arith.constant 1 : i32
    scf.for %parallel_loop3A_183 = %parallel_loop3A_128 to %parallel_loop3A_129 step %parallel_loop3A_130  : i32 {
      %parallel_loop3A_184 = arith.index_cast %parallel_loop3A_183 : i32 to index
      %parallel_loop3A_185 = arith.constant 0 : index
      %parallel_loop3A_186 = tpu.vector_load %arg7[%parallel_loop3A_184, %parallel_loop3A_185] {strides = array<i32>} : memref<192x256xf32, #tpu.memory_space<vmem>>, vector<1x16xf32>,
      %parallel_loop3A_187 = vector.shape_cast %parallel_loop3A_186 : vector<1x16xf32> to vector<16xf32>
      %parallel_loop3A_188 = arith.index_cast %parallel_loop3A_183 : i32 to index
      %parallel_loop3A_189 = arith.constant 0 : index
      %parallel_loop3A_190 = tpu.vector_load %arg8[%parallel_loop3A_188, %parallel_loop3A_189] {strides = array<i32>} : memref<192x256xf32, #tpu.memory_space<vmem>>, vector<1x16xf32>,
      %parallel_loop3A_191 = vector.shape_cast %parallel_loop3A_190 : vector<1x16xf32> to vector<16xf32>
      %parallel_loop3A_192 = arith.addf %parallel_loop3A_187, %parallel_loop3A_191 : vector<16xf32>
      %parallel_loop3A_193 = arith.index_cast %parallel_loop3A_183 : i32 to index
      %parallel_loop3A_194 = arith.constant 0 : index
      %parallel_loop3A_195 = tpu.vector_load %arg7[%parallel_loop3A_193, %parallel_loop3A_194] {strides = array<i32>} : memref<192x256xf32, #tpu.memory_space<vmem>>, vector<1x16xf32>,
      %parallel_loop3A_196 = vector.shape_cast %parallel_loop3A_195 : vector<1x16xf32> to vector<16xf32>
      %parallel_loop3A_197 = vector.shape_cast %parallel_loop3A_192 : vector<16xf32> to vector<1x16xf32>
      tpu.vector_store %arg7[%parallel_loop3A_193, %parallel_loop3A_194], %parallel_loop3A_197 {strides = array<i32>} : memref<192x256xf32, #tpu.memory_space<vmem>>, vector<1x16xf32>,
      %parallel_loop3A_198 = arith.index_cast %parallel_loop3A_183 : i32 to index
      %parallel_loop3A_199 = arith.constant 16 : index
      %parallel_loop3A_200 = tpu.vector_load %arg7[%parallel_loop3A_198, %parallel_loop3A_199] {strides = array<i32>} : memref<192x256xf32, #tpu.memory_space<vmem>>, vector<1x16xf32>,
      %parallel_loop3A_201 = vector.shape_cast %parallel_loop3A_200 : vector<1x16xf32> to vector<16xf32>
      %parallel_loop3A_202 = arith.index_cast %parallel_loop3A_183 : i32 to index
      %parallel_loop3A_203 = arith.constant 16 : index
      %parallel_loop3A_204 = tpu.vector_load %arg8[%parallel_loop3A_202, %parallel_loop3A_203] {strides = array<i32>} : memref<192x256xf32, #tpu.memory_space<vmem>>, vector<1x16xf32>,
      %parallel_loop3A_205 = vector.shape_cast %parallel_loop3A_204 : vector<1x16xf32> to vector<16xf32>
      %parallel_loop3A_206 = arith.addf %parallel_loop3A_201, %parallel_loop3A_205 : vector<16xf32>
      %parallel_loop3A_207 = arith.index_cast %parallel_loop3A_183 : i32 to index
      %parallel_loop3A_208 = arith.constant 16 : index
      %parallel_loop3A_209 = tpu.vector_load %arg7[%parallel_loop3A_207, %parallel_loop3A_208] {strides = array<i32>} : memref<192x256xf32, #tpu.memory_space<vmem>>, vector<1x16xf32>,
      %parallel_loop3A_210 = vector.shape_cast %parallel_loop3A_209 : vector<1x16xf32> to vector<16xf32>
      %parallel_loop3A_211 = vector.shape_cast %parallel_loop3A_206 : vector<16xf32> to vector<1x16xf32>
      tpu.vector_store %arg7[%parallel_loop3A_207, %parallel_loop3A_208], %parallel_loop3A_211 {strides = array<i32>} : memref<192x256xf32, #tpu.memory_space<vmem>>, vector<1x16xf32>,
      %parallel_loop3A_212 = arith.index_cast %parallel_loop3A_183 : i32 to index
      %parallel_loop3A_213 = arith.constant 32 : index
      %parallel_loop3A_214 = tpu.vector_load %arg7[%parallel_loop3A_212, %parallel_loop3A_213] {strides = array<i32>} : memref<192x256xf32, #tpu.memory_space<vmem>>, vector<1x16xf32>,
      %parallel_loop3A_215 = vector.shape_cast %parallel_loop3A_214 : vector<1x16xf32> to vector<16xf32>
      %parallel_loop3A_216 = arith.index_cast %parallel_loop3A_183 : i32 to index
      %parallel_loop3A_217 = arith.constant 32 : index
      %parallel_loop3A_218 = tpu.vector_load %arg8[%parallel_loop3A_216, %parallel_loop3A_217] {strides = array<i32>} : memref<192x256xf32, #tpu.memory_space<vmem>>, vector<1x16xf32>,
      %parallel_loop3A_219 = vector.shape_cast %parallel_loop3A_218 : vector<1x16xf32> to vector<16xf32>
      %parallel_loop3A_220 = arith.addf %parallel_loop3A_215, %parallel_loop3A_219 : vector<16xf32>
      %parallel_loop3A_221 = arith.index_cast %parallel_loop3A_183 : i32 to index
      %parallel_loop3A_222 = arith.constant 32 : index
      %parallel_loop3A_223 = tpu.vector_load %arg7[%parallel_loop3A_221, %parallel_loop3A_222] {strides = array<i32>} : memref<192x256xf32, #tpu.memory_space<vmem>>, vector<1x16xf32>,
      %parallel_loop3A_224 = vector.shape_cast %parallel_loop3A_223 : vector<1x16xf32> to vector<16xf32>
      %parallel_loop3A_225 = vector.shape_cast %parallel_loop3A_220 : vector<16xf32> to vector<1x16xf32>
      tpu.vector_store %arg7[%parallel_loop3A_221, %parallel_loop3A_222], %parallel_loop3A_225 {strides = array<i32>} : memref<192x256xf32, #tpu.memory_space<vmem>>, vector<1x16xf32>,
      %parallel_loop3A_226 = arith.index_cast %parallel_loop3A_183 : i32 to index
      %parallel_loop3A_227 = arith.constant 48 : index
      %parallel_loop3A_228 = tpu.vector_load %arg7[%parallel_loop3A_226, %parallel_loop3A_227] {strides = array<i32>} : memref<192x256xf32, #tpu.memory_space<vmem>>, vector<1x16xf32>,
      %parallel_loop3A_229 = vector.shape_cast %parallel_loop3A_228 : vector<1x16xf32> to vector<16xf32>
      %parallel_loop3A_230 = arith.index_cast %parallel_loop3A_183 : i32 to index
      %parallel_loop3A_231 = arith.constant 48 : index
      %parallel_loop3A_232 = tpu.vector_load %arg8[%parallel_loop3A_230, %parallel_loop3A_231] {strides = array<i32>} : memref<192x256xf32, #tpu.memory_space<vmem>>, vector<1x16xf32>,
      %parallel_loop3A_233 = vector.shape_cast %parallel_loop3A_232 : vector<1x16xf32> to vector<16xf32>
      %parallel_loop3A_234 = arith.addf %parallel_loop3A_229, %parallel_loop3A_233 : vector<16xf32>
      %parallel_loop3A_235 = arith.index_cast %parallel_loop3A_183 : i32 to index
      %parallel_loop3A_236 = arith.constant 48 : index
      %parallel_loop3A_237 = tpu.vector_load %arg7[%parallel_loop3A_235, %parallel_loop3A_236] {strides = array<i32>} : memref<192x256xf32, #tpu.memory_space<vmem>>, vector<1x16xf32>,
      %parallel_loop3A_238 = vector.shape_cast %parallel_loop3A_237 : vector<1x16xf32> to vector<16xf32>
      %parallel_loop3A_239 = vector.shape_cast %parallel_loop3A_234 : vector<16xf32> to vector<1x16xf32>
      tpu.vector_store %arg7[%parallel_loop3A_235, %parallel_loop3A_236], %parallel_loop3A_239 {strides = array<i32>} : memref<192x256xf32, #tpu.memory_space<vmem>>, vector<1x16xf32>,
      %parallel_loop3A_240 = arith.index_cast %parallel_loop3A_183 : i32 to index
      %parallel_loop3A_241 = arith.constant 64 : index
      %parallel_loop3A_242 = tpu.vector_load %arg7[%parallel_loop3A_240, %parallel_loop3A_241] {strides = array<i32>} : memref<192x256xf32, #tpu.memory_space<vmem>>, vector<1x16xf32>,
      %parallel_loop3A_243 = vector.shape_cast %parallel_loop3A_242 : vector<1x16xf32> to vector<16xf32>
      %parallel_loop3A_244 = arith.index_cast %parallel_loop3A_183 : i32 to index
      %parallel_loop3A_245 = arith.constant 64 : index
      %parallel_loop3A_246 = tpu.vector_load %arg8[%parallel_loop3A_244, %parallel_loop3A_245] {strides = array<i32>} : memref<192x256xf32, #tpu.memory_space<vmem>>, vector<1x16xf32>,
      %parallel_loop3A_247 = vector.shape_cast %parallel_loop3A_246 : vector<1x16xf32> to vector<16xf32>
      %parallel_loop3A_248 = arith.addf %parallel_loop3A_243, %parallel_loop3A_247 : vector<16xf32>
      %parallel_loop3A_249 = arith.index_cast %parallel_loop3A_183 : i32 to index
      %parallel_loop3A_250 = arith.constant 64 : index
      %parallel_loop3A_251 = tpu.vector_load %arg7[%parallel_loop3A_249, %parallel_loop3A_250] {strides = array<i32>} : memref<192x256xf32, #tpu.memory_space<vmem>>, vector<1x16xf32>,
      %parallel_loop3A_252 = vector.shape_cast %parallel_loop3A_251 : vector<1x16xf32> to vector<16xf32>
      %parallel_loop3A_253 = vector.shape_cast %parallel_loop3A_248 : vector<16xf32> to vector<1x16xf32>
      tpu.vector_store %arg7[%parallel_loop3A_249, %parallel_loop3A_250], %parallel_loop3A_253 {strides = array<i32>} : memref<192x256xf32, #tpu.memory_space<vmem>>, vector<1x16xf32>,
      %parallel_loop3A_254 = arith.index_cast %parallel_loop3A_183 : i32 to index
      %parallel_loop3A_255 = arith.constant 80 : index
      %parallel_loop3A_256 = tpu.vector_load %arg7[%parallel_loop3A_254, %parallel_loop3A_255] {strides = array<i32>} : memref<192x256xf32, #tpu.memory_space<vmem>>, vector<1x16xf32>,
      %parallel_loop3A_257 = vector.shape_cast %parallel_loop3A_256 : vector<1x16xf32> to vector<16xf32>
      %parallel_loop3A_258 = arith.index_cast %parallel_loop3A_183 : i32 to index
      %parallel_loop3A_259 = arith.constant 80 : index
      %parallel_loop3A_260 = tpu.vector_load %arg8[%parallel_loop3A_258, %parallel_loop3A_259] {strides = array<i32>} : memref<192x256xf32, #tpu.memory_space<vmem>>, vector<1x16xf32>,
      %parallel_loop3A_261 = vector.shape_cast %parallel_loop3A_260 : vector<1x16xf32> to vector<16xf32>
      %parallel_loop3A_262 = arith.addf %parallel_loop3A_257, %parallel_loop3A_261 : vector<16xf32>
      %parallel_loop3A_263 = arith.index_cast %parallel_loop3A_183 : i32 to index
      %parallel_loop3A_264 = arith.constant 80 : index
      %parallel_loop3A_265 = tpu.vector_load %arg7[%parallel_loop3A_263, %parallel_loop3A_264] {strides = array<i32>} : memref<192x256xf32, #tpu.memory_space<vmem>>, vector<1x16xf32>,
      %parallel_loop3A_266 = vector.shape_cast %parallel_loop3A_265 : vector<1x16xf32> to vector<16xf32>
      %parallel_loop3A_267 = vector.shape_cast %parallel_loop3A_262 : vector<16xf32> to vector<1x16xf32>
      tpu.vector_store %arg7[%parallel_loop3A_263, %parallel_loop3A_264], %parallel_loop3A_267 {strides = array<i32>} : memref<192x256xf32, #tpu.memory_space<vmem>>, vector<1x16xf32>,
      %parallel_loop3A_268 = arith.index_cast %parallel_loop3A_183 : i32 to index
      %parallel_loop3A_269 = arith.constant 96 : index
      %parallel_loop3A_270 = tpu.vector_load %arg7[%parallel_loop3A_268, %parallel_loop3A_269] {strides = array<i32>} : memref<192x256xf32, #tpu.memory_space<vmem>>, vector<1x16xf32>,
      %parallel_loop3A_271 = vector.shape_cast %parallel_loop3A_270 : vector<1x16xf32> to vector<16xf32>
      %parallel_loop3A_272 = arith.index_cast %parallel_loop3A_183 : i32 to index
      %parallel_loop3A_273 = arith.constant 96 : index
      %parallel_loop3A_274 = tpu.vector_load %arg8[%parallel_loop3A_272, %parallel_loop3A_273] {strides = array<i32>} : memref<192x256xf32, #tpu.memory_space<vmem>>, vector<1x16xf32>,
      %parallel_loop3A_275 = vector.shape_cast %parallel_loop3A_274 : vector<1x16xf32> to vector<16xf32>
      %parallel_loop3A_276 = arith.addf %parallel_loop3A_271, %parallel_loop3A_275 : vector<16xf32>
      %parallel_loop3A_277 = arith.index_cast %parallel_loop3A_183 : i32 to index
      %parallel_loop3A_278 = arith.constant 96 : index
      %parallel_loop3A_279 = tpu.vector_load %arg7[%parallel_loop3A_277, %parallel_loop3A_278] {strides = array<i32>} : memref<192x256xf32, #tpu.memory_space<vmem>>, vector<1x16xf32>,
      %parallel_loop3A_280 = vector.shape_cast %parallel_loop3A_279 : vector<1x16xf32> to vector<16xf32>
      %parallel_loop3A_281 = vector.shape_cast %parallel_loop3A_276 : vector<16xf32> to vector<1x16xf32>
      tpu.vector_store %arg7[%parallel_loop3A_277, %parallel_loop3A_278], %parallel_loop3A_281 {strides = array<i32>} : memref<192x256xf32, #tpu.memory_space<vmem>>, vector<1x16xf32>,
      %parallel_loop3A_282 = arith.index_cast %parallel_loop3A_183 : i32 to index
      %parallel_loop3A_283 = arith.constant 112 : index
      %parallel_loop3A_284 = tpu.vector_load %arg7[%parallel_loop3A_282, %parallel_loop3A_283] {strides = array<i32>} : memref<192x256xf32, #tpu.memory_space<vmem>>, vector<1x16xf32>,
      %parallel_loop3A_285 = vector.shape_cast %parallel_loop3A_284 : vector<1x16xf32> to vector<16xf32>
      %parallel_loop3A_286 = arith.index_cast %parallel_loop3A_183 : i32 to index
      %parallel_loop3A_287 = arith.constant 112 : index
      %parallel_loop3A_288 = tpu.vector_load %arg8[%parallel_loop3A_286, %parallel_loop3A_287] {strides = array<i32>} : memref<192x256xf32, #tpu.memory_space<vmem>>, vector<1x16xf32>,
      %parallel_loop3A_289 = vector.shape_cast %parallel_loop3A_288 : vector<1x16xf32> to vector<16xf32>
      %parallel_loop3A_290 = arith.addf %parallel_loop3A_285, %parallel_loop3A_289 : vector<16xf32>
      %parallel_loop3A_291 = arith.index_cast %parallel_loop3A_183 : i32 to index
      %parallel_loop3A_292 = arith.constant 112 : index
      %parallel_loop3A_293 = tpu.vector_load %arg7[%parallel_loop3A_291, %parallel_loop3A_292] {strides = array<i32>} : memref<192x256xf32, #tpu.memory_space<vmem>>, vector<1x16xf32>,
      %parallel_loop3A_294 = vector.shape_cast %parallel_loop3A_293 : vector<1x16xf32> to vector<16xf32>
      %parallel_loop3A_295 = vector.shape_cast %parallel_loop3A_290 : vector<16xf32> to vector<1x16xf32>
      tpu.vector_store %arg7[%parallel_loop3A_291, %parallel_loop3A_292], %parallel_loop3A_295 {strides = array<i32>} : memref<192x256xf32, #tpu.memory_space<vmem>>, vector<1x16xf32>,
      %parallel_loop3A_296 = arith.index_cast %parallel_loop3A_183 : i32 to index
      %parallel_loop3A_297 = arith.constant 128 : index
      %parallel_loop3A_298 = tpu.vector_load %arg7[%parallel_loop3A_296, %parallel_loop3A_297] {strides = array<i32>} : memref<192x256xf32, #tpu.memory_space<vmem>>, vector<1x16xf32>,
      %parallel_loop3A_299 = vector.shape_cast %parallel_loop3A_298 : vector<1x16xf32> to vector<16xf32>
      %parallel_loop3A_300 = arith.index_cast %parallel_loop3A_183 : i32 to index
      %parallel_loop3A_301 = arith.constant 128 : index
      %parallel_loop3A_302 = tpu.vector_load %arg8[%parallel_loop3A_300, %parallel_loop3A_301] {strides = array<i32>} : memref<192x256xf32, #tpu.memory_space<vmem>>, vector<1x16xf32>,
      %parallel_loop3A_303 = vector.shape_cast %parallel_loop3A_302 : vector<1x16xf32> to vector<16xf32>
      %parallel_loop3A_304 = arith.addf %parallel_loop3A_299, %parallel_loop3A_303 : vector<16xf32>
      %parallel_loop3A_305 = arith.index_cast %parallel_loop3A_183 : i32 to index
      %parallel_loop3A_306 = arith.constant 128 : index
      %parallel_loop3A_307 = tpu.vector_load %arg7[%parallel_loop3A_305, %parallel_loop3A_306] {strides = array<i32>} : memref<192x256xf32, #tpu.memory_space<vmem>>, vector<1x16xf32>,
      %parallel_loop3A_308 = vector.shape_cast %parallel_loop3A_307 : vector<1x16xf32> to vector<16xf32>
      %parallel_loop3A_309 = vector.shape_cast %parallel_loop3A_304 : vector<16xf32> to vector<1x16xf32>
      tpu.vector_store %arg7[%parallel_loop3A_305, %parallel_loop3A_306], %parallel_loop3A_309 {strides = array<i32>} : memref<192x256xf32, #tpu.memory_space<vmem>>, vector<1x16xf32>,
      %parallel_loop3A_310 = arith.index_cast %parallel_loop3A_183 : i32 to index
      %parallel_loop3A_311 = arith.constant 144 : index
      %parallel_loop3A_312 = tpu.vector_load %arg7[%parallel_loop3A_310, %parallel_loop3A_311] {strides = array<i32>} : memref<192x256xf32, #tpu.memory_space<vmem>>, vector<1x16xf32>,
      %parallel_loop3A_313 = vector.shape_cast %parallel_loop3A_312 : vector<1x16xf32> to vector<16xf32>
      %parallel_loop3A_314 = arith.index_cast %parallel_loop3A_183 : i32 to index
      %parallel_loop3A_315 = arith.constant 144 : index
      %parallel_loop3A_316 = tpu.vector_load %arg8[%parallel_loop3A_314, %parallel_loop3A_315] {strides = array<i32>} : memref<192x256xf32, #tpu.memory_space<vmem>>, vector<1x16xf32>,
      %parallel_loop3A_317 = vector.shape_cast %parallel_loop3A_316 : vector<1x16xf32> to vector<16xf32>
      %parallel_loop3A_318 = arith.addf %parallel_loop3A_313, %parallel_loop3A_317 : vector<16xf32>
      %parallel_loop3A_319 = arith.index_cast %parallel_loop3A_183 : i32 to index
      %parallel_loop3A_320 = arith.constant 144 : index
      %parallel_loop3A_321 = tpu.vector_load %arg7[%parallel_loop3A_319, %parallel_loop3A_320] {strides = array<i32>} : memref<192x256xf32, #tpu.memory_space<vmem>>, vector<1x16xf32>,
      %parallel_loop3A_322 = vector.shape_cast %parallel_loop3A_321 : vector<1x16xf32> to vector<16xf32>
      %parallel_loop3A_323 = vector.shape_cast %parallel_loop3A_318 : vector<16xf32> to vector<1x16xf32>
      tpu.vector_store %arg7[%parallel_loop3A_319, %parallel_loop3A_320], %parallel_loop3A_323 {strides = array<i32>} : memref<192x256xf32, #tpu.memory_space<vmem>>, vector<1x16xf32>,
      %parallel_loop3A_324 = arith.index_cast %parallel_loop3A_183 : i32 to index
      %parallel_loop3A_325 = arith.constant 160 : index
      %parallel_loop3A_326 = tpu.vector_load %arg7[%parallel_loop3A_324, %parallel_loop3A_325] {strides = array<i32>} : memref<192x256xf32, #tpu.memory_space<vmem>>, vector<1x16xf32>,
      %parallel_loop3A_327 = vector.shape_cast %parallel_loop3A_326 : vector<1x16xf32> to vector<16xf32>
      %parallel_loop3A_328 = arith.index_cast %parallel_loop3A_183 : i32 to index
      %parallel_loop3A_329 = arith.constant 160 : index
      %parallel_loop3A_330 = tpu.vector_load %arg8[%parallel_loop3A_328, %parallel_loop3A_329] {strides = array<i32>} : memref<192x256xf32, #tpu.memory_space<vmem>>, vector<1x16xf32>,
      %parallel_loop3A_331 = vector.shape_cast %parallel_loop3A_330 : vector<1x16xf32> to vector<16xf32>
      %parallel_loop3A_332 = arith.addf %parallel_loop3A_327, %parallel_loop3A_331 : vector<16xf32>
      %parallel_loop3A_333 = arith.index_cast %parallel_loop3A_183 : i32 to index
      %parallel_loop3A_334 = arith.constant 160 : index
      %parallel_loop3A_335 = tpu.vector_load %arg7[%parallel_loop3A_333, %parallel_loop3A_334] {strides = array<i32>} : memref<192x256xf32, #tpu.memory_space<vmem>>, vector<1x16xf32>,
      %parallel_loop3A_336 = vector.shape_cast %parallel_loop3A_335 : vector<1x16xf32> to vector<16xf32>
      %parallel_loop3A_337 = vector.shape_cast %parallel_loop3A_332 : vector<16xf32> to vector<1x16xf32>
      tpu.vector_store %arg7[%parallel_loop3A_333, %parallel_loop3A_334], %parallel_loop3A_337 {strides = array<i32>} : memref<192x256xf32, #tpu.memory_space<vmem>>, vector<1x16xf32>,
      %parallel_loop3A_338 = arith.index_cast %parallel_loop3A_183 : i32 to index
      %parallel_loop3A_339 = arith.constant 176 : index
      %parallel_loop3A_340 = tpu.vector_load %arg7[%parallel_loop3A_338, %parallel_loop3A_339] {strides = array<i32>} : memref<192x256xf32, #tpu.memory_space<vmem>>, vector<1x16xf32>,
      %parallel_loop3A_341 = vector.shape_cast %parallel_loop3A_340 : vector<1x16xf32> to vector<16xf32>
      %parallel_loop3A_342 = arith.index_cast %parallel_loop3A_183 : i32 to index
      %parallel_loop3A_343 = arith.constant 176 : index
      %parallel_loop3A_344 = tpu.vector_load %arg8[%parallel_loop3A_342, %parallel_loop3A_343] {strides = array<i32>} : memref<192x256xf32, #tpu.memory_space<vmem>>, vector<1x16xf32>,
      %parallel_loop3A_345 = vector.shape_cast %parallel_loop3A_344 : vector<1x16xf32> to vector<16xf32>
      %parallel_loop3A_346 = arith.addf %parallel_loop3A_341, %parallel_loop3A_345 : vector<16xf32>
      %parallel_loop3A_347 = arith.index_cast %parallel_loop3A_183 : i32 to index
      %parallel_loop3A_348 = arith.constant 176 : index
      %parallel_loop3A_349 = tpu.vector_load %arg7[%parallel_loop3A_347, %parallel_loop3A_348] {strides = array<i32>} : memref<192x256xf32, #tpu.memory_space<vmem>>, vector<1x16xf32>,
      %parallel_loop3A_350 = vector.shape_cast %parallel_loop3A_349 : vector<1x16xf32> to vector<16xf32>
      %parallel_loop3A_351 = vector.shape_cast %parallel_loop3A_346 : vector<16xf32> to vector<1x16xf32>
      tpu.vector_store %arg7[%parallel_loop3A_347, %parallel_loop3A_348], %parallel_loop3A_351 {strides = array<i32>} : memref<192x256xf32, #tpu.memory_space<vmem>>, vector<1x16xf32>,
      %parallel_loop3A_352 = arith.index_cast %parallel_loop3A_183 : i32 to index
      %parallel_loop3A_353 = arith.constant 192 : index
      %parallel_loop3A_354 = tpu.vector_load %arg7[%parallel_loop3A_352, %parallel_loop3A_353] {strides = array<i32>} : memref<192x256xf32, #tpu.memory_space<vmem>>, vector<1x16xf32>,
      %parallel_loop3A_355 = vector.shape_cast %parallel_loop3A_354 : vector<1x16xf32> to vector<16xf32>
      %parallel_loop3A_356 = arith.index_cast %parallel_loop3A_183 : i32 to index
      %parallel_loop3A_357 = arith.constant 192 : index
      %parallel_loop3A_358 = tpu.vector_load %arg8[%parallel_loop3A_356, %parallel_loop3A_357] {strides = array<i32>} : memref<192x256xf32, #tpu.memory_space<vmem>>, vector<1x16xf32>,
      %parallel_loop3A_359 = vector.shape_cast %parallel_loop3A_358 : vector<1x16xf32> to vector<16xf32>
      %parallel_loop3A_360 = arith.addf %parallel_loop3A_355, %parallel_loop3A_359 : vector<16xf32>
      %parallel_loop3A_361 = arith.index_cast %parallel_loop3A_183 : i32 to index
      %parallel_loop3A_362 = arith.constant 192 : index
      %parallel_loop3A_363 = tpu.vector_load %arg7[%parallel_loop3A_361, %parallel_loop3A_362] {strides = array<i32>} : memref<192x256xf32, #tpu.memory_space<vmem>>, vector<1x16xf32>,
      %parallel_loop3A_364 = vector.shape_cast %parallel_loop3A_363 : vector<1x16xf32> to vector<16xf32>
      %parallel_loop3A_365 = vector.shape_cast %parallel_loop3A_360 : vector<16xf32> to vector<1x16xf32>
      tpu.vector_store %arg7[%parallel_loop3A_361, %parallel_loop3A_362], %parallel_loop3A_365 {strides = array<i32>} : memref<192x256xf32, #tpu.memory_space<vmem>>, vector<1x16xf32>,
      %parallel_loop3A_366 = arith.index_cast %parallel_loop3A_183 : i32 to index
      %parallel_loop3A_367 = arith.constant 208 : index
      %parallel_loop3A_368 = tpu.vector_load %arg7[%parallel_loop3A_366, %parallel_loop3A_367] {strides = array<i32>} : memref<192x256xf32, #tpu.memory_space<vmem>>, vector<1x16xf32>,
      %parallel_loop3A_369 = vector.shape_cast %parallel_loop3A_368 : vector<1x16xf32> to vector<16xf32>
      %parallel_loop3A_370 = arith.index_cast %parallel_loop3A_183 : i32 to index
      %parallel_loop3A_371 = arith.constant 208 : index
      %parallel_loop3A_372 = tpu.vector_load %arg8[%parallel_loop3A_370, %parallel_loop3A_371] {strides = array<i32>} : memref<192x256xf32, #tpu.memory_space<vmem>>, vector<1x16xf32>,
      %parallel_loop3A_373 = vector.shape_cast %parallel_loop3A_372 : vector<1x16xf32> to vector<16xf32>
      %parallel_loop3A_374 = arith.addf %parallel_loop3A_369, %parallel_loop3A_373 : vector<16xf32>
      %parallel_loop3A_375 = arith.index_cast %parallel_loop3A_183 : i32 to index
      %parallel_loop3A_376 = arith.constant 208 : index
      %parallel_loop3A_377 = tpu.vector_load %arg7[%parallel_loop3A_375, %parallel_loop3A_376] {strides = array<i32>} : memref<192x256xf32, #tpu.memory_space<vmem>>, vector<1x16xf32>,
      %parallel_loop3A_378 = vector.shape_cast %parallel_loop3A_377 : vector<1x16xf32> to vector<16xf32>
      %parallel_loop3A_379 = vector.shape_cast %parallel_loop3A_374 : vector<16xf32> to vector<1x16xf32>
      tpu.vector_store %arg7[%parallel_loop3A_375, %parallel_loop3A_376], %parallel_loop3A_379 {strides = array<i32>} : memref<192x256xf32, #tpu.memory_space<vmem>>, vector<1x16xf32>,
      %parallel_loop3A_380 = arith.index_cast %parallel_loop3A_183 : i32 to index
      %parallel_loop3A_381 = arith.constant 224 : index
      %parallel_loop3A_382 = tpu.vector_load %arg7[%parallel_loop3A_380, %parallel_loop3A_381] {strides = array<i32>} : memref<192x256xf32, #tpu.memory_space<vmem>>, vector<1x16xf32>,
      %parallel_loop3A_383 = vector.shape_cast %parallel_loop3A_382 : vector<1x16xf32> to vector<16xf32>
      %parallel_loop3A_384 = arith.index_cast %parallel_loop3A_183 : i32 to index
      %parallel_loop3A_385 = arith.constant 224 : index
      %parallel_loop3A_386 = tpu.vector_load %arg8[%parallel_loop3A_384, %parallel_loop3A_385] {strides = array<i32>} : memref<192x256xf32, #tpu.memory_space<vmem>>, vector<1x16xf32>,
      %parallel_loop3A_387 = vector.shape_cast %parallel_loop3A_386 : vector<1x16xf32> to vector<16xf32>
      %parallel_loop3A_388 = arith.addf %parallel_loop3A_383, %parallel_loop3A_387 : vector<16xf32>
      %parallel_loop3A_389 = arith.index_cast %parallel_loop3A_183 : i32 to index
      %parallel_loop3A_390 = arith.constant 224 : index
      %parallel_loop3A_391 = tpu.vector_load %arg7[%parallel_loop3A_389, %parallel_loop3A_390] {strides = array<i32>} : memref<192x256xf32, #tpu.memory_space<vmem>>, vector<1x16xf32>,
      %parallel_loop3A_392 = vector.shape_cast %parallel_loop3A_391 : vector<1x16xf32> to vector<16xf32>
      %parallel_loop3A_393 = vector.shape_cast %parallel_loop3A_388 : vector<16xf32> to vector<1x16xf32>
      tpu.vector_store %arg7[%parallel_loop3A_389, %parallel_loop3A_390], %parallel_loop3A_393 {strides = array<i32>} : memref<192x256xf32, #tpu.memory_space<vmem>>, vector<1x16xf32>,
      %parallel_loop3A_394 = arith.index_cast %parallel_loop3A_183 : i32 to index
      %parallel_loop3A_395 = arith.constant 240 : index
      %parallel_loop3A_396 = tpu.vector_load %arg7[%parallel_loop3A_394, %parallel_loop3A_395] {strides = array<i32>} : memref<192x256xf32, #tpu.memory_space<vmem>>, vector<1x16xf32>,
      %parallel_loop3A_397 = vector.shape_cast %parallel_loop3A_396 : vector<1x16xf32> to vector<16xf32>
      %parallel_loop3A_398 = arith.index_cast %parallel_loop3A_183 : i32 to index
      %parallel_loop3A_399 = arith.constant 240 : index
      %parallel_loop3A_400 = tpu.vector_load %arg8[%parallel_loop3A_398, %parallel_loop3A_399] {strides = array<i32>} : memref<192x256xf32, #tpu.memory_space<vmem>>, vector<1x16xf32>,
      %parallel_loop3A_401 = vector.shape_cast %parallel_loop3A_400 : vector<1x16xf32> to vector<16xf32>
      %parallel_loop3A_402 = arith.addf %parallel_loop3A_397, %parallel_loop3A_401 : vector<16xf32>
      %parallel_loop3A_403 = arith.index_cast %parallel_loop3A_183 : i32 to index
      %parallel_loop3A_404 = arith.constant 240 : index
      %parallel_loop3A_405 = tpu.vector_load %arg7[%parallel_loop3A_403, %parallel_loop3A_404] {strides = array<i32>} : memref<192x256xf32, #tpu.memory_space<vmem>>, vector<1x16xf32>,
      %parallel_loop3A_406 = vector.shape_cast %parallel_loop3A_405 : vector<1x16xf32> to vector<16xf32>
      %parallel_loop3A_407 = vector.shape_cast %parallel_loop3A_402 : vector<16xf32> to vector<1x16xf32>
      tpu.vector_store %arg7[%parallel_loop3A_403, %parallel_loop3A_404], %parallel_loop3A_407 {strides = array<i32>} : memref<192x256xf32, #tpu.memory_space<vmem>>, vector<1x16xf32>,
    } {sc.loop_unroll_factor = 2 : i64, sc.parallel_access}
    %add3A_131 = arith.constant 144 : i32
    %add3A_132 = arith.addi %mul3A_2, %add3A_131 : i32
    %dma_start3A_133 = arith.constant 144 : i32
    %dma_start3A_134 = arith.constant 0 : i32
    %dma_start3A_135 = tpu.memref_slice %arg7[%dma_start3A_133, %dma_start3A_134] : memref<192x256xf32, #tpu.memory_space<vmem>> -> memref<48x256xf32, #tpu.memory_space<vmem>>
    %dma_start3A_136 = arith.constant 0 : i32
    %dma_start3A_137 = tpu.memref_slice %arg5[%add3A_132, %dma_start3A_136] : memref<6144x256xf32, #tpu.memory_space<hbm>> -> memref<48x256xf32, #tpu.memory_space<hbm>>
    %dma_start3A_138 = arith.constant 0 : i32
    %dma_start3A_139 = tpu.memref_slice %arg5[%add3A_132, %dma_start3A_138] : memref<6144x256xf32, #tpu.memory_space<hbm>> -> memref<48x256xf32, #tpu.memory_space<hbm>>
    %dma_start3A_140 = arith.constant 144 : i32
    %dma_start3A_141 = arith.constant 0 : i32
    %dma_start3A_142 = tpu.memref_slice %arg7[%dma_start3A_140, %dma_start3A_141] : memref<192x256xf32, #tpu.memory_space<vmem>> -> memref<48x256xf32, #tpu.memory_space<vmem>>
    tpu.enqueue_dma source(%dma_start3A_142 : memref<48x256xf32, #tpu.memory_space<vmem>>) target(%dma_start3A_139 : memref<48x256xf32, #tpu.memory_space<hbm>>) target_semaphore(%arg14 : memref<!tpu.dma_semaphore, #tpu.memory_space<semaphore_mem>>)
    %dma_wait3A_143 = arith.constant 0 : i32
    %dma_wait3A_144 = arith.constant 0 : i32
    %dma_wait3A_145 = tpu.memref_slice %arg7[%dma_wait3A_143, %dma_wait3A_144] : memref<192x256xf32, #tpu.memory_space<vmem>> -> memref<48x256xf32, #tpu.memory_space<vmem>>
    %dma_wait3A_146 = arith.constant 0 : i32
    %dma_wait3A_147 = tpu.memref_slice %arg5[%add3A_63, %dma_wait3A_146] : memref<6144x256xf32, #tpu.memory_space<hbm>> -> memref<48x256xf32, #tpu.memory_space<hbm>>
    %dma_wait3A_148 = arith.constant 0 : i32
    %dma_wait3A_149 = tpu.memref_slice %arg5[%add3A_63, %dma_wait3A_148] : memref<6144x256xf32, #tpu.memory_space<hbm>> -> memref<48x256xf32, #tpu.memory_space<hbm>>
    %dma_wait3A_150 = arith.constant 0 : i32
    %dma_wait3A_151 = arith.constant 0 : i32
    %dma_wait3A_152 = tpu.memref_slice %arg7[%dma_wait3A_150, %dma_wait3A_151] : memref<192x256xf32, #tpu.memory_space<vmem>> -> memref<48x256xf32, #tpu.memory_space<vmem>>
    tpu.wait_dma2 semaphore(%arg14 : memref<!tpu.dma_semaphore, #tpu.memory_space<semaphore_mem>>) src(%dma_wait3A_152 : memref<48x256xf32, #tpu.memory_space<vmem>>) dst(%dma_wait3A_149 : memref<48x256xf32, #tpu.memory_space<hbm>>)
    %dma_wait3A_153 = arith.constant 48 : i32
    %dma_wait3A_154 = arith.constant 0 : i32
    %dma_wait3A_155 = tpu.memref_slice %arg7[%dma_wait3A_153, %dma_wait3A_154] : memref<192x256xf32, #tpu.memory_space<vmem>> -> memref<48x256xf32, #tpu.memory_space<vmem>>
    %dma_wait3A_156 = arith.constant 0 : i32
    %dma_wait3A_157 = tpu.memref_slice %arg5[%add3A_86, %dma_wait3A_156] : memref<6144x256xf32, #tpu.memory_space<hbm>> -> memref<48x256xf32, #tpu.memory_space<hbm>>
    %dma_wait3A_158 = arith.constant 0 : i32
    %dma_wait3A_159 = tpu.memref_slice %arg5[%add3A_86, %dma_wait3A_158] : memref<6144x256xf32, #tpu.memory_space<hbm>> -> memref<48x256xf32, #tpu.memory_space<hbm>>
    %dma_wait3A_160 = arith.constant 48 : i32
    %dma_wait3A_161 = arith.constant 0 : i32
    %dma_wait3A_162 = tpu.memref_slice %arg7[%dma_wait3A_160, %dma_wait3A_161] : memref<192x256xf32, #tpu.memory_space<vmem>> -> memref<48x256xf32, #tpu.memory_space<vmem>>
    tpu.wait_dma2 semaphore(%arg14 : memref<!tpu.dma_semaphore, #tpu.memory_space<semaphore_mem>>) src(%dma_wait3A_162 : memref<48x256xf32, #tpu.memory_space<vmem>>) dst(%dma_wait3A_159 : memref<48x256xf32, #tpu.memory_space<hbm>>)
    %dma_wait3A_163 = arith.constant 96 : i32
    %dma_wait3A_164 = arith.constant 0 : i32
    %dma_wait3A_165 = tpu.memref_slice %arg7[%dma_wait3A_163, %dma_wait3A_164] : memref<192x256xf32, #tpu.memory_space<vmem>> -> memref<48x256xf32, #tpu.memory_space<vmem>>
    %dma_wait3A_166 = arith.constant 0 : i32
    %dma_wait3A_167 = tpu.memref_slice %arg5[%add3A_109, %dma_wait3A_166] : memref<6144x256xf32, #tpu.memory_space<hbm>> -> memref<48x256xf32, #tpu.memory_space<hbm>>
    %dma_wait3A_168 = arith.constant 0 : i32
    %dma_wait3A_169 = tpu.memref_slice %arg5[%add3A_109, %dma_wait3A_168] : memref<6144x256xf32, #tpu.memory_space<hbm>> -> memref<48x256xf32, #tpu.memory_space<hbm>>
    %dma_wait3A_170 = arith.constant 96 : i32
    %dma_wait3A_171 = arith.constant 0 : i32
    %dma_wait3A_172 = tpu.memref_slice %arg7[%dma_wait3A_170, %dma_wait3A_171] : memref<192x256xf32, #tpu.memory_space<vmem>> -> memref<48x256xf32, #tpu.memory_space<vmem>>
    tpu.wait_dma2 semaphore(%arg14 : memref<!tpu.dma_semaphore, #tpu.memory_space<semaphore_mem>>) src(%dma_wait3A_172 : memref<48x256xf32, #tpu.memory_space<vmem>>) dst(%dma_wait3A_169 : memref<48x256xf32, #tpu.memory_space<hbm>>)
    %dma_wait3A_173 = arith.constant 144 : i32
    %dma_wait3A_174 = arith.constant 0 : i32
    %dma_wait3A_175 = tpu.memref_slice %arg7[%dma_wait3A_173, %dma_wait3A_174] : memref<192x256xf32, #tpu.memory_space<vmem>> -> memref<48x256xf32, #tpu.memory_space<vmem>>
    %dma_wait3A_176 = arith.constant 0 : i32
    %dma_wait3A_177 = tpu.memref_slice %arg5[%add3A_132, %dma_wait3A_176] : memref<6144x256xf32, #tpu.memory_space<hbm>> -> memref<48x256xf32, #tpu.memory_space<hbm>>
    %dma_wait3A_178 = arith.constant 0 : i32
    %dma_wait3A_179 = tpu.memref_slice %arg5[%add3A_132, %dma_wait3A_178] : memref<6144x256xf32, #tpu.memory_space<hbm>> -> memref<48x256xf32, #tpu.memory_space<hbm>>
    %dma_wait3A_180 = arith.constant 144 : i32
    %dma_wait3A_181 = arith.constant 0 : i32
    %dma_wait3A_182 = tpu.memref_slice %arg7[%dma_wait3A_180, %dma_wait3A_181] : memref<192x256xf32, #tpu.memory_space<vmem>> -> memref<48x256xf32, #tpu.memory_space<vmem>>
    tpu.wait_dma2 semaphore(%arg14 : memref<!tpu.dma_semaphore, #tpu.memory_space<semaphore_mem>>) src(%dma_wait3A_182 : memref<48x256xf32, #tpu.memory_space<vmem>>) dst(%dma_wait3A_179 : memref<48x256xf32, #tpu.memory_space<hbm>>)
    return
  }
}

module attributes {stable_mosaic.version = 14 : i64} {
  func.func @_tc_encode_body(%arg0: i32, %arg1: memref<1x769x128xf32, #tpu.memory_space<vmem>>, %arg2: memref<1024x256xf32, #tpu.memory_space<vmem>>, %arg3: memref<1x1x768xi32, #tpu.memory_space<vmem>>) attributes {dimension_semantics = [#tpu.dimension_semantics<arbitrary>], iteration_bounds = array<i64: 8>, scalar_prefetch = 0 : i64, scratch_operands = 0 : i64, tpu.core_type = #tpu.core_type<tc>, window_params = [{transform_indices = @transform_0, window_bounds = array<i64: 1, 769, 128>}, {pipeline_mode = #tpu.pipeline_mode<synchronous>, transform_indices = @transform_1, window_bounds = array<i64: 1024, 256>}, {transform_indices = @transform_2, window_bounds = array<i64: 1, 1, 768>}]} {
    %get3A = arith.constant 0 : index
    %get3A_0 = arith.constant 0 : index
    %get3A_1 = arith.constant 0 : index
    %get3A_2 = vector.load %arg1[%get3A, %get3A_0, %get3A_1] : memref<1x769x128xf32, #tpu.memory_space<vmem>>, vector<1x769x128xf32>
    %get3A_3 = vector.shape_cast %get3A_2 : vector<1x769x128xf32> to vector<769x128xf32>
    %slice3A = vector.extract_strided_slice %get3A_3 {offsets = [0, 0], sizes = [768, 128], strides = [1, 1]} : vector<769x128xf32> to vector<768x128xf32>
    %slice3A_4 = vector.extract_strided_slice %get3A_3 {offsets = [1, 0], sizes = [768, 128], strides = [1, 1]} : vector<769x128xf32> to vector<768x128xf32>
    %concatenate3A = tpu.concatenate %slice3A, %slice3A_4 in 1 : vector<768x128xf32>, vector<768x128xf32> -> vector<768x256xf32>
    %get3A_5 = arith.constant 0 : index
    %get3A_6 = arith.constant 0 : index
    %get3A_7 = vector.load %arg2[%get3A_5, %get3A_6] : memref<1024x256xf32, #tpu.memory_space<vmem>>, vector<1024x256xf32>
    %mul3A = arith.mulf %get3A_7, %get3A_7 : vector<1024x256xf32>
    %reduce_sum3A = arith.constant dense<0.000000e+00> : vector<1024xf32>
    %reduce_sum3A_8 = vector.multi_reduction <add>, %mul3A, %reduce_sum3A [1] : vector<1024x256xf32> to vector<1024xf32>
    %broadcast_in_dim3A = vector.shape_cast %reduce_sum3A_8 : vector<1024xf32> to vector<1024x1xf32>
    %dot_general3A = arith.constant dense<0.000000e+00> : vector<1024x768xf32>
    %dot_general3A_9 = tpu.matmul %get3A_7, %concatenate3A, %dot_general3A {dimension_numbers = #tpu.dot_dimension_numbers<[1], [1], [0], [0], [0, 0, 1, 0], [], []>, transpose_lhs_hint = false} : vector<1024x256xf32>, vector<768x256xf32>, vector<1024x768xf32> -> vector<1024x768xf32>
    %mul3A_10 = arith.constant 2.000000e+00 : f32
    %mul3A_11 = vector.broadcast %mul3A_10 : f32 to vector<1024x768xf32>
    %mul3A_12 = arith.mulf %mul3A_11, %dot_general3A_9 : vector<1024x768xf32>
    %sub3A = vector.broadcast %broadcast_in_dim3A : vector<1024x1xf32> to vector<1024x768xf32>
    %sub3A_13 = arith.subf %sub3A, %mul3A_12 : vector<1024x768xf32>
    %reduce_min3A = arith.constant dense<0x7F800000> : vector<768xf32>
    %reduce_min3A_14 = vector.multi_reduction <minimumf>, %sub3A_13, %reduce_min3A [0] : vector<1024x768xf32> to vector<768xf32>
    %broadcast_in_dim3A_15 = vector.shape_cast %reduce_min3A_14 : vector<768xf32> to vector<1x768xf32>
    %iota3A = tpu.iota {dimensions = array<i32: 0>} : vector<1024x768xi32>
    %convert_element_type3A = arith.sitofp %iota3A : vector<1024x768xi32> to vector<1024x768xf32>
    %le3A = vector.broadcast %broadcast_in_dim3A_15 : vector<1x768xf32> to vector<1024x768xf32>
    %le3A_16 = arith.cmpf ole, %sub3A_13, %le3A : vector<1024x768xf32>
    %jit3A = arith.constant 1.024000e+03 : f32
    %broadcast_in_dim3A_17 = vector.broadcast %jit3A : f32 to vector<1024x768xf32>
    %select_n3A = arith.select %le3A_16, %convert_element_type3A, %broadcast_in_dim3A_17 : vector<1024x768xi1>, vector<1024x768xf32>
    %reduce_min3A_18 = arith.constant dense<0x7F800000> : vector<768xf32>
    %reduce_min3A_19 = vector.multi_reduction <minimumf>, %select_n3A, %reduce_min3A_18 [0] : vector<1024x768xf32> to vector<768xf32>
    %convert_element_type3A_20 = arith.fptosi %reduce_min3A_19 : vector<768xf32> to vector<768xi32>
    %swap3A = arith.constant 0 : index
    %swap3A_21 = arith.constant 0 : index
    %swap3A_22 = arith.constant 0 : index
    %swap3A_23 = vector.load %arg3[%swap3A, %swap3A_21, %swap3A_22] : memref<1x1x768xi32, #tpu.memory_space<vmem>>, vector<1x1x768xi32>
    %swap3A_24 = vector.shape_cast %swap3A_23 : vector<1x1x768xi32> to vector<768xi32>
    %swap3A_25 = vector.shape_cast %convert_element_type3A_20 : vector<768xi32> to vector<1x1x768xi32>
    tpu.vector_store %arg3[%swap3A, %swap3A_21, %swap3A_22], %swap3A_25 {strides = array<i32>} : memref<1x1x768xi32, #tpu.memory_space<vmem>>, vector<1x1x768xi32>,
    return
  }
  func.func @transform_0(%arg0: i32) -> (i32, i32, i32) {
    %c0_i32 = arith.constant 0 : i32
    %c0_i32_0 = arith.constant 0 : i32
    %c0_i32_1 = arith.constant 0 : i32
    return %arg0, %c0_i32, %c0_i32_0 : i32, i32, i32
  }
  func.func @transform_1(%arg0: i32) -> (i32, i32) {
    %c0_i32 = arith.constant 0 : i32
    %c0_i32_0 = arith.constant 0 : i32
    %c0_i32_1 = arith.constant 0 : i32
    return %c0_i32, %c0_i32_0 : i32, i32
  }
  func.func @transform_2(%arg0: i32) -> (i32, i32, i32) {
    %c0_i32 = arith.constant 0 : i32
    %c0_i32_0 = arith.constant 0 : i32
    %c0_i32_1 = arith.constant 0 : i32
    return %arg0, %c0_i32, %c0_i32_0 : i32, i32, i32
  }
}

</mosaic_0001>

<sc_bundles>
// kernel: kernel.4.cloned.1.call-start
scs
__scs_entry_jumppad:
0x0: {  	(pc) =	sbr.rel $0x88, $3  }
0x1: {  	(tag) =	ssettag $0x0;
	lr =	simm.s32 $0x1  }
0x2: {  	[smem:$0x3F9E] =	sst lr;
	_ =	strace $0xD0000000  }
0x3: {  	_ = 	snop  }
0x4: {  	_ = 	snop  }
0x5: {  	_ = 	snop  }
0x6: {  	_ = 	snop  }
0x7: {  	_ = 	snop  }
__scs_overlays_trampoline_lowered:
0x8: {  	[smem:$0x3FAD] =	sst s0  }
0x9: {  	[smem:$0x3FAE] =	sst s1  }
0xa: {  	[smem:$0x3FAF] =	sst s2  }
0xb: {  	[smem:$0x3FB0] =	sst s3  }
0xc: {  	[smem:$0x3FB1] =	sst s4  }
0xd: {  	[smem:$0x3FB2] =	sst s5  }
0xe: {  	[smem:$0x3FB3] =	sst s6  }
0xf: {  	[smem:$0x3FB4] =	sst s7  }
0x10: {  	[smem:$0x3FB5] =	sst s8  }
0x11: {  	[smem:$0x3FB6] =	sst s9;
	s0 =	simm.s32 @!p0 $0x0  }
0x12: {  	s1 =	sld [smem:$0x3F9C];
	s0 =	simm.s32 @p0 $0x1  }
0x13: {  	[smem:$0x3FB7] =	sst s0;
	s0 =	simm.s32 @!p1 $0x0  }
0x14: {  	s2 =	sld [smem:$0x3F9B];
	s0 =	simm.s32 @p1 $0x1  }
0x15: {  	[smem:$0x3FB8] =	sst s0;
	s0 =	simm.s32 @!p2 $0x0  }
0x16: {  	s3 =	sld [smem:$0x3FDB];
	s0 =	simm.s32 @p2 $0x1  }
0x17: {  	s4 =	simm.s32 $0x1BF5;
	[smem:$0x3FBA] =	sst s0  }
0x18: {  	s0 =	sld [smem:$0x3F9D];
	_ =	swait.ge [sflag:s4], $0x0  }
0x19: {  	s7 =	sld [smem:$0x3F9E]  }
0x1a: {  	s8 =	sadd.s32 $0xFFFFE003, lr  }
0x1b: {  	s9 =	sadd.s32 $0xFFFFFEF7, lr;
	s5 =	simm.s32 $0xFFFFFFFF;
	p2 =	slt.u32 s8, $0xFFFFF086  }
0x1c: {  	p1 =	slt.u32 s9, $0xF7A;
	s5 =	simm.s32 @!p2 $0x0  }
0x1d: {  	s5 =	simm.s32 @p1 $0x1;
	p0 =	seq.s32 s7, s2  }
0x1e: {  	s7 =	smul.u32 @!p0 $0xF7A, s2;
	p2 =	seq.s32 @!p0 s5, $0x0  }
0x1f: {  	s9 =	smul.u32 $0xF7A, s1;
	s8 =	simm.s32 @!p0 $0x1BF5;
	p2 =	por !p2, p0  }
0x20: {  	[sflag:s8] =	ssyncset.s32 @!p0 $0xFFFFF086;
	s6 =	sadd.s32 @!p0 s3, s7;
	s7 =	simm.s32 @!p0 $0x108  }
0x21: {  	s3 =	sadd.s32 s3, s9;
	s6 =	sadd.s32 @!p0 $0x88, s6;
	s7 =	simm.s32 @p2 $0x1082  }
0x22: {  	[simem:s7], [sflag:s8] =	dma.local @!p0 [hbm:s6], $0xF7A  }
0x23: {  	s9 =	sor.u32 $0xD0000000, s2;
	s6 =	simm.s32 $0x108;
	_ =	swait.ge @!p0 [sflag:s8], $0x0  }
0x24: {  	s3 =	sadd.s32 $0x88, s3;
	s6 =	simm.s32 @!p1 $0x1082;
	[sflag:s4] =	ssyncset.s32 $0xFFFFF086  }
0x25: {  	[simem:s6], [sflag:s4] =	dma.local [hbm:s3], $0xF7A  }
0x26: {  	[smem:$0x3F9E] =	sst s1;
	(tag) =	ssettag s2;
	_ =	strace s9  }
0x27: {  	s1 =	sld [smem:$0x3FAE]  }
0x28: {  	s2 =	sld [smem:$0x3FAF]  }
0x29: {  	s4 =	sld [smem:$0x3FB1]  }
0x2a: {  	p0 =	seq.s32 s5, $0x0;
	s5 =	sld [smem:$0x3FB2]  }
0x2b: {  	s6 =	sld [smem:$0x3FB3]  }
0x2c: {  	s7 =	sld [smem:$0x3FB4]  }
0x2d: {  	s3 =	simm.s32 $0x108;
	s8 =	sld [smem:$0x3FB5]  }
0x2e: {  	s3 =	simm.s32 @!p0 $0x1082;
	s9 =	sld [smem:$0x3FB6]  }
0x2f: {  	lr =	sadd.s32 s0, s3;
	s0 =	sld [smem:$0x3FAD]  }
0x30: {  	s3 =	sld [smem:$0x3FB0]  }
0x31: {  	[smem:$0x3FB9] =	sst s10  }
0x32: {  	s10 =	sld [smem:$0x3FB7];
	_ =	sdelay $0x3  }
0x33: {  	p0 =	seq.s32 s10, $0x1;
	s10 =	sld [smem:$0x3FB9];
	_ =	sdelay $0x3  }
0x34: {  	[smem:$0x3FB9] =	sst s10  }
0x35: {  	s10 =	sld [smem:$0x3FB8];
	_ =	sdelay $0x3  }
0x36: {  	p1 =	seq.s32 s10, $0x1;
	s10 =	sld [smem:$0x3FB9];
	_ =	sdelay $0x3  }
0x37: {  	[smem:$0x3FB9] =	sst s10  }
0x38: {  	s10 =	sld [smem:$0x3FBA]  }
0x39: {  	_ = 	snop;
	(pc) =	sbr.ind lr, $3  }
0x3a: {  	_ = 	snop  }
0x3b: {  	_ = 	snop  }
0x3c: {  	p2 =	seq.s32 s10, $0x1;
	s10 =	sld [smem:$0x3FB9]  }
0x3d: {  	_ =	shalt  }
0x3e: {  	_ =	shalt  }
0x3f: {  	_ =	shalt  }
0x40: {  	_ =	shalt  }
0x41: {  	_ =	shalt  }
0x42: {  	_ =	shalt  }
0x43: {  	_ =	shalt  }
0x44: {  	_ =	shalt  }
0x45: {  	_ =	shalt  }
0x46: {  	_ =	shalt  }
0x47: {  	_ =	shalt  }
0x48: {  	_ =	shalt  }
0x49: {  	_ =	shalt  }
0x4a: {  	_ =	shalt  }
0x4b: {  	_ =	shalt  }
0x4c: {  	_ =	shalt  }
0x4d: {  	_ =	shalt  }
0x4e: {  	_ =	shalt  }
0x4f: {  	_ =	shalt  }
0x50: {  	_ =	shalt  }
0x51: {  	_ =	shalt  }
0x52: {  	_ =	shalt  }
0x53: {  	_ =	shalt  }
0x54: {  	_ =	shalt  }
0x55: {  	_ =	shalt  }
0x56: {  	_ =	shalt  }
0x57: {  	_ =	shalt  }
0x58: {  	_ =	shalt  }
0x59: {  	_ =	shalt  }
0x5a: {  	_ =	shalt  }
0x5b: {  	_ =	shalt  }
0x5c: {  	_ =	shalt  }
0x5d: {  	_ =	shalt  }
0x5e: {  	_ =	shalt  }
0x5f: {  	_ =	shalt  }
0x60: {  	_ =	shalt  }
0x61: {  	_ =	shalt  }
0x62: {  	_ =	shalt  }
0x63: {  	_ =	shalt  }
0x64: {  	_ =	shalt  }
0x65: {  	_ =	shalt  }
0x66: {  	_ =	shalt  }
0x67: {  	_ =	shalt  }
0x68: {  	_ =	shalt  }
0x69: {  	_ =	shalt  }
0x6a: {  	_ =	shalt  }
0x6b: {  	_ =	shalt  }
0x6c: {  	_ =	shalt  }
0x6d: {  	_ =	shalt  }
0x6e: {  	_ =	shalt  }
0x6f: {  	_ =	shalt  }
0x70: {  	_ =	shalt  }
0x71: {  	_ =	shalt  }
0x72: {  	_ =	shalt  }
0x73: {  	_ =	shalt  }
0x74: {  	_ =	shalt  }
0x75: {  	_ =	shalt  }
0x76: {  	_ =	shalt  }
0x77: {  	_ =	shalt  }
0x78: {  	_ =	shalt  }
0x79: {  	_ =	shalt  }
0x7a: {  	_ =	shalt  }
0x7b: {  	_ =	shalt  }
0x7c: {  	_ =	shalt  }
0x7d: {  	_ =	shalt  }
0x7e: {  	_ =	shalt  }
0x7f: {  	_ =	shalt  }
0x80: {  	_ =	shalt  }
0x81: {  	_ =	shalt  }
0x82: {  	_ =	shalt  }
0x83: {  	_ =	shalt  }
0x84: {  	_ =	shalt  }
0x85: {  	_ =	shalt  }
0x86: {  	_ =	shalt  }
0x87: {  	_ =	shalt  }
.Lfunc_end0:
.L_simem_size_0:
called_computation_lowered:
.L_overlay_start_0:
0x88: {  	s2 =	sld [smem:$0x3FD9]  }
0x89: {  	s3 =	sld [smem:$0x3FFE];
	_ =	sdelay $0x1  }
0x8a: {  	s1 =	srdreg.scid  }
0x8b: {  	s0 =	sand.u32 $0x1, s1  }
0x8c: {  	s17 =	sshll.u32 s0, $0xA;
	s2 =	sadd.s32 s3, s2  }
0x8d: {  	s2 =	sadd.s32 s2, s17  }
0x8e: {  	[smem:$0x3FC5] =	sst s2  }
0x8f: {  	_ = 	snop  }
0x90: {  	s2 =	sld [smem:$0x3FC7]  }
0x91: {  	s18 =	sld [smem:$0x3FD0];
	(tm) =	ssettm $0x1  }
0x92: {  	s4 =	sld [smem:$0x3FFB];
	_ =	sdelay $0x3  }
0x93: {  	_ =	strace s4  }
0x94: {  	s4 =	sld [smem:$0x3FFC];
	_ =	sdelay $0x3  }
0x95: {  	_ =	strace s4  }
0x96: {  	s4 =	sld [smem:$0x3FFD];
	_ =	sdelay $0x3  }
0x97: {  	_ =	strace s4  }
0x98: {  	_ =	strace $0x8FFFFFFF  }
0x99: {  	s19 =	sld [smem:$0x3FDB];
	_ =	sdelay $0x1  }
0x9a: {  	s5 =	simm.s32 $_scs_section_size  }
0x9b: {  	s6 =	simm.s32 $_size__tile_overlayer_lowered;
	s7 =	simm.s32 $_tile_overlayer_lowered  }
0x9c: {  	s22 =	simm.s32 $0x1BFF;
	s21 =	sshll.u32 s7, $0x1;
	s4 =	sadd.s32 s5, s19  }
0x9d: {  	s8 =	simm.s32 $0x0;
	s20 =	sshll.u32 s6, $0x1;
	s6 =	sadd.s32 s21, s4  }
0x9e: {  	[timem:s8], [sflag:s22] =	dma.local [hbm:s6], s20  }
0x9f: {  	_ =	swait.ge [sflag:s22], s20  }
0xa0: {  	s5 =	ssub.s32 $0x0, s20;
	[sflag:s22] =	ssyncset.done $0x0  }
0xa1: {  	[sflag:s22] =	ssyncadd.s32 s5;
	_ =	sdelay $0x1  }
0xa2: {  	s23 =	simm.s32 $0x1B8B  }
0xa3: {  	_ =	swait.ge [sflag:s23], $0x1  }
0xa4: {  	[sflag:s23] =	ssyncset.done $0x0  }
0xa5: {  	s25 =	simm.s32 $0x1B8E;
	s24 =	sld [smem:$0x3FFE];
	[sflag:s23] =	ssyncadd.s32 $0xFFFFFFFF  }
0xa6: {  	s26 =	simm.s32 $execute0_lowered;
	[smem:$0x3FD2] =	sst s25  }
0xa7: {  	s6 =	sshll.u32 s26, $0x1;
	_ =	strace $0x80000046;
	[dreg:$0x1] =	wrdreg $0xFFFFFFFF  }
0xa8: {  	s28 =	simm.s32 $_size_execute0_lowered;
	s4 =	sadd.s32 s4, s6;
	[dreg:$0x0] =	wrdreg $0x0  }
0xa9: {  	s6 =	sshll.u32 s28, $0x1;
	[dreg:$0x2] =	wrdreg s4  }
0xaa: {  	[dreg:$0x3] =	wrdreg s6  }
0xab: {  	[dreg:$0x4] =	wrdreg $0xC0  }
0xac: {  	_ =	task [dreg:s8], $0x5FFFF  }
0xad: {  	[dreg:$0x1] =	wrdreg $0xFFFFFFFF  }
0xae: {  	[dreg:$0x0] =	wrdreg $0x60  }
0xaf: {  	[dreg:$0x2] =	wrdreg s2  }
0xb0: {  	[dreg:$0x3] =	wrdreg s24  }
0xb1: {  	[dreg:$0x4] =	wrdreg s18  }
0xb2: {  	[dreg:$0x5] =	wrdreg $0x9  }
0xb3: {  	_ =	task.clear_ibuf [dreg:s8], $0x6FFFF;
	_ =	strace $0x90000046  }
0xb4: {  	s29 =	simm.s32 $0x9;
	_ =	strace $0x80000048  }
0xb5: {  	_ =	swait.ge [sflag:s29], $0x1  }
0xb6: {  	[sflag:s29] =	ssyncadd.s32 $0xFFFFFFFF  }
0xb7: {  	_ =	strace $0x90000048  }
0xb8: {  	_ =	sfence  }
0xb9: {  	s30 =	sld [smem:$0x0];
	_ =	sdelay $0x2  }
0xba: {  	s31 =	sshll.u32 s1, $0xD;
	s1 =	sshrl.u32 s1, $0x2  }
0xbb: {  	s3 =	sand.u32 $0x4000, s31;
	s1 =	sadd.s32 s1, s30  }
0xbc: {  	s0 =	sor.u32 s3, s0;
	s1 =	sshll.u32 s1, $0x11  }
0xbd: {  	s0 =	sor.u32 s1, s0  }
0xbe: {  	s0 =	sadd.s32 $0x8F2B, s0  }
0xbf: {  	[sflag:s0] =	ssyncadd.remote.s32 $0x1  }
0xc0: {  	_ =	sfence.sel $0xFFFF  }
0xc1: {  	[dreg:$0x0] =	wrdreg $0xFFFFFFFF;
	(pc) =	sbr.abs _section_cstart, $3  }
0xc2: {  	[dreg:$0x1] =	wrdreg $0xFFFFFFFF  }
0xc3: {  	_ =	task.clear_ibuf [dreg:s8], $0x2FFFF;
	_ =	strace $0x9FFFFFFF  }
0xc4: {  	(tm) =	ssettm $0x7FFFFFFF  }
0xc5: {  	_ =	shalt  }
tec
execute0_lowered:
.L_overlay_start_1:
0x0: {  	(tag) =	ssettag $0x1  }
0x1: {  	s0 =	srdreg.scid;
	s1 =	rddreg [dreg:$0x0]  }
0x2: {  	s2 =	stileid.u32;
	s4 =	rddreg [dreg:$0x1]  }
0x3: {  	s8 =	rddreg [dreg:$0x2];
	s3 =	simm.s32 $0x0;
	s11 =	simm.s32 $0x7  }
0x4: {  	s12 =	simm.s32 $0x100;
	s18 =	simm.s32 $0x3100;
	s24 =	simm.s32 $0x6100  }
0x5: {  	s31 =	simm.s32 $0x9100;
	s13 =	simm.s32 $0xA900;
	s14 =	simm.s32 $0xB100  }
0x6: {  	s15 =	simm.s32 $0xB900;
	s16 =	simm.s32 $0xC100;
	s17 =	simm.s32 $0x5  }
0x7: {  	s19 =	simm.s32 $0x1;
	s0 =	sand.u32 $0x1, s0;
	s2 =	sshll.u32 s2, $0x1  }
0x8: {  	s20 =	simm.s32 $0x2;
	s21 =	simm.s32 $0x3;
	s2 =	sor.u32 s0, s2  }
0x9: {  	s22 =	simm.s32 $0x4;
	s23 =	simm.s32 $0x6;
	s5 =	smul.u32 $0x18, s2  }
0xa: {  	s25 =	simm.s32 $0x0;
	[smem:$0x7FF] =	sst s3;
	s7 =	smul.u32 $0x1800, s2  }
0xb: {  	s0 =	ssub.s32 $0x2, s0;
	s6 =	sand.u32 $0x3, s2;
	s2 =	smul.u32 $0xC000, s2  }
0xc: {  	_ =	strace $0x80000047;
	s9 =	sshrl.u32 s0, $0x1;
	s6 =	smul.u32 $0x1800, s6  }
0xd: {  	s0 =	ssub.s32 s0, s9;
	s5 =	sadd.s32 s5, s4;
	s2 =	sshrl.u32 s2, $0x3  }
0xe: {  	v2 =	vlaneseq.u32;
	s10 =	smax.u32 s0, $0x1;
	s6 =	sadd.s32 s6, s4;
	s4 =	sadd.s32 $0xA00, s5  }
0xf: {  	vm0 =	vmmov $0xffff;
	v1 =	vshrl.u32 v2, $0x3;
	s5 =	sadd.s32 s8, s7;
	s2 =	sadd.s32 s8, s2;
	s6 =	sadd.s32 $0xE00, s6  }
0x10: {  	v0 =	vand.u32 $0x7, v2;
	v2 =	vor.u32 $0x8, v2;
	v1 =	vmul.u32 $0x8, v1;
	s7 =	sadd.s32 $0x600, s5;
	s8 =	sadd.s32 $0xC00, s2;
	s9 =	sadd.s32 $0x1200, s2  }
.LBB2_1:
0x11: {  	[tilespmem:s3], [sflag:$0x7] =	stream.linear.gather [hbm4b:s4+s3], $0xC0, $0x38;
	[tilespmem:$0x18100] =	vst v63  }
0x12: {  	_ =	swait.ge [sflag:s11], $0xC0  }
0x13: {  	[sflag:s11] =	ssyncset.done $0x0  }
0x14: {  	[sflag:s11] =	ssyncadd.s32 $0xFFFFFF40  }
0x15: {  	v3 =	vld [tilespmem:$0x0];
	_ =	sdelay $0x4  }
0x16: {  	v4 =	vshll.u32 v3, $0x1  }
0x17: {  	v3 =	vand.u32 $0x7, v3;
	v4 =	vand.u32 $0xFFFFFFF0, v4  }
0x18: {  	v3 =	vor.u32 v3, v4  }
0x19: {  	v4 =	vperm.xlane v3, v0;
	_ =	sdelay $0x1  }
0x1a: {  	v3 =	vperm.xlane v3, v2;
	v4 =	vadd.s32 v1, v4;
	_ =	sdelay $0x1  }
0x1b: {  	v3 =	vadd.s32 v1, v3;
	_ =	sdelay $0x2  }
0x1c: {  	[tilespmem:s12], [sflag:$0x1] =	stream.indirect_vreg.gather [hbm4b:s1+s3], $0x80, v4, vm0, $0xb8;
	[tilespmem:$0x18100] =	vst v63  }
0x1d: {  	s0 =	simm.s32 $0x900  }
0x1e: {  	[tilespmem:s0], [sflag:$0x1] =	stream.indirect_vreg.gather [hbm4b:s1+s3], $0x80, v3, vm0, $0xb8;
	[tilespmem:$0x18100] =	vst v63  }
0x1f: {  	v3 =	vld [tilespmem:$0x10];
	_ =	sdelay $0x4  }
0x20: {  	v4 =	vshll.u32 v3, $0x1  }
0x21: {  	v3 =	vand.u32 $0x7, v3;
	v4 =	vand.u32 $0xFFFFFFF0, v4  }
0x22: {  	v3 =	vor.u32 v3, v4  }
0x23: {  	v4 =	vperm.xlane v3, v0;
	_ =	sdelay $0x1  }
0x24: {  	v3 =	vperm.xlane v3, v2;
	v4 =	vadd.s32 v1, v4;
	_ =	sdelay $0x1  }
0x25: {  	v3 =	vadd.s32 v1, v3;
	_ =	sdelay $0x1  }
0x26: {  	s2 =	simm.s32 $0x1100  }
0x27: {  	[tilespmem:s2], [sflag:$0x1] =	stream.indirect_vreg.gather [hbm4b:s1+s3], $0x80, v4, vm0, $0xb8;
	[tilespmem:$0x18100] =	vst v63  }
0x28: {  	s26 =	simm.s32 $0x1900  }
0x29: {  	[tilespmem:s26], [sflag:$0x1] =	stream.indirect_vreg.gather [hbm4b:s1+s3], $0x80, v3, vm0, $0xb8;
	[tilespmem:$0x18100] =	vst v63  }
0x2a: {  	v3 =	vld [tilespmem:$0x20];
	_ =	sdelay $0x4  }
0x2b: {  	v4 =	vshll.u32 v3, $0x1  }
0x2c: {  	v3 =	vand.u32 $0x7, v3;
	v4 =	vand.u32 $0xFFFFFFF0, v4  }
0x2d: {  	v3 =	vor.u32 v3, v4  }
0x2e: {  	v4 =	vperm.xlane v3, v0;
	_ =	sdelay $0x1  }
0x2f: {  	v3 =	vperm.xlane v3, v2;
	v4 =	vadd.s32 v1, v4;
	_ =	sdelay $0x1  }
0x30: {  	v3 =	vadd.s32 v1, v3;
	_ =	sdelay $0x1  }
0x31: {  	s2 =	simm.s32 $0x2100  }
0x32: {  	[tilespmem:s2], [sflag:$0x1] =	stream.indirect_vreg.gather [hbm4b:s1+s3], $0x80, v4, vm0, $0xb8;
	[tilespmem:$0x18100] =	vst v63  }
0x33: {  	s26 =	simm.s32 $0x2900  }
0x34: {  	[tilespmem:s26], [sflag:$0x1] =	stream.indirect_vreg.gather [hbm4b:s1+s3], $0x80, v3, vm0, $0xb8;
	[tilespmem:$0x18100] =	vst v63  }
0x35: {  	v3 =	vld [tilespmem:$0x30];
	_ =	sdelay $0x4  }
0x36: {  	v4 =	vshll.u32 v3, $0x1  }
0x37: {  	v3 =	vand.u32 $0x7, v3;
	v4 =	vand.u32 $0xFFFFFFF0, v4  }
0x38: {  	v3 =	vor.u32 v3, v4  }
0x39: {  	v4 =	vperm.xlane v3, v0;
	_ =	sdelay $0x1  }
0x3a: {  	v3 =	vperm.xlane v3, v2;
	v4 =	vadd.s32 v1, v4;
	_ =	sdelay $0x1  }
0x3b: {  	v3 =	vadd.s32 v1, v3;
	_ =	sdelay $0x2  }
0x3c: {  	[tilespmem:s18], [sflag:$0x2] =	stream.indirect_vreg.gather [hbm4b:s1+s3], $0x80, v4, vm0, $0xb8;
	[tilespmem:$0x18100] =	vst v63  }
0x3d: {  	s2 =	simm.s32 $0x3900  }
0x3e: {  	[tilespmem:s2], [sflag:$0x2] =	stream.indirect_vreg.gather [hbm4b:s1+s3], $0x80, v3, vm0, $0xb8;
	[tilespmem:$0x18100] =	vst v63  }
0x3f: {  	v3 =	vld [tilespmem:$0x40];
	_ =	sdelay $0x4  }
0x40: {  	v4 =	vshll.u32 v3, $0x1  }
0x41: {  	v3 =	vand.u32 $0x7, v3;
	v4 =	vand.u32 $0xFFFFFFF0, v4  }
0x42: {  	v3 =	vor.u32 v3, v4  }
0x43: {  	v4 =	vperm.xlane v3, v0;
	_ =	sdelay $0x1  }
0x44: {  	v3 =	vperm.xlane v3, v2;
	v4 =	vadd.s32 v1, v4;
	_ =	sdelay $0x1  }
0x45: {  	v3 =	vadd.s32 v1, v3;
	_ =	sdelay $0x1  }
0x46: {  	s26 =	simm.s32 $0x4100  }
0x47: {  	[tilespmem:s26], [sflag:$0x2] =	stream.indirect_vreg.gather [hbm4b:s1+s3], $0x80, v4, vm0, $0xb8;
	[tilespmem:$0x18100] =	vst v63  }
0x48: {  	s2 =	simm.s32 $0x4900  }
0x49: {  	[tilespmem:s2], [sflag:$0x2] =	stream.indirect_vreg.gather [hbm4b:s1+s3], $0x80, v3, vm0, $0xb8;
	[tilespmem:$0x18100] =	vst v63  }
0x4a: {  	v3 =	vld [tilespmem:$0x50];
	_ =	sdelay $0x4  }
0x4b: {  	v4 =	vshll.u32 v3, $0x1  }
0x4c: {  	v3 =	vand.u32 $0x7, v3;
	v4 =	vand.u32 $0xFFFFFFF0, v4  }
0x4d: {  	v3 =	vor.u32 v3, v4  }
0x4e: {  	v4 =	vperm.xlane v3, v0;
	_ =	sdelay $0x1  }
0x4f: {  	v3 =	vperm.xlane v3, v2;
	v4 =	vadd.s32 v1, v4;
	_ =	sdelay $0x1  }
0x50: {  	v3 =	vadd.s32 v1, v3;
	_ =	sdelay $0x1  }
0x51: {  	s26 =	simm.s32 $0x5100  }
0x52: {  	[tilespmem:s26], [sflag:$0x2] =	stream.indirect_vreg.gather [hbm4b:s1+s3], $0x80, v4, vm0, $0xb8;
	[tilespmem:$0x18100] =	vst v63  }
0x53: {  	s2 =	simm.s32 $0x5900  }
0x54: {  	[tilespmem:s2], [sflag:$0x2] =	stream.indirect_vreg.gather [hbm4b:s1+s3], $0x80, v3, vm0, $0xb8;
	[tilespmem:$0x18100] =	vst v63  }
0x55: {  	v3 =	vld [tilespmem:$0x60];
	_ =	sdelay $0x4  }
0x56: {  	v4 =	vshll.u32 v3, $0x1  }
0x57: {  	v3 =	vand.u32 $0x7, v3;
	v4 =	vand.u32 $0xFFFFFFF0, v4  }
0x58: {  	v3 =	vor.u32 v3, v4  }
0x59: {  	v4 =	vperm.xlane v3, v0;
	_ =	sdelay $0x1  }
0x5a: {  	v3 =	vperm.xlane v3, v2;
	v4 =	vadd.s32 v1, v4;
	_ =	sdelay $0x1  }
0x5b: {  	v3 =	vadd.s32 v1, v3;
	_ =	sdelay $0x2  }
0x5c: {  	[tilespmem:s24], [sflag:$0x3] =	stream.indirect_vreg.gather [hbm4b:s1+s3], $0x80, v4, vm0, $0xb8;
	[tilespmem:$0x18100] =	vst v63  }
0x5d: {  	s26 =	simm.s32 $0x6900  }
0x5e: {  	[tilespmem:s26], [sflag:$0x3] =	stream.indirect_vreg.gather [hbm4b:s1+s3], $0x80, v3, vm0, $0xb8;
	[tilespmem:$0x18100] =	vst v63  }
0x5f: {  	v3 =	vld [tilespmem:$0x70];
	_ =	sdelay $0x4  }
0x60: {  	v4 =	vshll.u32 v3, $0x1  }
0x61: {  	v3 =	vand.u32 $0x7, v3;
	v4 =	vand.u32 $0xFFFFFFF0, v4  }
0x62: {  	v3 =	vor.u32 v3, v4  }
0x63: {  	v4 =	vperm.xlane v3, v0;
	_ =	sdelay $0x1  }
0x64: {  	v3 =	vperm.xlane v3, v2;
	v4 =	vadd.s32 v1, v4;
	_ =	sdelay $0x1  }
0x65: {  	v3 =	vadd.s32 v1, v3;
	_ =	sdelay $0x1  }
0x66: {  	s2 =	simm.s32 $0x7100  }
0x67: {  	[tilespmem:s2], [sflag:$0x3] =	stream.indirect_vreg.gather [hbm4b:s1+s3], $0x80, v4, vm0, $0xb8;
	[tilespmem:$0x18100] =	vst v63  }
0x68: {  	s26 =	simm.s32 $0x7900  }
0x69: {  	[tilespmem:s26], [sflag:$0x3] =	stream.indirect_vreg.gather [hbm4b:s1+s3], $0x80, v3, vm0, $0xb8;
	[tilespmem:$0x18100] =	vst v63  }
0x6a: {  	v3 =	vld [tilespmem:$0x80];
	_ =	sdelay $0x4  }
0x6b: {  	v4 =	vshll.u32 v3, $0x1  }
0x6c: {  	v3 =	vand.u32 $0x7, v3;
	v4 =	vand.u32 $0xFFFFFFF0, v4  }
0x6d: {  	v3 =	vor.u32 v3, v4  }
0x6e: {  	v4 =	vperm.xlane v3, v0;
	_ =	sdelay $0x1  }
0x6f: {  	v3 =	vperm.xlane v3, v2;
	v4 =	vadd.s32 v1, v4;
	_ =	sdelay $0x1  }
0x70: {  	v3 =	vadd.s32 v1, v3;
	_ =	sdelay $0x1  }
0x71: {  	s2 =	simm.s32 $0x8100  }
0x72: {  	[tilespmem:s2], [sflag:$0x3] =	stream.indirect_vreg.gather [hbm4b:s1+s3], $0x80, v4, vm0, $0xb8;
	[tilespmem:$0x18100] =	vst v63  }
0x73: {  	s26 =	simm.s32 $0x8900  }
0x74: {  	[tilespmem:s26], [sflag:$0x3] =	stream.indirect_vreg.gather [hbm4b:s1+s3], $0x80, v3, vm0, $0xb8;
	[tilespmem:$0x18100] =	vst v63  }
0x75: {  	v3 =	vld [tilespmem:$0x90];
	_ =	sdelay $0x4  }
0x76: {  	v4 =	vshll.u32 v3, $0x1  }
0x77: {  	v3 =	vand.u32 $0x7, v3;
	v4 =	vand.u32 $0xFFFFFFF0, v4  }
0x78: {  	v3 =	vor.u32 v3, v4  }
0x79: {  	v4 =	vperm.xlane v3, v0;
	_ =	sdelay $0x1  }
0x7a: {  	v3 =	vperm.xlane v3, v2;
	v4 =	vadd.s32 v1, v4;
	_ =	sdelay $0x1  }
0x7b: {  	v3 =	vadd.s32 v1, v3;
	_ =	sdelay $0x2  }
0x7c: {  	[tilespmem:s31], [sflag:$0x4] =	stream.indirect_vreg.gather [hbm4b:s1+s3], $0x80, v4, vm0, $0xb8;
	[tilespmem:$0x18100] =	vst v63  }
0x7d: {  	s2 =	simm.s32 $0x9900  }
0x7e: {  	[tilespmem:s2], [sflag:$0x4] =	stream.indirect_vreg.gather [hbm4b:s1+s3], $0x80, v3, vm0, $0xb8;
	[tilespmem:$0x18100] =	vst v63  }
0x7f: {  	v3 =	vld [tilespmem:$0xA0];
	_ =	sdelay $0x4  }
0x80: {  	v4 =	vshll.u32 v3, $0x1  }
0x81: {  	v3 =	vand.u32 $0x7, v3;
	v4 =	vand.u32 $0xFFFFFFF0, v4  }
0x82: {  	v3 =	vor.u32 v3, v4  }
0x83: {  	v4 =	vperm.xlane v3, v0;
	_ =	sdelay $0x1  }
0x84: {  	v3 =	vperm.xlane v3, v2;
	v4 =	vadd.s32 v1, v4;
	_ =	sdelay $0x1  }
0x85: {  	v3 =	vadd.s32 v1, v3;
	_ =	sdelay $0x1  }
0x86: {  	s26 =	simm.s32 $0xA100  }
0x87: {  	[tilespmem:s26], [sflag:$0x4] =	stream.indirect_vreg.gather [hbm4b:s1+s3], $0x80, v4, vm0, $0xb8;
	[tilespmem:$0x18100] =	vst v63  }
0x88: {  	_ = 	snop  }
0x89: {  	[tilespmem:s13], [sflag:$0x4] =	stream.indirect_vreg.gather [hbm4b:s1+s3], $0x80, v3, vm0, $0xb8;
	[tilespmem:$0x18100] =	vst v63  }
0x8a: {  	v3 =	vld [tilespmem:$0xB0];
	_ =	sdelay $0x4  }
0x8b: {  	v4 =	vshll.u32 v3, $0x1  }
0x8c: {  	v3 =	vand.u32 $0x7, v3;
	v4 =	vand.u32 $0xFFFFFFF0, v4  }
0x8d: {  	v3 =	vor.u32 v3, v4  }
0x8e: {  	v4 =	vperm.xlane v3, v0;
	_ =	sdelay $0x1  }
0x8f: {  	v3 =	vperm.xlane v3, v2;
	v4 =	vadd.s32 v1, v4;
	_ =	sdelay $0x1  }
0x90: {  	v3 =	vadd.s32 v1, v3;
	_ =	sdelay $0x2  }
0x91: {  	[tilespmem:s14], [sflag:$0x4] =	stream.indirect_vreg.gather [hbm4b:s1+s3], $0x80, v4, vm0, $0xb8;
	[tilespmem:$0x18100] =	vst v63  }
0x92: {  	_ = 	snop  }
0x93: {  	[tilespmem:s15], [sflag:$0x4] =	stream.indirect_vreg.gather [hbm4b:s1+s3], $0x80, v3, vm0, $0xb8;
	[tilespmem:$0x18100] =	vst v63  }
0x94: {  	_ = 	snop  }
0x95: {  	[tilespmem:s16], [sflag:$0x5] =	stream.linear.gather [hbm4b:s6+s3], $0xC000, $0x38;
	[tilespmem:$0x18100] =	vst v63  }
0x96: {  	_ =	swait.ge [sflag:s17], $0xC000  }
0x97: {  	[sflag:s17] =	ssyncset.done $0x0  }
0x98: {  	[sflag:s17] =	ssyncadd.s32 $0xFFFF4000  }
0x99: {  	_ =	swait.ge [sflag:s19], $0x3000  }
0x9a: {  	s28 =	sand.u32 $0x300, s3;
	s26 =	sand.u32 $0x3800, s3;
	[sflag:s19] =	ssyncset.done $0x0  }
0x9b: {  	s26 =	sor.u32 s28, s26;
	[sflag:s19] =	ssyncadd.s32 $0xFFFFD000  }
0x9c: {  	v3 =	vld [tilespmem:s26+$0x100]  }
0x9d: {  	v4 =	vld [tilespmem:s26+$0xC100]  }
0x9e: {  	v5 =	vld [tilespmem:s26+$0x110]  }
0x9f: {  	v6 =	vld [tilespmem:s26+$0xC110]  }
0xa0: {  	v7 =	vld [tilespmem:s26+$0x120]  }
0xa1: {  	v8 =	vld [tilespmem:s26+$0xC120]  }
0xa2: {  	v9 =	vld [tilespmem:s26+$0xC130]  }
0xa3: {  	v10 =	vld [tilespmem:s26+$0x5F0]  }
0xa4: {  	v11 =	vld [tilespmem:s26+$0xC5F0]  }
0xa5: {  	v12 =	vld [tilespmem:s26+$0xC180]  }
0xa6: {  	v13 =	vld [tilespmem:s26+$0x190]  }
0xa7: {  	v14 =	vld [tilespmem:s26+$0xC190]  }
0xa8: {  	v15 =	vld [tilespmem:s26+$0x1A0]  }
0xa9: {  	v55 =	vld [tilespmem:s26+$0x1B0]  }
0xaa: {  	v16 =	vld [tilespmem:s26+$0x540]  }
0xab: {  	v56 =	vld [tilespmem:s26+$0x1C0]  }
0xac: {  	v57 =	vld [tilespmem:s26+$0xC1C0]  }
0xad: {  	v58 =	vld [tilespmem:s26+$0x550]  }
0xae: {  	v59 =	vld [tilespmem:s26+$0xC1E0]  }
0xaf: {  	v60 =	vld [tilespmem:s26+$0x1F0]  }
0xb0: {  	v61 =	vld [tilespmem:s26+$0x560]  }
0xb1: {  	v62 =	vld [tilespmem:s26+$0xC590]  }
0xb2: {  	v17 =	vld [tilespmem:s26+$0x570]  }
0xb3: {  	v3 =	vadd.f32 v4, v3;
	v4 =	vld [tilespmem:s26+$0x130]  }
0xb4: {  	v10 =	vadd.f32 v11, v10;
	v11 =	vld [tilespmem:s26+$0x180]  }
0xb5: {  	[tilespmem:s26+$0x100] =	vst v3;
	v3 =	vadd.f32 v6, v5;
	v5 =	vld [tilespmem:s26+$0x140]  }
0xb6: {  	v6 =	vld [tilespmem:s26+$0xC140]  }
0xb7: {  	[tilespmem:s26+$0x110] =	vst v3;
	v3 =	vadd.f32 v8, v7;
	v7 =	vld [tilespmem:s26+$0x150]  }
0xb8: {  	v8 =	vld [tilespmem:s26+$0xC150]  }
0xb9: {  	[tilespmem:s26+$0x120] =	vst v3;
	v3 =	vadd.f32 v9, v4;
	v4 =	vld [tilespmem:s26+$0x160]  }
0xba: {  	v9 =	vld [tilespmem:s26+$0xC160]  }
0xbb: {  	[tilespmem:s26+$0x130] =	vst v3;
	v3 =	vadd.f32 v6, v5;
	v5 =	vld [tilespmem:s26+$0x170]  }
0xbc: {  	v6 =	vld [tilespmem:s26+$0xC170]  }
0xbd: {  	[tilespmem:s26+$0x140] =	vst v3;
	v3 =	vadd.f32 v8, v7;
	v7 =	vld [tilespmem:s26+$0x500]  }
0xbe: {  	v8 =	vld [tilespmem:s26+$0xC500]  }
0xbf: {  	v63 =	vld [tilespmem:s26+$0x5A0]  }
0xc0: {  	[tilespmem:s26+$0x150] =	vst v3;
	v3 =	vadd.f32 v9, v4;
	v4 =	vld [tilespmem:s26+$0x510]  }
0xc1: {  	v9 =	vld [tilespmem:s26+$0xC510]  }
0xc2: {  	v11 =	vadd.f32 v12, v11;
	[tilespmem:s26+$0x160] =	vst v3;
	v3 =	vadd.f32 v6, v5;
	v5 =	vld [tilespmem:s26+$0x520]  }
0xc3: {  	v6 =	vld [tilespmem:s26+$0xC520];
	v7 =	vadd.f32 v8, v7  }
0xc4: {  	[tilespmem:s26+$0x180] =	vst v11;
	v8 =	vld [tilespmem:s26+$0xC1A0]  }
0xc5: {  	v11 =	vadd.f32 v14, v13;
	[tilespmem:s26+$0x500] =	vst v7;
	v7 =	vld [tilespmem:s26+$0xC1B0]  }
0xc6: {  	[tilespmem:s26+$0x5F0] =	vst v10;
	v10 =	vld [tilespmem:s26+$0xC530];
	v4 =	vadd.f32 v9, v4  }
0xc7: {  	[tilespmem:s26+$0x190] =	vst v11;
	v11 =	vld [tilespmem:s26+$0x1D0]  }
0xc8: {  	[tilespmem:s26+$0x510] =	vst v4;
	v4 =	vld [tilespmem:s26+$0xC1D0];
	v5 =	vadd.f32 v6, v5  }
0xc9: {  	[tilespmem:s26+$0x170] =	vst v3;
	v3 =	vld [tilespmem:s26+$0x530];
	v8 =	vadd.f32 v8, v15  }
0xca: {  	v6 =	vld [tilespmem:s26+$0xC550];
	[tilespmem:s26+$0x520] =	vst v5;
	v7 =	vadd.f32 v7, v55  }
0xcb: {  	v5 =	vld [tilespmem:s26+$0xC1F0];
	[tilespmem:s26+$0x1A0] =	vst v8  }
0xcc: {  	v8 =	vld [tilespmem:s26+$0x1E0];
	[tilespmem:s26+$0x1B0] =	vst v7;
	v7 =	vadd.f32 v57, v56  }
0xcd: {  	v4 =	vadd.f32 v4, v11;
	v11 =	vld [tilespmem:s26+$0xC580]  }
0xce: {  	v3 =	vadd.f32 v10, v3;
	[tilespmem:s26+$0x1C0] =	vst v7;
	v7 =	vld [tilespmem:s26+$0x580]  }
0xcf: {  	v9 =	vld [tilespmem:s26+$0xC540]  }
0xd0: {  	v19 =	vld [tilespmem:s26+$0xC570];
	[tilespmem:s26+$0x530] =	vst v3;
	v6 =	vadd.f32 v6, v58  }
0xd1: {  	[tilespmem:s26+$0x1D0] =	vst v4;
	v4 =	vadd.f32 v59, v8;
	v8 =	vld [tilespmem:s26+$0x590]  }
0xd2: {  	v10 =	vld [tilespmem:s26+$0xC560];
	v3 =	vadd.f32 v5, v60;
	[tilespmem:s26+$0x550] =	vst v6  }
0xd3: {  	v18 =	vld [tilespmem:s26+$0xC5A0];
	[tilespmem:s26+$0x1E0] =	vst v4;
	v4 =	vadd.f32 v11, v7  }
0xd4: {  	v5 =	vld [tilespmem:s26+$0xC5B0];
	[tilespmem:s26+$0x1F0] =	vst v3;
	v7 =	vadd.f32 v9, v16  }
0xd5: {  	v3 =	vld [tilespmem:s26+$0x5B0];
	v9 =	vadd.f32 v19, v17;
	[tilespmem:s26+$0x580] =	vst v4  }
0xd6: {  	v6 =	vld [tilespmem:s26+$0xC5C0];
	[tilespmem:s26+$0x540] =	vst v7;
	v7 =	vadd.f32 v62, v8  }
0xd7: {  	v4 =	vld [tilespmem:s26+$0x5C0];
	v8 =	vadd.f32 v10, v61;
	[tilespmem:s26+$0x570] =	vst v9  }
0xd8: {  	v9 =	vadd.f32 v18, v63;
	[tilespmem:s26+$0x590] =	vst v7;
	v7 =	vld [tilespmem:s26+$0x5D0]  }
0xd9: {  	s29 =	simm.s32 $0x100;
	s30 =	simm.s32 $0x200;
	s28 =	simm.s32 $0x0;
	[tilespmem:s26+$0x560] =	vst v8;
	v8 =	vld [tilespmem:s26+$0xC5D0]  }
.LBB2_2:
0xda: {  	s2 =	sand.u32 $0x3800, s30;
	s0 =	sand.u32 $0x300, s29;
	[tilespmem:s26+$0x5A0] =	vst v9;
	v3 =	vadd.f32 v5, v3;
	v5 =	vld [tilespmem:s26+$0x5E0]  }
0xdb: {  	s28 =	sadd.s32 $0x2, s28;
	s0 =	sor.u32 s0, s2;
	v9 =	vld [tilespmem:s26+$0xC5E0]  }
0xdc: {  	p0 =	slt.u32 s28, $0x2E;
	v10 =	vld [tilespmem:s0+$0x5F0];
	[tilespmem:s26+$0x5B0] =	vst v3;
	v3 =	vadd.f32 v6, v4  }
0xdd: {  	v4 =	vld [tilespmem:s0+$0xC5F0]  }
0xde: {  	v6 =	vld [tilespmem:s0+$0x100];
	[tilespmem:s26+$0x5C0] =	vst v3;
	v3 =	vadd.f32 v8, v7  }
0xdf: {  	v7 =	vld [tilespmem:s0+$0xC100]  }
0xe0: {  	v8 =	vld [tilespmem:s0+$0x110];
	[tilespmem:s26+$0x5D0] =	vst v3;
	v3 =	vadd.f32 v9, v5  }
0xe1: {  	v5 =	vld [tilespmem:s0+$0xC110]  }
0xe2: {  	v9 =	vld [tilespmem:s0+$0x120];
	v4 =	vadd.f32 v4, v10;
	[tilespmem:s26+$0x5E0] =	vst v3;
	s26 =	smov.u32 s0  }
0xe3: {  	v3 =	vld [tilespmem:s26+$0xC120]  }
0xe4: {  	v6 =	vadd.f32 v7, v6;
	v7 =	vld [tilespmem:s26+$0x130];
	[tilespmem:s26+$0x5F0] =	vst v4  }
0xe5: {  	v4 =	vld [tilespmem:s26+$0xC130]  }
0xe6: {  	[tilespmem:s26+$0x100] =	vst v6;
	v5 =	vadd.f32 v5, v8;
	v6 =	vld [tilespmem:s26+$0x140]  }
0xe7: {  	v8 =	vld [tilespmem:s26+$0xC140]  }
0xe8: {  	[tilespmem:s26+$0x110] =	vst v5;
	v3 =	vadd.f32 v3, v9;
	v5 =	vld [tilespmem:s26+$0x150]  }
0xe9: {  	v9 =	vld [tilespmem:s26+$0xC150]  }
0xea: {  	[tilespmem:s26+$0x120] =	vst v3;
	v3 =	vadd.f32 v4, v7;
	v4 =	vld [tilespmem:s26+$0x160]  }
0xeb: {  	v7 =	vld [tilespmem:s26+$0xC160]  }
0xec: {  	[tilespmem:s26+$0x130] =	vst v3;
	v3 =	vadd.f32 v8, v6;
	v6 =	vld [tilespmem:s26+$0x170]  }
0xed: {  	v8 =	vld [tilespmem:s26+$0xC170]  }
0xee: {  	[tilespmem:s26+$0x140] =	vst v3;
	v3 =	vadd.f32 v9, v5;
	v5 =	vld [tilespmem:s26+$0x500]  }
0xef: {  	v9 =	vld [tilespmem:s26+$0xC500]  }
0xf0: {  	[tilespmem:s26+$0x150] =	vst v3;
	v3 =	vadd.f32 v7, v4;
	v4 =	vld [tilespmem:s26+$0x510]  }
0xf1: {  	v7 =	vld [tilespmem:s26+$0xC510]  }
0xf2: {  	[tilespmem:s26+$0x160] =	vst v3;
	v3 =	vadd.f32 v8, v6;
	v6 =	vld [tilespmem:s26+$0x520]  }
0xf3: {  	v8 =	vld [tilespmem:s26+$0xC520]  }
0xf4: {  	[tilespmem:s26+$0x170] =	vst v3;
	v3 =	vadd.f32 v9, v5;
	v5 =	vld [tilespmem:s26+$0x530]  }
0xf5: {  	v9 =	vld [tilespmem:s26+$0xC530]  }
0xf6: {  	[tilespmem:s26+$0x500] =	vst v3;
	v3 =	vadd.f32 v7, v4;
	v4 =	vld [tilespmem:s26+$0x540]  }
0xf7: {  	v7 =	vld [tilespmem:s26+$0xC540]  }
0xf8: {  	[tilespmem:s26+$0x510] =	vst v3;
	v3 =	vadd.f32 v8, v6;
	v6 =	vld [tilespmem:s26+$0x550]  }
0xf9: {  	v8 =	vld [tilespmem:s26+$0xC550]  }
0xfa: {  	[tilespmem:s26+$0x520] =	vst v3;
	v3 =	vadd.f32 v9, v5;
	v5 =	vld [tilespmem:s26+$0x560]  }
0xfb: {  	v9 =	vld [tilespmem:s26+$0xC560]  }
0xfc: {  	[tilespmem:s26+$0x530] =	vst v3;
	v3 =	vadd.f32 v7, v4;
	v4 =	vld [tilespmem:s26+$0x570]  }
0xfd: {  	v7 =	vld [tilespmem:s26+$0xC570]  }
0xfe: {  	[tilespmem:s26+$0x540] =	vst v3;
	v3 =	vadd.f32 v8, v6;
	v6 =	vld [tilespmem:s26+$0x180]  }
0xff: {  	v8 =	vld [tilespmem:s26+$0xC180]  }
0x100: {  	[tilespmem:s26+$0x550] =	vst v3;
	v3 =	vadd.f32 v9, v5;
	v5 =	vld [tilespmem:s26+$0x190]  }
0x101: {  	v9 =	vld [tilespmem:s26+$0xC190]  }
0x102: {  	[tilespmem:s26+$0x560] =	vst v3;
	v3 =	vadd.f32 v7, v4;
	v4 =	vld [tilespmem:s26+$0x1A0]  }
0x103: {  	v7 =	vld [tilespmem:s26+$0xC1A0]  }
0x104: {  	[tilespmem:s26+$0x570] =	vst v3;
	v3 =	vadd.f32 v8, v6;
	v6 =	vld [tilespmem:s26+$0x1B0]  }
0x105: {  	v8 =	vld [tilespmem:s26+$0xC1B0]  }
0x106: {  	[tilespmem:s26+$0x180] =	vst v3;
	v3 =	vadd.f32 v9, v5;
	v5 =	vld [tilespmem:s26+$0x1C0]  }
0x107: {  	v9 =	vld [tilespmem:s26+$0xC1C0]  }
0x108: {  	[tilespmem:s26+$0x190] =	vst v3;
	v3 =	vadd.f32 v7, v4;
	v4 =	vld [tilespmem:s26+$0x1D0]  }
0x109: {  	v7 =	vld [tilespmem:s26+$0xC1D0]  }
0x10a: {  	[tilespmem:s26+$0x1A0] =	vst v3;
	v3 =	vadd.f32 v8, v6;
	v6 =	vld [tilespmem:s26+$0x1E0]  }
0x10b: {  	v8 =	vld [tilespmem:s26+$0xC1E0]  }
0x10c: {  	[tilespmem:s26+$0x1B0] =	vst v3;
	v3 =	vadd.f32 v9, v5;
	v5 =	vld [tilespmem:s26+$0x1F0]  }
0x10d: {  	v9 =	vld [tilespmem:s26+$0xC1F0]  }
0x10e: {  	[tilespmem:s26+$0x1C0] =	vst v3;
	v3 =	vadd.f32 v7, v4;
	v4 =	vld [tilespmem:s26+$0x580]  }
0x10f: {  	v7 =	vld [tilespmem:s26+$0xC580]  }
0x110: {  	[tilespmem:s26+$0x1D0] =	vst v3;
	v3 =	vadd.f32 v8, v6;
	v6 =	vld [tilespmem:s26+$0x590]  }
0x111: {  	v8 =	vld [tilespmem:s26+$0xC590]  }
0x112: {  	[tilespmem:s26+$0x1E0] =	vst v3;
	v3 =	vadd.f32 v9, v5;
	v9 =	vld [tilespmem:s26+$0x5A0]  }
0x113: {  	v10 =	vld [tilespmem:s26+$0xC5A0]  }
0x114: {  	[tilespmem:s26+$0x1F0] =	vst v3;
	v4 =	vadd.f32 v7, v4;
	v3 =	vld [tilespmem:s26+$0x5B0]  }
.Ltmp0:
0x115: {  	v5 =	vld [tilespmem:s26+$0xC5B0];
	(pc) =	sbr.rel @p0 .LBB2_2-.Ltmp0, $4  }
0x116: {  	[tilespmem:s26+$0x580] =	vst v4;
	v7 =	vadd.f32 v8, v6;
	v4 =	vld [tilespmem:s26+$0x5C0]  }
0x117: {  	v6 =	vld [tilespmem:s26+$0xC5C0]  }
0x118: {  	[tilespmem:s26+$0x590] =	vst v7;
	v9 =	vadd.f32 v10, v9;
	v7 =	vld [tilespmem:s26+$0x5D0]  }
0x119: {  	s29 =	sadd.s32 $0x100, s29;
	s30 =	sadd.s32 $0x200, s30;
	v8 =	vld [tilespmem:s26+$0xC5D0]  }
0x11a: {  	[tilespmem:s26+$0x5A0] =	vst v9;
	v9 =	vld [tilespmem:s26+$0x5E0]  }
0x11b: {  	v10 =	vld [tilespmem:s26+$0xC5E0];
	_ =	sdelay $0x1  }
0x11c: {  	v3 =	vadd.f32 v5, v3  }
0x11d: {  	v4 =	vadd.f32 v6, v4  }
0x11e: {  	[tilespmem:s26+$0x5B0] =	vst v3;
	v3 =	vadd.f32 v8, v7  }
0x11f: {  	[tilespmem:s26+$0x5C0] =	vst v4;
	v4 =	vadd.f32 v10, v9  }
0x120: {  	[tilespmem:s26+$0x5D0] =	vst v3  }
0x121: {  	[tilespmem:s26+$0x5E0] =	vst v4  }
0x122: {  	[hbm4b:s5+s3] =	stream.linear.scatter [tilespmem:s12], [sflag:$0x6], $0x3000, $0x38;
	[tilespmem:$0x18100] =	vst v63  }
0x123: {  	s0 =	simm.s32 $0x1800;
	s2 =	simm.s32 $0x3000;
	_ =	swait.ge [sflag:s20], $0x3000  }
0x124: {  	s2 =	sand.u32 $0x7800, s2;
	s0 =	sand.u32 $0x300, s0;
	[sflag:s20] =	ssyncset.done $0x0  }
0x125: {  	s26 =	sor.u32 s0, s2;
	[sflag:s20] =	ssyncadd.s32 $0xFFFFD000  }
0x126: {  	v3 =	vld [tilespmem:s26+$0x100]  }
0x127: {  	v4 =	vld [tilespmem:s26+$0xC100]  }
0x128: {  	v5 =	vld [tilespmem:s26+$0x110]  }
0x129: {  	v6 =	vld [tilespmem:s26+$0xC110]  }
0x12a: {  	v7 =	vld [tilespmem:s26+$0x120]  }
0x12b: {  	v8 =	vld [tilespmem:s26+$0xC120]  }
0x12c: {  	v9 =	vld [tilespmem:s26+$0xC130]  }
0x12d: {  	v10 =	vld [tilespmem:s26+$0x5F0]  }
0x12e: {  	v11 =	vld [tilespmem:s26+$0xC5F0]  }
0x12f: {  	v12 =	vld [tilespmem:s26+$0xC180]  }
0x130: {  	v13 =	vld [tilespmem:s26+$0x190]  }
0x131: {  	v14 =	vld [tilespmem:s26+$0xC190]  }
0x132: {  	v15 =	vld [tilespmem:s26+$0x1A0]  }
0x133: {  	v55 =	vld [tilespmem:s26+$0x1B0]  }
0x134: {  	v16 =	vld [tilespmem:s26+$0x540]  }
0x135: {  	v56 =	vld [tilespmem:s26+$0x1C0]  }
0x136: {  	v57 =	vld [tilespmem:s26+$0xC1C0]  }
0x137: {  	v58 =	vld [tilespmem:s26+$0x550]  }
0x138: {  	v59 =	vld [tilespmem:s26+$0xC1E0]  }
0x139: {  	v60 =	vld [tilespmem:s26+$0x1F0]  }
0x13a: {  	v61 =	vld [tilespmem:s26+$0x560]  }
0x13b: {  	v62 =	vld [tilespmem:s26+$0xC590]  }
0x13c: {  	v17 =	vld [tilespmem:s26+$0x570]  }
0x13d: {  	v3 =	vadd.f32 v4, v3;
	v4 =	vld [tilespmem:s26+$0x130]  }
0x13e: {  	v10 =	vadd.f32 v11, v10;
	v11 =	vld [tilespmem:s26+$0x180]  }
0x13f: {  	[tilespmem:s26+$0x100] =	vst v3;
	v3 =	vadd.f32 v6, v5;
	v5 =	vld [tilespmem:s26+$0x140]  }
0x140: {  	v6 =	vld [tilespmem:s26+$0xC140]  }
0x141: {  	[tilespmem:s26+$0x110] =	vst v3;
	v3 =	vadd.f32 v8, v7;
	v7 =	vld [tilespmem:s26+$0x150]  }
0x142: {  	v8 =	vld [tilespmem:s26+$0xC150]  }
0x143: {  	[tilespmem:s26+$0x120] =	vst v3;
	v3 =	vadd.f32 v9, v4;
	v4 =	vld [tilespmem:s26+$0x160]  }
0x144: {  	v9 =	vld [tilespmem:s26+$0xC160]  }
0x145: {  	[tilespmem:s26+$0x130] =	vst v3;
	v3 =	vadd.f32 v6, v5;
	v5 =	vld [tilespmem:s26+$0x170]  }
0x146: {  	v6 =	vld [tilespmem:s26+$0xC170]  }
0x147: {  	[tilespmem:s26+$0x140] =	vst v3;
	v3 =	vadd.f32 v8, v7;
	v7 =	vld [tilespmem:s26+$0x500]  }
0x148: {  	v8 =	vld [tilespmem:s26+$0xC500]  }
0x149: {  	v63 =	vld [tilespmem:s26+$0x5A0]  }
0x14a: {  	[tilespmem:s26+$0x150] =	vst v3;
	v3 =	vadd.f32 v9, v4;
	v4 =	vld [tilespmem:s26+$0x510]  }
0x14b: {  	v9 =	vld [tilespmem:s26+$0xC510]  }
0x14c: {  	v11 =	vadd.f32 v12, v11;
	[tilespmem:s26+$0x160] =	vst v3;
	v3 =	vadd.f32 v6, v5;
	v5 =	vld [tilespmem:s26+$0x520]  }
0x14d: {  	v6 =	vld [tilespmem:s26+$0xC520];
	v7 =	vadd.f32 v8, v7  }
0x14e: {  	[tilespmem:s26+$0x180] =	vst v11;
	v8 =	vld [tilespmem:s26+$0xC1A0]  }
0x14f: {  	v11 =	vadd.f32 v14, v13;
	[tilespmem:s26+$0x500] =	vst v7;
	v7 =	vld [tilespmem:s26+$0xC1B0]  }
0x150: {  	[tilespmem:s26+$0x5F0] =	vst v10;
	v10 =	vld [tilespmem:s26+$0xC530];
	v4 =	vadd.f32 v9, v4  }
0x151: {  	[tilespmem:s26+$0x190] =	vst v11;
	v11 =	vld [tilespmem:s26+$0x1D0]  }
0x152: {  	[tilespmem:s26+$0x510] =	vst v4;
	v4 =	vld [tilespmem:s26+$0xC1D0];
	v5 =	vadd.f32 v6, v5  }
0x153: {  	[tilespmem:s26+$0x170] =	vst v3;
	v3 =	vld [tilespmem:s26+$0x530];
	v8 =	vadd.f32 v8, v15  }
0x154: {  	v6 =	vld [tilespmem:s26+$0xC550];
	[tilespmem:s26+$0x520] =	vst v5;
	v7 =	vadd.f32 v7, v55  }
0x155: {  	v5 =	vld [tilespmem:s26+$0xC1F0];
	[tilespmem:s26+$0x1A0] =	vst v8  }
0x156: {  	v8 =	vld [tilespmem:s26+$0x1E0];
	[tilespmem:s26+$0x1B0] =	vst v7;
	v7 =	vadd.f32 v57, v56  }
0x157: {  	v4 =	vadd.f32 v4, v11;
	v11 =	vld [tilespmem:s26+$0xC580]  }
0x158: {  	v3 =	vadd.f32 v10, v3;
	[tilespmem:s26+$0x1C0] =	vst v7;
	v7 =	vld [tilespmem:s26+$0x580]  }
0x159: {  	v9 =	vld [tilespmem:s26+$0xC540]  }
0x15a: {  	v19 =	vld [tilespmem:s26+$0xC570];
	[tilespmem:s26+$0x530] =	vst v3;
	v6 =	vadd.f32 v6, v58  }
0x15b: {  	[tilespmem:s26+$0x1D0] =	vst v4;
	v4 =	vadd.f32 v59, v8;
	v8 =	vld [tilespmem:s26+$0x590]  }
0x15c: {  	v10 =	vld [tilespmem:s26+$0xC560];
	v3 =	vadd.f32 v5, v60;
	[tilespmem:s26+$0x550] =	vst v6  }
0x15d: {  	v18 =	vld [tilespmem:s26+$0xC5A0];
	[tilespmem:s26+$0x1E0] =	vst v4;
	v4 =	vadd.f32 v11, v7  }
0x15e: {  	v5 =	vld [tilespmem:s26+$0xC5B0];
	[tilespmem:s26+$0x1F0] =	vst v3;
	v7 =	vadd.f32 v9, v16  }
0x15f: {  	v3 =	vld [tilespmem:s26+$0x5B0];
	v9 =	vadd.f32 v19, v17;
	[tilespmem:s26+$0x580] =	vst v4  }
0x160: {  	v6 =	vld [tilespmem:s26+$0xC5C0];
	[tilespmem:s26+$0x540] =	vst v7;
	v7 =	vadd.f32 v62, v8  }
0x161: {  	v4 =	vld [tilespmem:s26+$0x5C0];
	v8 =	vadd.f32 v10, v61;
	[tilespmem:s26+$0x570] =	vst v9  }
0x162: {  	v9 =	vadd.f32 v18, v63;
	[tilespmem:s26+$0x590] =	vst v7;
	v7 =	vld [tilespmem:s26+$0x5D0]  }
0x163: {  	s28 =	simm.s32 $0x30;
	s29 =	simm.s32 $0x1900;
	s30 =	simm.s32 $0x3200;
	[tilespmem:s26+$0x560] =	vst v8;
	v8 =	vld [tilespmem:s26+$0xC5D0]  }
.LBB2_4:
0x164: {  	s0 =	sand.u32 $0x7800, s30;
	s2 =	sand.u32 $0x300, s29;
	[tilespmem:s26+$0x5A0] =	vst v9;
	v3 =	vadd.f32 v5, v3;
	v5 =	vld [tilespmem:s26+$0x5E0]  }
0x165: {  	s28 =	sadd.s32 $0x2, s28;
	s0 =	sor.u32 s2, s0;
	v9 =	vld [tilespmem:s26+$0xC5E0]  }
0x166: {  	p0 =	slt.u32 s28, $0x5E;
	v10 =	vld [tilespmem:s0+$0x5F0];
	[tilespmem:s26+$0x5B0] =	vst v3;
	v3 =	vadd.f32 v6, v4  }
0x167: {  	v4 =	vld [tilespmem:s0+$0xC5F0]  }
0x168: {  	v6 =	vld [tilespmem:s0+$0x100];
	[tilespmem:s26+$0x5C0] =	vst v3;
	v3 =	vadd.f32 v8, v7  }
0x169: {  	v7 =	vld [tilespmem:s0+$0xC100]  }
0x16a: {  	v8 =	vld [tilespmem:s0+$0x110];
	[tilespmem:s26+$0x5D0] =	vst v3;
	v3 =	vadd.f32 v9, v5  }
0x16b: {  	v5 =	vld [tilespmem:s0+$0xC110]  }
0x16c: {  	v9 =	vld [tilespmem:s0+$0x120];
	v4 =	vadd.f32 v4, v10;
	[tilespmem:s26+$0x5E0] =	vst v3;
	s26 =	smov.u32 s0  }
0x16d: {  	v3 =	vld [tilespmem:s26+$0xC120]  }
0x16e: {  	v6 =	vadd.f32 v7, v6;
	v7 =	vld [tilespmem:s26+$0x130];
	[tilespmem:s26+$0x5F0] =	vst v4  }
0x16f: {  	v4 =	vld [tilespmem:s26+$0xC130]  }
0x170: {  	[tilespmem:s26+$0x100] =	vst v6;
	v5 =	vadd.f32 v5, v8;
	v6 =	vld [tilespmem:s26+$0x140]  }
0x171: {  	v8 =	vld [tilespmem:s26+$0xC140]  }
0x172: {  	[tilespmem:s26+$0x110] =	vst v5;
	v3 =	vadd.f32 v3, v9;
	v5 =	vld [tilespmem:s26+$0x150]  }
0x173: {  	v9 =	vld [tilespmem:s26+$0xC150]  }
0x174: {  	[tilespmem:s26+$0x120] =	vst v3;
	v3 =	vadd.f32 v4, v7;
	v4 =	vld [tilespmem:s26+$0x160]  }
0x175: {  	v7 =	vld [tilespmem:s26+$0xC160]  }
0x176: {  	[tilespmem:s26+$0x130] =	vst v3;
	v3 =	vadd.f32 v8, v6;
	v6 =	vld [tilespmem:s26+$0x170]  }
0x177: {  	v8 =	vld [tilespmem:s26+$0xC170]  }
0x178: {  	[tilespmem:s26+$0x140] =	vst v3;
	v3 =	vadd.f32 v9, v5;
	v5 =	vld [tilespmem:s26+$0x500]  }
0x179: {  	v9 =	vld [tilespmem:s26+$0xC500]  }
0x17a: {  	[tilespmem:s26+$0x150] =	vst v3;
	v3 =	vadd.f32 v7, v4;
	v4 =	vld [tilespmem:s26+$0x510]  }
0x17b: {  	v7 =	vld [tilespmem:s26+$0xC510]  }
0x17c: {  	[tilespmem:s26+$0x160] =	vst v3;
	v3 =	vadd.f32 v8, v6;
	v6 =	vld [tilespmem:s26+$0x520]  }
0x17d: {  	v8 =	vld [tilespmem:s26+$0xC520]  }
0x17e: {  	[tilespmem:s26+$0x170] =	vst v3;
	v3 =	vadd.f32 v9, v5;
	v5 =	vld [tilespmem:s26+$0x530]  }
0x17f: {  	v9 =	vld [tilespmem:s26+$0xC530]  }
0x180: {  	[tilespmem:s26+$0x500] =	vst v3;
	v3 =	vadd.f32 v7, v4;
	v4 =	vld [tilespmem:s26+$0x540]  }
0x181: {  	v7 =	vld [tilespmem:s26+$0xC540]  }
0x182: {  	[tilespmem:s26+$0x510] =	vst v3;
	v3 =	vadd.f32 v8, v6;
	v6 =	vld [tilespmem:s26+$0x550]  }
0x183: {  	v8 =	vld [tilespmem:s26+$0xC550]  }
0x184: {  	[tilespmem:s26+$0x520] =	vst v3;
	v3 =	vadd.f32 v9, v5;
	v5 =	vld [tilespmem:s26+$0x560]  }
0x185: {  	v9 =	vld [tilespmem:s26+$0xC560]  }
0x186: {  	[tilespmem:s26+$0x530] =	vst v3;
	v3 =	vadd.f32 v7, v4;
	v4 =	vld [tilespmem:s26+$0x570]  }
0x187: {  	v7 =	vld [tilespmem:s26+$0xC570]  }
0x188: {  	[tilespmem:s26+$0x540] =	vst v3;
	v3 =	vadd.f32 v8, v6;
	v6 =	vld [tilespmem:s26+$0x180]  }
0x189: {  	v8 =	vld [tilespmem:s26+$0xC180]  }
0x18a: {  	[tilespmem:s26+$0x550] =	vst v3;
	v3 =	vadd.f32 v9, v5;
	v5 =	vld [tilespmem:s26+$0x190]  }
0x18b: {  	v9 =	vld [tilespmem:s26+$0xC190]  }
0x18c: {  	[tilespmem:s26+$0x560] =	vst v3;
	v3 =	vadd.f32 v7, v4;
	v4 =	vld [tilespmem:s26+$0x1A0]  }
0x18d: {  	v7 =	vld [tilespmem:s26+$0xC1A0]  }
0x18e: {  	[tilespmem:s26+$0x570] =	vst v3;
	v3 =	vadd.f32 v8, v6;
	v6 =	vld [tilespmem:s26+$0x1B0]  }
0x18f: {  	v8 =	vld [tilespmem:s26+$0xC1B0]  }
0x190: {  	[tilespmem:s26+$0x180] =	vst v3;
	v3 =	vadd.f32 v9, v5;
	v5 =	vld [tilespmem:s26+$0x1C0]  }
0x191: {  	v9 =	vld [tilespmem:s26+$0xC1C0]  }
0x192: {  	[tilespmem:s26+$0x190] =	vst v3;
	v3 =	vadd.f32 v7, v4;
	v4 =	vld [tilespmem:s26+$0x1D0]  }
0x193: {  	v7 =	vld [tilespmem:s26+$0xC1D0]  }
0x194: {  	[tilespmem:s26+$0x1A0] =	vst v3;
	v3 =	vadd.f32 v8, v6;
	v6 =	vld [tilespmem:s26+$0x1E0]  }
0x195: {  	v8 =	vld [tilespmem:s26+$0xC1E0]  }
0x196: {  	[tilespmem:s26+$0x1B0] =	vst v3;
	v3 =	vadd.f32 v9, v5;
	v5 =	vld [tilespmem:s26+$0x1F0]  }
0x197: {  	v9 =	vld [tilespmem:s26+$0xC1F0]  }
0x198: {  	[tilespmem:s26+$0x1C0] =	vst v3;
	v3 =	vadd.f32 v7, v4;
	v4 =	vld [tilespmem:s26+$0x580]  }
0x199: {  	v7 =	vld [tilespmem:s26+$0xC580]  }
0x19a: {  	[tilespmem:s26+$0x1D0] =	vst v3;
	v3 =	vadd.f32 v8, v6;
	v6 =	vld [tilespmem:s26+$0x590]  }
0x19b: {  	v8 =	vld [tilespmem:s26+$0xC590]  }
0x19c: {  	[tilespmem:s26+$0x1E0] =	vst v3;
	v3 =	vadd.f32 v9, v5;
	v9 =	vld [tilespmem:s26+$0x5A0]  }
0x19d: {  	v10 =	vld [tilespmem:s26+$0xC5A0]  }
0x19e: {  	[tilespmem:s26+$0x1F0] =	vst v3;
	v4 =	vadd.f32 v7, v4;
	v3 =	vld [tilespmem:s26+$0x5B0]  }
.Ltmp1:
0x19f: {  	v5 =	vld [tilespmem:s26+$0xC5B0];
	(pc) =	sbr.rel @p0 .LBB2_4-.Ltmp1, $4  }
0x1a0: {  	[tilespmem:s26+$0x580] =	vst v4;
	v7 =	vadd.f32 v8, v6;
	v4 =	vld [tilespmem:s26+$0x5C0]  }
0x1a1: {  	v6 =	vld [tilespmem:s26+$0xC5C0]  }
0x1a2: {  	[tilespmem:s26+$0x590] =	vst v7;
	v9 =	vadd.f32 v10, v9;
	v7 =	vld [tilespmem:s26+$0x5D0]  }
0x1a3: {  	s29 =	sadd.s32 $0x100, s29;
	s30 =	sadd.s32 $0x200, s30;
	v8 =	vld [tilespmem:s26+$0xC5D0]  }
0x1a4: {  	[tilespmem:s26+$0x5A0] =	vst v9;
	v9 =	vld [tilespmem:s26+$0x5E0]  }
0x1a5: {  	v10 =	vld [tilespmem:s26+$0xC5E0];
	_ =	sdelay $0x1  }
0x1a6: {  	v3 =	vadd.f32 v5, v3  }
0x1a7: {  	v4 =	vadd.f32 v6, v4  }
0x1a8: {  	[tilespmem:s26+$0x5B0] =	vst v3;
	v3 =	vadd.f32 v8, v7  }
0x1a9: {  	[tilespmem:s26+$0x5C0] =	vst v4;
	v4 =	vadd.f32 v10, v9  }
0x1aa: {  	[tilespmem:s26+$0x5D0] =	vst v3  }
0x1ab: {  	[tilespmem:s26+$0x5E0] =	vst v4  }
0x1ac: {  	[hbm4b:s7+s3] =	stream.linear.scatter [tilespmem:s18], [sflag:$0x6], $0x3000, $0x38;
	[tilespmem:$0x18100] =	vst v63  }
0x1ad: {  	s0 =	simm.s32 $0x3000;
	s2 =	simm.s32 $0x6000;
	_ =	swait.ge [sflag:s21], $0x3000  }
0x1ae: {  	s2 =	sand.u32 $0xF800, s2;
	s0 =	sand.u32 $0x300, s0;
	[sflag:s21] =	ssyncset.done $0x0  }
0x1af: {  	s26 =	sor.u32 s0, s2;
	[sflag:s21] =	ssyncadd.s32 $0xFFFFD000  }
0x1b0: {  	v3 =	vld [tilespmem:s26+$0x100]  }
0x1b1: {  	v4 =	vld [tilespmem:s26+$0xC100]  }
0x1b2: {  	v5 =	vld [tilespmem:s26+$0x110]  }
0x1b3: {  	v6 =	vld [tilespmem:s26+$0xC110]  }
0x1b4: {  	v7 =	vld [tilespmem:s26+$0x120]  }
0x1b5: {  	v8 =	vld [tilespmem:s26+$0xC120]  }
0x1b6: {  	v9 =	vld [tilespmem:s26+$0xC130]  }
0x1b7: {  	v10 =	vld [tilespmem:s26+$0x5F0]  }
0x1b8: {  	v11 =	vld [tilespmem:s26+$0xC5F0]  }
0x1b9: {  	v12 =	vld [tilespmem:s26+$0xC180]  }
0x1ba: {  	v13 =	vld [tilespmem:s26+$0x190]  }
0x1bb: {  	v14 =	vld [tilespmem:s26+$0xC190]  }
0x1bc: {  	v15 =	vld [tilespmem:s26+$0x1A0]  }
0x1bd: {  	v55 =	vld [tilespmem:s26+$0x1B0]  }
0x1be: {  	v16 =	vld [tilespmem:s26+$0x540]  }
0x1bf: {  	v56 =	vld [tilespmem:s26+$0x1C0]  }
0x1c0: {  	v57 =	vld [tilespmem:s26+$0xC1C0]  }
0x1c1: {  	v58 =	vld [tilespmem:s26+$0x550]  }
0x1c2: {  	v59 =	vld [tilespmem:s26+$0xC1E0]  }
0x1c3: {  	v60 =	vld [tilespmem:s26+$0x1F0]  }
0x1c4: {  	v61 =	vld [tilespmem:s26+$0x560]  }
0x1c5: {  	v62 =	vld [tilespmem:s26+$0xC590]  }
0x1c6: {  	v17 =	vld [tilespmem:s26+$0x570]  }
0x1c7: {  	v3 =	vadd.f32 v4, v3;
	v4 =	vld [tilespmem:s26+$0x130]  }
0x1c8: {  	v10 =	vadd.f32 v11, v10;
	v11 =	vld [tilespmem:s26+$0x180]  }
0x1c9: {  	[tilespmem:s26+$0x100] =	vst v3;
	v3 =	vadd.f32 v6, v5;
	v5 =	vld [tilespmem:s26+$0x140]  }
0x1ca: {  	v6 =	vld [tilespmem:s26+$0xC140]  }
0x1cb: {  	[tilespmem:s26+$0x110] =	vst v3;
	v3 =	vadd.f32 v8, v7;
	v7 =	vld [tilespmem:s26+$0x150]  }
0x1cc: {  	v8 =	vld [tilespmem:s26+$0xC150]  }
0x1cd: {  	[tilespmem:s26+$0x120] =	vst v3;
	v3 =	vadd.f32 v9, v4;
	v4 =	vld [tilespmem:s26+$0x160]  }
0x1ce: {  	v9 =	vld [tilespmem:s26+$0xC160]  }
0x1cf: {  	[tilespmem:s26+$0x130] =	vst v3;
	v3 =	vadd.f32 v6, v5;
	v5 =	vld [tilespmem:s26+$0x170]  }
0x1d0: {  	v6 =	vld [tilespmem:s26+$0xC170]  }
0x1d1: {  	[tilespmem:s26+$0x140] =	vst v3;
	v3 =	vadd.f32 v8, v7;
	v7 =	vld [tilespmem:s26+$0x500]  }
0x1d2: {  	v8 =	vld [tilespmem:s26+$0xC500]  }
0x1d3: {  	v63 =	vld [tilespmem:s26+$0x5A0]  }
0x1d4: {  	[tilespmem:s26+$0x150] =	vst v3;
	v3 =	vadd.f32 v9, v4;
	v4 =	vld [tilespmem:s26+$0x510]  }
0x1d5: {  	v9 =	vld [tilespmem:s26+$0xC510]  }
0x1d6: {  	v11 =	vadd.f32 v12, v11;
	[tilespmem:s26+$0x160] =	vst v3;
	v3 =	vadd.f32 v6, v5;
	v5 =	vld [tilespmem:s26+$0x520]  }
0x1d7: {  	v6 =	vld [tilespmem:s26+$0xC520];
	v7 =	vadd.f32 v8, v7  }
0x1d8: {  	[tilespmem:s26+$0x180] =	vst v11;
	v8 =	vld [tilespmem:s26+$0xC1A0]  }
0x1d9: {  	v11 =	vadd.f32 v14, v13;
	[tilespmem:s26+$0x500] =	vst v7;
	v7 =	vld [tilespmem:s26+$0xC1B0]  }
0x1da: {  	[tilespmem:s26+$0x5F0] =	vst v10;
	v10 =	vld [tilespmem:s26+$0xC530];
	v4 =	vadd.f32 v9, v4  }
0x1db: {  	[tilespmem:s26+$0x190] =	vst v11;
	v11 =	vld [tilespmem:s26+$0x1D0]  }
0x1dc: {  	[tilespmem:s26+$0x510] =	vst v4;
	v4 =	vld [tilespmem:s26+$0xC1D0];
	v5 =	vadd.f32 v6, v5  }
0x1dd: {  	[tilespmem:s26+$0x170] =	vst v3;
	v3 =	vld [tilespmem:s26+$0x530];
	v8 =	vadd.f32 v8, v15  }
0x1de: {  	v6 =	vld [tilespmem:s26+$0xC550];
	[tilespmem:s26+$0x520] =	vst v5;
	v7 =	vadd.f32 v7, v55  }
0x1df: {  	v5 =	vld [tilespmem:s26+$0xC1F0];
	[tilespmem:s26+$0x1A0] =	vst v8  }
0x1e0: {  	v8 =	vld [tilespmem:s26+$0x1E0];
	[tilespmem:s26+$0x1B0] =	vst v7;
	v7 =	vadd.f32 v57, v56  }
0x1e1: {  	v4 =	vadd.f32 v4, v11;
	v11 =	vld [tilespmem:s26+$0xC580]  }
0x1e2: {  	v3 =	vadd.f32 v10, v3;
	[tilespmem:s26+$0x1C0] =	vst v7;
	v7 =	vld [tilespmem:s26+$0x580]  }
0x1e3: {  	v9 =	vld [tilespmem:s26+$0xC540]  }
0x1e4: {  	v19 =	vld [tilespmem:s26+$0xC570];
	[tilespmem:s26+$0x530] =	vst v3;
	v6 =	vadd.f32 v6, v58  }
0x1e5: {  	[tilespmem:s26+$0x1D0] =	vst v4;
	v4 =	vadd.f32 v59, v8;
	v8 =	vld [tilespmem:s26+$0x590]  }
0x1e6: {  	v10 =	vld [tilespmem:s26+$0xC560];
	v3 =	vadd.f32 v5, v60;
	[tilespmem:s26+$0x550] =	vst v6  }
0x1e7: {  	v18 =	vld [tilespmem:s26+$0xC5A0];
	[tilespmem:s26+$0x1E0] =	vst v4;
	v4 =	vadd.f32 v11, v7  }
0x1e8: {  	v5 =	vld [tilespmem:s26+$0xC5B0];
	[tilespmem:s26+$0x1F0] =	vst v3;
	v7 =	vadd.f32 v9, v16  }
0x1e9: {  	v3 =	vld [tilespmem:s26+$0x5B0];
	v9 =	vadd.f32 v19, v17;
	[tilespmem:s26+$0x580] =	vst v4  }
0x1ea: {  	v6 =	vld [tilespmem:s26+$0xC5C0];
	[tilespmem:s26+$0x540] =	vst v7;
	v7 =	vadd.f32 v62, v8  }
0x1eb: {  	v4 =	vld [tilespmem:s26+$0x5C0];
	v8 =	vadd.f32 v10, v61;
	[tilespmem:s26+$0x570] =	vst v9  }
0x1ec: {  	v9 =	vadd.f32 v18, v63;
	[tilespmem:s26+$0x590] =	vst v7;
	v7 =	vld [tilespmem:s26+$0x5D0]  }
0x1ed: {  	s28 =	simm.s32 $0x60;
	s29 =	simm.s32 $0x3100;
	s30 =	simm.s32 $0x6200;
	[tilespmem:s26+$0x560] =	vst v8;
	v8 =	vld [tilespmem:s26+$0xC5D0]  }
.LBB2_6:
0x1ee: {  	s0 =	sand.u32 $0xF800, s30;
	s2 =	sand.u32 $0x300, s29;
	[tilespmem:s26+$0x5A0] =	vst v9;
	v3 =	vadd.f32 v5, v3;
	v5 =	vld [tilespmem:s26+$0x5E0]  }
0x1ef: {  	s28 =	sadd.s32 $0x2, s28;
	s0 =	sor.u32 s2, s0;
	v9 =	vld [tilespmem:s26+$0xC5E0]  }
0x1f0: {  	p0 =	slt.u32 s28, $0x8E;
	v10 =	vld [tilespmem:s0+$0x5F0];
	[tilespmem:s26+$0x5B0] =	vst v3;
	v3 =	vadd.f32 v6, v4  }
0x1f1: {  	v4 =	vld [tilespmem:s0+$0xC5F0]  }
0x1f2: {  	v6 =	vld [tilespmem:s0+$0x100];
	[tilespmem:s26+$0x5C0] =	vst v3;
	v3 =	vadd.f32 v8, v7  }
0x1f3: {  	v7 =	vld [tilespmem:s0+$0xC100]  }
0x1f4: {  	v8 =	vld [tilespmem:s0+$0x110];
	[tilespmem:s26+$0x5D0] =	vst v3;
	v3 =	vadd.f32 v9, v5  }
0x1f5: {  	v5 =	vld [tilespmem:s0+$0xC110]  }
0x1f6: {  	v9 =	vld [tilespmem:s0+$0x120];
	v4 =	vadd.f32 v4, v10;
	[tilespmem:s26+$0x5E0] =	vst v3;
	s26 =	smov.u32 s0  }
0x1f7: {  	v3 =	vld [tilespmem:s26+$0xC120]  }
0x1f8: {  	v6 =	vadd.f32 v7, v6;
	v7 =	vld [tilespmem:s26+$0x130];
	[tilespmem:s26+$0x5F0] =	vst v4  }
0x1f9: {  	v4 =	vld [tilespmem:s26+$0xC130]  }
0x1fa: {  	[tilespmem:s26+$0x100] =	vst v6;
	v5 =	vadd.f32 v5, v8;
	v6 =	vld [tilespmem:s26+$0x140]  }
0x1fb: {  	v8 =	vld [tilespmem:s26+$0xC140]  }
0x1fc: {  	[tilespmem:s26+$0x110] =	vst v5;
	v3 =	vadd.f32 v3, v9;
	v5 =	vld [tilespmem:s26+$0x150]  }
0x1fd: {  	v9 =	vld [tilespmem:s26+$0xC150]  }
0x1fe: {  	[tilespmem:s26+$0x120] =	vst v3;
	v3 =	vadd.f32 v4, v7;
	v4 =	vld [tilespmem:s26+$0x160]  }
0x1ff: {  	v7 =	vld [tilespmem:s26+$0xC160]  }
0x200: {  	[tilespmem:s26+$0x130] =	vst v3;
	v3 =	vadd.f32 v8, v6;
	v6 =	vld [tilespmem:s26+$0x170]  }
0x201: {  	v8 =	vld [tilespmem:s26+$0xC170]  }
0x202: {  	[tilespmem:s26+$0x140] =	vst v3;
	v3 =	vadd.f32 v9, v5;
	v5 =	vld [tilespmem:s26+$0x500]  }
0x203: {  	v9 =	vld [tilespmem:s26+$0xC500]  }
0x204: {  	[tilespmem:s26+$0x150] =	vst v3;
	v3 =	vadd.f32 v7, v4;
	v4 =	vld [tilespmem:s26+$0x510]  }
0x205: {  	v7 =	vld [tilespmem:s26+$0xC510]  }
0x206: {  	[tilespmem:s26+$0x160] =	vst v3;
	v3 =	vadd.f32 v8, v6;
	v6 =	vld [tilespmem:s26+$0x520]  }
0x207: {  	v8 =	vld [tilespmem:s26+$0xC520]  }
0x208: {  	[tilespmem:s26+$0x170] =	vst v3;
	v3 =	vadd.f32 v9, v5;
	v5 =	vld [tilespmem:s26+$0x530]  }
0x209: {  	v9 =	vld [tilespmem:s26+$0xC530]  }
0x20a: {  	[tilespmem:s26+$0x500] =	vst v3;
	v3 =	vadd.f32 v7, v4;
	v4 =	vld [tilespmem:s26+$0x540]  }
0x20b: {  	v7 =	vld [tilespmem:s26+$0xC540]  }
0x20c: {  	[tilespmem:s26+$0x510] =	vst v3;
	v3 =	vadd.f32 v8, v6;
	v6 =	vld [tilespmem:s26+$0x550]  }
0x20d: {  	v8 =	vld [tilespmem:s26+$0xC550]  }
0x20e: {  	[tilespmem:s26+$0x520] =	vst v3;
	v3 =	vadd.f32 v9, v5;
	v5 =	vld [tilespmem:s26+$0x560]  }
0x20f: {  	v9 =	vld [tilespmem:s26+$0xC560]  }
0x210: {  	[tilespmem:s26+$0x530] =	vst v3;
	v3 =	vadd.f32 v7, v4;
	v4 =	vld [tilespmem:s26+$0x570]  }
0x211: {  	v7 =	vld [tilespmem:s26+$0xC570]  }
0x212: {  	[tilespmem:s26+$0x540] =	vst v3;
	v3 =	vadd.f32 v8, v6;
	v6 =	vld [tilespmem:s26+$0x180]  }
0x213: {  	v8 =	vld [tilespmem:s26+$0xC180]  }
0x214: {  	[tilespmem:s26+$0x550] =	vst v3;
	v3 =	vadd.f32 v9, v5;
	v5 =	vld [tilespmem:s26+$0x190]  }
0x215: {  	v9 =	vld [tilespmem:s26+$0xC190]  }
0x216: {  	[tilespmem:s26+$0x560] =	vst v3;
	v3 =	vadd.f32 v7, v4;
	v4 =	vld [tilespmem:s26+$0x1A0]  }
0x217: {  	v7 =	vld [tilespmem:s26+$0xC1A0]  }
0x218: {  	[tilespmem:s26+$0x570] =	vst v3;
	v3 =	vadd.f32 v8, v6;
	v6 =	vld [tilespmem:s26+$0x1B0]  }
0x219: {  	v8 =	vld [tilespmem:s26+$0xC1B0]  }
0x21a: {  	[tilespmem:s26+$0x180] =	vst v3;
	v3 =	vadd.f32 v9, v5;
	v5 =	vld [tilespmem:s26+$0x1C0]  }
0x21b: {  	v9 =	vld [tilespmem:s26+$0xC1C0]  }
0x21c: {  	[tilespmem:s26+$0x190] =	vst v3;
	v3 =	vadd.f32 v7, v4;
	v4 =	vld [tilespmem:s26+$0x1D0]  }
0x21d: {  	v7 =	vld [tilespmem:s26+$0xC1D0]  }
0x21e: {  	[tilespmem:s26+$0x1A0] =	vst v3;
	v3 =	vadd.f32 v8, v6;
	v6 =	vld [tilespmem:s26+$0x1E0]  }
0x21f: {  	v8 =	vld [tilespmem:s26+$0xC1E0]  }
0x220: {  	[tilespmem:s26+$0x1B0] =	vst v3;
	v3 =	vadd.f32 v9, v5;
	v5 =	vld [tilespmem:s26+$0x1F0]  }
0x221: {  	v9 =	vld [tilespmem:s26+$0xC1F0]  }
0x222: {  	[tilespmem:s26+$0x1C0] =	vst v3;
	v3 =	vadd.f32 v7, v4;
	v4 =	vld [tilespmem:s26+$0x580]  }
0x223: {  	v7 =	vld [tilespmem:s26+$0xC580]  }
0x224: {  	[tilespmem:s26+$0x1D0] =	vst v3;
	v3 =	vadd.f32 v8, v6;
	v6 =	vld [tilespmem:s26+$0x590]  }
0x225: {  	v8 =	vld [tilespmem:s26+$0xC590]  }
0x226: {  	[tilespmem:s26+$0x1E0] =	vst v3;
	v3 =	vadd.f32 v9, v5;
	v9 =	vld [tilespmem:s26+$0x5A0]  }
0x227: {  	v10 =	vld [tilespmem:s26+$0xC5A0]  }
0x228: {  	[tilespmem:s26+$0x1F0] =	vst v3;
	v4 =	vadd.f32 v7, v4;
	v3 =	vld [tilespmem:s26+$0x5B0]  }
.Ltmp2:
0x229: {  	v5 =	vld [tilespmem:s26+$0xC5B0];
	(pc) =	sbr.rel @p0 .LBB2_6-.Ltmp2, $4  }
0x22a: {  	[tilespmem:s26+$0x580] =	vst v4;
	v7 =	vadd.f32 v8, v6;
	v4 =	vld [tilespmem:s26+$0x5C0]  }
0x22b: {  	v6 =	vld [tilespmem:s26+$0xC5C0]  }
0x22c: {  	[tilespmem:s26+$0x590] =	vst v7;
	v9 =	vadd.f32 v10, v9;
	v7 =	vld [tilespmem:s26+$0x5D0]  }
0x22d: {  	s29 =	sadd.s32 $0x100, s29;
	s30 =	sadd.s32 $0x200, s30;
	v8 =	vld [tilespmem:s26+$0xC5D0]  }
0x22e: {  	[tilespmem:s26+$0x5A0] =	vst v9;
	v9 =	vld [tilespmem:s26+$0x5E0]  }
0x22f: {  	v10 =	vld [tilespmem:s26+$0xC5E0];
	_ =	sdelay $0x1  }
0x230: {  	v3 =	vadd.f32 v5, v3  }
0x231: {  	v4 =	vadd.f32 v6, v4  }
0x232: {  	[tilespmem:s26+$0x5B0] =	vst v3;
	v3 =	vadd.f32 v8, v7  }
0x233: {  	[tilespmem:s26+$0x5C0] =	vst v4;
	v4 =	vadd.f32 v10, v9  }
0x234: {  	[tilespmem:s26+$0x5D0] =	vst v3  }
0x235: {  	[tilespmem:s26+$0x5E0] =	vst v4  }
0x236: {  	[hbm4b:s8+s3] =	stream.linear.scatter [tilespmem:s24], [sflag:$0x6], $0x3000, $0x38;
	[tilespmem:$0x18100] =	vst v63  }
0x237: {  	s0 =	simm.s32 $0x4800;
	s2 =	simm.s32 $0x9000;
	_ =	swait.ge [sflag:s22], $0x3000  }
0x238: {  	s2 =	sand.u32 $0xF800, s2;
	s0 =	sand.u32 $0x300, s0;
	[sflag:s22] =	ssyncset.done $0x0  }
0x239: {  	s26 =	sor.u32 s0, s2;
	[sflag:s22] =	ssyncadd.s32 $0xFFFFD000  }
0x23a: {  	v3 =	vld [tilespmem:s26+$0x100]  }
0x23b: {  	v4 =	vld [tilespmem:s26+$0xC100]  }
0x23c: {  	v5 =	vld [tilespmem:s26+$0x110]  }
0x23d: {  	v6 =	vld [tilespmem:s26+$0xC110]  }
0x23e: {  	v7 =	vld [tilespmem:s26+$0x120]  }
0x23f: {  	v8 =	vld [tilespmem:s26+$0xC120]  }
0x240: {  	v9 =	vld [tilespmem:s26+$0xC130]  }
0x241: {  	v10 =	vld [tilespmem:s26+$0x5F0]  }
0x242: {  	v11 =	vld [tilespmem:s26+$0xC5F0]  }
0x243: {  	v12 =	vld [tilespmem:s26+$0xC180]  }
0x244: {  	v13 =	vld [tilespmem:s26+$0x190]  }
0x245: {  	v14 =	vld [tilespmem:s26+$0xC190]  }
0x246: {  	v15 =	vld [tilespmem:s26+$0x1A0]  }
0x247: {  	v55 =	vld [tilespmem:s26+$0x1B0]  }
0x248: {  	v16 =	vld [tilespmem:s26+$0x540]  }
0x249: {  	v56 =	vld [tilespmem:s26+$0x1C0]  }
0x24a: {  	v57 =	vld [tilespmem:s26+$0xC1C0]  }
0x24b: {  	v58 =	vld [tilespmem:s26+$0x550]  }
0x24c: {  	v59 =	vld [tilespmem:s26+$0xC1E0]  }
0x24d: {  	v60 =	vld [tilespmem:s26+$0x1F0]  }
0x24e: {  	v61 =	vld [tilespmem:s26+$0x560]  }
0x24f: {  	v62 =	vld [tilespmem:s26+$0xC590]  }
0x250: {  	v17 =	vld [tilespmem:s26+$0x570]  }
0x251: {  	v3 =	vadd.f32 v4, v3;
	v4 =	vld [tilespmem:s26+$0x130]  }
0x252: {  	v10 =	vadd.f32 v11, v10;
	v11 =	vld [tilespmem:s26+$0x180]  }
0x253: {  	[tilespmem:s26+$0x100] =	vst v3;
	v3 =	vadd.f32 v6, v5;
	v5 =	vld [tilespmem:s26+$0x140]  }
0x254: {  	v6 =	vld [tilespmem:s26+$0xC140]  }
0x255: {  	[tilespmem:s26+$0x110] =	vst v3;
	v3 =	vadd.f32 v8, v7;
	v7 =	vld [tilespmem:s26+$0x150]  }
0x256: {  	v8 =	vld [tilespmem:s26+$0xC150]  }
0x257: {  	[tilespmem:s26+$0x120] =	vst v3;
	v3 =	vadd.f32 v9, v4;
	v4 =	vld [tilespmem:s26+$0x160]  }
0x258: {  	v9 =	vld [tilespmem:s26+$0xC160]  }
0x259: {  	[tilespmem:s26+$0x130] =	vst v3;
	v3 =	vadd.f32 v6, v5;
	v5 =	vld [tilespmem:s26+$0x170]  }
0x25a: {  	v6 =	vld [tilespmem:s26+$0xC170]  }
0x25b: {  	[tilespmem:s26+$0x140] =	vst v3;
	v3 =	vadd.f32 v8, v7;
	v7 =	vld [tilespmem:s26+$0x500]  }
0x25c: {  	v8 =	vld [tilespmem:s26+$0xC500]  }
0x25d: {  	v63 =	vld [tilespmem:s26+$0x5A0]  }
0x25e: {  	[tilespmem:s26+$0x150] =	vst v3;
	v3 =	vadd.f32 v9, v4;
	v4 =	vld [tilespmem:s26+$0x510]  }
0x25f: {  	v9 =	vld [tilespmem:s26+$0xC510]  }
0x260: {  	v11 =	vadd.f32 v12, v11;
	[tilespmem:s26+$0x160] =	vst v3;
	v3 =	vadd.f32 v6, v5;
	v5 =	vld [tilespmem:s26+$0x520]  }
0x261: {  	v6 =	vld [tilespmem:s26+$0xC520];
	v7 =	vadd.f32 v8, v7  }
0x262: {  	[tilespmem:s26+$0x180] =	vst v11;
	v8 =	vld [tilespmem:s26+$0xC1A0]  }
0x263: {  	v11 =	vadd.f32 v14, v13;
	[tilespmem:s26+$0x500] =	vst v7;
	v7 =	vld [tilespmem:s26+$0xC1B0]  }
0x264: {  	[tilespmem:s26+$0x5F0] =	vst v10;
	v10 =	vld [tilespmem:s26+$0xC530];
	v4 =	vadd.f32 v9, v4  }
0x265: {  	[tilespmem:s26+$0x190] =	vst v11;
	v11 =	vld [tilespmem:s26+$0x1D0]  }
0x266: {  	[tilespmem:s26+$0x510] =	vst v4;
	v4 =	vld [tilespmem:s26+$0xC1D0];
	v5 =	vadd.f32 v6, v5  }
0x267: {  	[tilespmem:s26+$0x170] =	vst v3;
	v3 =	vld [tilespmem:s26+$0x530];
	v8 =	vadd.f32 v8, v15  }
0x268: {  	v6 =	vld [tilespmem:s26+$0xC550];
	[tilespmem:s26+$0x520] =	vst v5;
	v7 =	vadd.f32 v7, v55  }
0x269: {  	v5 =	vld [tilespmem:s26+$0xC1F0];
	[tilespmem:s26+$0x1A0] =	vst v8  }
0x26a: {  	v8 =	vld [tilespmem:s26+$0x1E0];
	[tilespmem:s26+$0x1B0] =	vst v7;
	v7 =	vadd.f32 v57, v56  }
0x26b: {  	v4 =	vadd.f32 v4, v11;
	v11 =	vld [tilespmem:s26+$0xC580]  }
0x26c: {  	v3 =	vadd.f32 v10, v3;
	[tilespmem:s26+$0x1C0] =	vst v7;
	v7 =	vld [tilespmem:s26+$0x580]  }
0x26d: {  	v9 =	vld [tilespmem:s26+$0xC540]  }
0x26e: {  	v19 =	vld [tilespmem:s26+$0xC570];
	[tilespmem:s26+$0x530] =	vst v3;
	v6 =	vadd.f32 v6, v58  }
0x26f: {  	[tilespmem:s26+$0x1D0] =	vst v4;
	v4 =	vadd.f32 v59, v8;
	v8 =	vld [tilespmem:s26+$0x590]  }
0x270: {  	v10 =	vld [tilespmem:s26+$0xC560];
	v3 =	vadd.f32 v5, v60;
	[tilespmem:s26+$0x550] =	vst v6  }
0x271: {  	v18 =	vld [tilespmem:s26+$0xC5A0];
	[tilespmem:s26+$0x1E0] =	vst v4;
	v4 =	vadd.f32 v11, v7  }
0x272: {  	v5 =	vld [tilespmem:s26+$0xC5B0];
	[tilespmem:s26+$0x1F0] =	vst v3;
	v7 =	vadd.f32 v9, v16  }
0x273: {  	v3 =	vld [tilespmem:s26+$0x5B0];
	v9 =	vadd.f32 v19, v17;
	[tilespmem:s26+$0x580] =	vst v4  }
0x274: {  	v6 =	vld [tilespmem:s26+$0xC5C0];
	[tilespmem:s26+$0x540] =	vst v7;
	v7 =	vadd.f32 v62, v8  }
0x275: {  	v4 =	vld [tilespmem:s26+$0x5C0];
	v8 =	vadd.f32 v10, v61;
	[tilespmem:s26+$0x570] =	vst v9  }
0x276: {  	v9 =	vadd.f32 v18, v63;
	[tilespmem:s26+$0x590] =	vst v7;
	v7 =	vld [tilespmem:s26+$0x5D0]  }
0x277: {  	s28 =	simm.s32 $0x90;
	s29 =	simm.s32 $0x4900;
	s30 =	simm.s32 $0x9200;
	[tilespmem:s26+$0x560] =	vst v8;
	v8 =	vld [tilespmem:s26+$0xC5D0]  }
.LBB2_8:
0x278: {  	s0 =	sand.u32 $0xF800, s30;
	s2 =	sand.u32 $0x300, s29;
	[tilespmem:s26+$0x5A0] =	vst v9;
	v3 =	vadd.f32 v5, v3;
	v5 =	vld [tilespmem:s26+$0x5E0]  }
0x279: {  	s28 =	sadd.s32 $0x2, s28;
	s0 =	sor.u32 s2, s0;
	v9 =	vld [tilespmem:s26+$0xC5E0]  }
0x27a: {  	p0 =	slt.u32 s28, $0xBE;
	v10 =	vld [tilespmem:s0+$0x5F0];
	[tilespmem:s26+$0x5B0] =	vst v3;
	v3 =	vadd.f32 v6, v4  }
0x27b: {  	v4 =	vld [tilespmem:s0+$0xC5F0]  }
0x27c: {  	v6 =	vld [tilespmem:s0+$0x100];
	[tilespmem:s26+$0x5C0] =	vst v3;
	v3 =	vadd.f32 v8, v7  }
0x27d: {  	v7 =	vld [tilespmem:s0+$0xC100]  }
0x27e: {  	v8 =	vld [tilespmem:s0+$0x110];
	[tilespmem:s26+$0x5D0] =	vst v3;
	v3 =	vadd.f32 v9, v5  }
0x27f: {  	v5 =	vld [tilespmem:s0+$0xC110]  }
0x280: {  	v9 =	vld [tilespmem:s0+$0x120];
	v4 =	vadd.f32 v4, v10;
	[tilespmem:s26+$0x5E0] =	vst v3;
	s26 =	smov.u32 s0  }
0x281: {  	v3 =	vld [tilespmem:s26+$0xC120]  }
0x282: {  	v6 =	vadd.f32 v7, v6;
	v7 =	vld [tilespmem:s26+$0x130];
	[tilespmem:s26+$0x5F0] =	vst v4  }
0x283: {  	v4 =	vld [tilespmem:s26+$0xC130]  }
0x284: {  	[tilespmem:s26+$0x100] =	vst v6;
	v5 =	vadd.f32 v5, v8;
	v6 =	vld [tilespmem:s26+$0x140]  }
0x285: {  	v8 =	vld [tilespmem:s26+$0xC140]  }
0x286: {  	[tilespmem:s26+$0x110] =	vst v5;
	v3 =	vadd.f32 v3, v9;
	v5 =	vld [tilespmem:s26+$0x150]  }
0x287: {  	v9 =	vld [tilespmem:s26+$0xC150]  }
0x288: {  	[tilespmem:s26+$0x120] =	vst v3;
	v3 =	vadd.f32 v4, v7;
	v4 =	vld [tilespmem:s26+$0x160]  }
0x289: {  	v7 =	vld [tilespmem:s26+$0xC160]  }
0x28a: {  	[tilespmem:s26+$0x130] =	vst v3;
	v3 =	vadd.f32 v8, v6;
	v6 =	vld [tilespmem:s26+$0x170]  }
0x28b: {  	v8 =	vld [tilespmem:s26+$0xC170]  }
0x28c: {  	[tilespmem:s26+$0x140] =	vst v3;
	v3 =	vadd.f32 v9, v5;
	v5 =	vld [tilespmem:s26+$0x500]  }
0x28d: {  	v9 =	vld [tilespmem:s26+$0xC500]  }
0x28e: {  	[tilespmem:s26+$0x150] =	vst v3;
	v3 =	vadd.f32 v7, v4;
	v4 =	vld [tilespmem:s26+$0x510]  }
0x28f: {  	v7 =	vld [tilespmem:s26+$0xC510]  }
0x290: {  	[tilespmem:s26+$0x160] =	vst v3;
	v3 =	vadd.f32 v8, v6;
	v6 =	vld [tilespmem:s26+$0x520]  }
0x291: {  	v8 =	vld [tilespmem:s26+$0xC520]  }
0x292: {  	[tilespmem:s26+$0x170] =	vst v3;
	v3 =	vadd.f32 v9, v5;
	v5 =	vld [tilespmem:s26+$0x530]  }
0x293: {  	v9 =	vld [tilespmem:s26+$0xC530]  }
0x294: {  	[tilespmem:s26+$0x500] =	vst v3;
	v3 =	vadd.f32 v7, v4;
	v4 =	vld [tilespmem:s26+$0x540]  }
0x295: {  	v7 =	vld [tilespmem:s26+$0xC540]  }
0x296: {  	[tilespmem:s26+$0x510] =	vst v3;
	v3 =	vadd.f32 v8, v6;
	v6 =	vld [tilespmem:s26+$0x550]  }
0x297: {  	v8 =	vld [tilespmem:s26+$0xC550]  }
0x298: {  	[tilespmem:s26+$0x520] =	vst v3;
	v3 =	vadd.f32 v9, v5;
	v5 =	vld [tilespmem:s26+$0x560]  }
0x299: {  	v9 =	vld [tilespmem:s26+$0xC560]  }
0x29a: {  	[tilespmem:s26+$0x530] =	vst v3;
	v3 =	vadd.f32 v7, v4;
	v4 =	vld [tilespmem:s26+$0x570]  }
0x29b: {  	v7 =	vld [tilespmem:s26+$0xC570]  }
0x29c: {  	[tilespmem:s26+$0x540] =	vst v3;
	v3 =	vadd.f32 v8, v6;
	v6 =	vld [tilespmem:s26+$0x180]  }
0x29d: {  	v8 =	vld [tilespmem:s26+$0xC180]  }
0x29e: {  	[tilespmem:s26+$0x550] =	vst v3;
	v3 =	vadd.f32 v9, v5;
	v5 =	vld [tilespmem:s26+$0x190]  }
0x29f: {  	v9 =	vld [tilespmem:s26+$0xC190]  }
0x2a0: {  	[tilespmem:s26+$0x560] =	vst v3;
	v3 =	vadd.f32 v7, v4;
	v4 =	vld [tilespmem:s26+$0x1A0]  }
0x2a1: {  	v7 =	vld [tilespmem:s26+$0xC1A0]  }
0x2a2: {  	[tilespmem:s26+$0x570] =	vst v3;
	v3 =	vadd.f32 v8, v6;
	v6 =	vld [tilespmem:s26+$0x1B0]  }
0x2a3: {  	v8 =	vld [tilespmem:s26+$0xC1B0]  }
0x2a4: {  	[tilespmem:s26+$0x180] =	vst v3;
	v3 =	vadd.f32 v9, v5;
	v5 =	vld [tilespmem:s26+$0x1C0]  }
0x2a5: {  	v9 =	vld [tilespmem:s26+$0xC1C0]  }
0x2a6: {  	[tilespmem:s26+$0x190] =	vst v3;
	v3 =	vadd.f32 v7, v4;
	v4 =	vld [tilespmem:s26+$0x1D0]  }
0x2a7: {  	v7 =	vld [tilespmem:s26+$0xC1D0]  }
0x2a8: {  	[tilespmem:s26+$0x1A0] =	vst v3;
	v3 =	vadd.f32 v8, v6;
	v6 =	vld [tilespmem:s26+$0x1E0]  }
0x2a9: {  	v8 =	vld [tilespmem:s26+$0xC1E0]  }
0x2aa: {  	[tilespmem:s26+$0x1B0] =	vst v3;
	v3 =	vadd.f32 v9, v5;
	v5 =	vld [tilespmem:s26+$0x1F0]  }
0x2ab: {  	v9 =	vld [tilespmem:s26+$0xC1F0]  }
0x2ac: {  	[tilespmem:s26+$0x1C0] =	vst v3;
	v3 =	vadd.f32 v7, v4;
	v4 =	vld [tilespmem:s26+$0x580]  }
0x2ad: {  	v7 =	vld [tilespmem:s26+$0xC580]  }
0x2ae: {  	[tilespmem:s26+$0x1D0] =	vst v3;
	v3 =	vadd.f32 v8, v6;
	v6 =	vld [tilespmem:s26+$0x590]  }
0x2af: {  	v8 =	vld [tilespmem:s26+$0xC590]  }
0x2b0: {  	[tilespmem:s26+$0x1E0] =	vst v3;
	v3 =	vadd.f32 v9, v5;
	v9 =	vld [tilespmem:s26+$0x5A0]  }
0x2b1: {  	v10 =	vld [tilespmem:s26+$0xC5A0]  }
0x2b2: {  	[tilespmem:s26+$0x1F0] =	vst v3;
	v4 =	vadd.f32 v7, v4;
	v3 =	vld [tilespmem:s26+$0x5B0]  }
.Ltmp3:
0x2b3: {  	v5 =	vld [tilespmem:s26+$0xC5B0];
	(pc) =	sbr.rel @p0 .LBB2_8-.Ltmp3, $4  }
0x2b4: {  	[tilespmem:s26+$0x580] =	vst v4;
	v7 =	vadd.f32 v8, v6;
	v4 =	vld [tilespmem:s26+$0x5C0]  }
0x2b5: {  	v6 =	vld [tilespmem:s26+$0xC5C0]  }
0x2b6: {  	[tilespmem:s26+$0x590] =	vst v7;
	v9 =	vadd.f32 v10, v9;
	v7 =	vld [tilespmem:s26+$0x5D0]  }
0x2b7: {  	s29 =	sadd.s32 $0x100, s29;
	s30 =	sadd.s32 $0x200, s30;
	v8 =	vld [tilespmem:s26+$0xC5D0]  }
0x2b8: {  	v62 =	vld [tilespmem:s26+$0x5E0]  }
0x2b9: {  	v10 =	vld [tilespmem:s26+$0xC5E0];
	_ =	sdelay $0x1  }
0x2ba: {  	v3 =	vadd.f32 v5, v3  }
0x2bb: {  	[tilespmem:s26+$0x5A0] =	vst v9;
	v4 =	vadd.f32 v6, v4  }
0x2bc: {  	[tilespmem:s26+$0x5B0] =	vst v3;
	v3 =	vadd.f32 v8, v7  }
0x2bd: {  	[tilespmem:s26+$0x5C0] =	vst v4;
	v63 =	vadd.f32 v10, v62  }
0x2be: {  	[tilespmem:s26+$0x5D0] =	vst v3  }
0x2bf: {  	[tilespmem:s26+$0x5E0] =	vst v63  }
0x2c0: {  	[hbm4b:s9+s3] =	stream.linear.scatter [tilespmem:s31], [sflag:$0x6], $0x3000, $0x38;
	[tilespmem:$0x18100] =	vst v63  }
0x2c1: {  	_ =	swait.ge [sflag:s23], $0x3000  }
0x2c2: {  	[sflag:s23] =	ssyncset.done $0x0  }
0x2c3: {  	[sflag:s23] =	ssyncadd.s32 $0xFFFFD000  }
0x2c4: {  	_ =	swait.ge [sflag:s23], $0x3000  }
0x2c5: {  	[sflag:s23] =	ssyncset.done $0x0  }
0x2c6: {  	s25 =	sadd.s32 $0x1, s25;
	[sflag:s23] =	ssyncadd.s32 $0xFFFFD000  }
0x2c7: {  	p0 =	sne.s32 s25, s10;
	_ =	swait.ge [sflag:s23], $0x3000  }
.Ltmp4:
0x2c8: {  	[sflag:s23] =	ssyncset.done $0x0;
	(pc) =	sbr.rel @p0 .LBB2_1-.Ltmp4, $4  }
0x2c9: {  	[sflag:s23] =	ssyncadd.s32 $0xFFFFD000  }
0x2ca: {  	_ =	swait.ge [sflag:s23], $0x3000  }
0x2cb: {  	[sflag:s23] =	ssyncset.done $0x0  }
0x2cc: {  	[sflag:s23] =	ssyncadd.s32 $0xFFFFD000  }
0x2cd: {  	_ =	sfence.sel $0x180000  }
0x2ce: {  	[bflag:$0x0] =	sbarrier.arrive $0xFFFF  }
0x2cf: {  	_ =	strace $0x90000047  }
0x2d0: {  	s0 =	stileid.u32;
	[bflag:$0x2] =	sbarrier.arrive $0xFFFF  }
0x2d1: {  	p0 =	sne.s32 s0, $0x0;
	s0 =	rddreg [dreg:$0x3]  }
0x2d2: {  	s0 =	sadd.s32 @!p0 $0x100000, s0  }
0x2d3: {  	[sflag:s0] =	ssyncadd.tile.s32 @!p0 $0x1;
	_ =	shalt  }
.Lfunc_end2:
_tile_overlayer_lowered:
.L_overlay_start_2:
0x2d4: {  	(tag) =	ssettag $0x2  }
0x2d5: {  	s0 =	rddreg [dreg:$0x0];
	s2 =	stileid.u32  }
0x2d6: {  	s1 =	rddreg [dreg:$0x1];
	p0 =	sne.s32 s2, $0x0  }
0x2d7: {  	s3 =	rddreg [dreg:$0x2];
	[bflag:$0x3] =	sbarrier.arrive $0xFFFF;
	s2 =	simm.s32 @!p0 $0x1C07  }
0x2d8: {  	[timem:s3], [sflag:s2] =	dma.local @!p0 [hbm:s0], s1  }
0x2d9: {  	s0 =	simm.s32 @!p0 $0x7  }
0x2da: {  	_ =	swait.ge @!p0 [sflag:s0], s1  }
0x2db: {  	s1 =	ssub.s32 @!p0 $0x0, s1;
	[sflag:s0] =	ssyncset.done @!p0 $0x0  }
0x2dc: {  	[sflag:s0] =	ssyncadd.s32 @!p0 s1  }
0x2dd: {  	[bflag:$0x3] =	sbarrier.arrive $0xFFFF  }
0x2de: {  	_ =	shalt  }

</sc_bundles>
